<compile_context>
chip_gen: v7x
topology: tpu7x:2x2x1
jax: 0.10.2.dev20260603
libtpu: 0.0.44.dev20260713+nightly
codegen_flags: <defaults>
</compile_context>

<pallas_src>
import functools

import jax
import jax.numpy as jnp
from jax import lax
from jax.experimental import pallas as pl
from jax.experimental.pallas import tpu as pltpu
from jax.experimental.pallas import tpu_sc as plsc

N = 10000
E = 160000
EH = E // 2
NODE_IN = 256
LEAK = 0.1

NUM_CORES = 2
NUM_SUBCORES = 16
NUM_WORKERS = NUM_CORES * NUM_SUBCORES
PAD_W = 64
BLK2 = 3200

SLICES = ((0, 25600, 800), (25600, 25600, 800), (51200, 28800, 600))


def _dot(a, b):
    return lax.dot_general(a, b, (((1,), (0,)), ((), ())),
                           preferred_element_type=jnp.float32)


def _leaky(h):
    return jnp.where(h >= 0, h, LEAK * h)



def _node_mm_body(x_ref, w1x_ref, b10_ref, w2x_ref, xw1_ref, xw2_ref):
    xb = x_ref[...]
    xw1_ref[...] = _dot(xb, w1x_ref[...]) + b10_ref[...]
    xw2_ref[...] = _dot(xb, w2x_ref[...])


def _node_matmuls(x, w1x, b10, w2x):
    blk = 1000
    grid = (N // blk,)
    full = lambda shape: pl.BlockSpec(shape, lambda i: (0,) * len(shape))
    return pl.pallas_call(
        _node_mm_body,
        grid=grid,
        in_specs=[
            pl.BlockSpec((blk, NODE_IN), lambda i: (i, 0)),
            full((NODE_IN, 64)),
            full((1, 64)),
            full((NODE_IN, 64)),
        ],
        out_specs=[
            pl.BlockSpec((blk, 64), lambda i: (i, 0)),
            pl.BlockSpec((blk, 64), lambda i: (i, 0)),
        ],
        out_shape=[
            jax.ShapeDtypeStruct((N, 64), jnp.float32),
            jax.ShapeDtypeStruct((N, 64), jnp.float32),
        ],
    )(x, w1x, b10.reshape(1, 64), w2x)



def _sc_gather(table, ei, r0, nrows, ch):
    npw = nrows // NUM_SUBCORES
    mesh = plsc.VectorSubcoreMesh(core_axis_name="c", subcore_axis_name="s")

    @functools.partial(
        pl.kernel,
        out_type=jax.ShapeDtypeStruct((nrows, 128), jnp.float32),
        mesh=mesh,
        scratch_types=[
            pltpu.VMEM((ch,), jnp.int32),
            pltpu.VMEM((ch, 64), jnp.float32),
            pltpu.SemaphoreType.DMA,
        ],
        compiler_params=pltpu.CompilerParams(use_tc_tiling_on_sc=False),
    )
    def k(table_hbm, idx_hbm, out_hbm, idx_v, rows_v, sem):
        wid = lax.axis_index("s") * NUM_CORES + lax.axis_index("c")
        half = wid // NUM_SUBCORES
        w16 = wid % NUM_SUBCORES

        def body(j, carry):
            r = w16 * npw + j * ch
            off = half * EH + r0 + r
            pltpu.sync_copy(idx_hbm.at[0, pl.ds(off, ch)], idx_v)
            pltpu.async_copy(table_hbm.at[idx_v], rows_v, sem).wait()

            @pl.when(half == 0)
            def _():
                pltpu.sync_copy(rows_v, out_hbm.at[pl.ds(r, ch), pl.ds(0, 64)])

            @pl.when(half == 1)
            def _():
                pltpu.sync_copy(rows_v, out_hbm.at[pl.ds(r, ch), pl.ds(64, 64)])

            return carry

        lax.fori_loop(0, npw // ch, body, 0)

    return k(table, ei)



def _edge_mlp_body(g2_ref, eatl_ref, eath_ref, w1e_ref, w11_ref, b11_ref,
                   w12_ref, b12_ref, w13_ref, b13_ref, w14p_ref, b14p_ref,
                   out_ref):
    cdims = (((0,), (0,)), ((), ()))
    u_lo = lax.dot_general(eatl_ref[...], w1e_ref[...], cdims,
                           preferred_element_type=jnp.float32)
    u_hi = lax.dot_general(eath_ref[...], w1e_ref[...], cdims,
                           preferred_element_type=jnp.float32)
    u = jnp.concatenate([u_lo, u_hi], axis=1)
    h = _leaky(g2_ref[...] + u)
    h = _leaky(_dot(h, w11_ref[...]) + b11_ref[...])
    h = _leaky(_dot(h, w12_ref[...]) + b12_ref[...])
    h = _leaky(_dot(h, w13_ref[...]) + b13_ref[...])
    out_ref[...] = _dot(h, w14p_ref[...]) + b14p_ref[...]


def _edge_mlp(g2, eat, weights, r0, nrows):
    rb = r0 // BLK2
    nb = nrows // BLK2
    nbh = EH // BLK2
    w1e, w11, b11, w12, b12, w13, b13, w14p, b14p = weights
    full = lambda shape: pl.BlockSpec(shape, lambda i: (0,) * len(shape))
    return pl.pallas_call(
        _edge_mlp_body,
        grid=(nb,),
        in_specs=[
            pl.BlockSpec((BLK2, 128), lambda i: (i, 0)),
            pl.BlockSpec((16, BLK2), lambda i: (0, i + rb)),
            pl.BlockSpec((16, BLK2), lambda i: (0, i + rb + nbh)),
            full((16, 64)),
            full((128, 64)), full((1, 64)),
            full((64, 32)), full((1, 32)),
            full((32, 16)), full((1, 16)),
            full((16, 128)), full((1, 128)),
        ],
        out_specs=pl.BlockSpec((BLK2, 128), lambda i: (i, 0)),
        out_shape=jax.ShapeDtypeStruct((nrows, 128), jnp.float32),
    )(g2, eat, eat, w1e, w11, b11.reshape(1, -1), w12, b12.reshape(1, -1),
      w13, b13.reshape(1, -1), w14p, b14p.reshape(1, -1))



def _sc_scatter(vals, ei, zeros, r0, nrows, ch):
    npw = nrows // NUM_SUBCORES
    mesh = plsc.VectorSubcoreMesh(core_axis_name="c", subcore_axis_name="s")

    @functools.partial(
        pl.kernel,
        out_type=jax.ShapeDtypeStruct((NUM_CORES, N // 2, 128), jnp.float32),
        mesh=mesh,
        scratch_types=[
            pltpu.VMEM((ch,), jnp.int32),
            pltpu.VMEM((ch, PAD_W), jnp.float32),
            pltpu.VMEM_SHARED((N, PAD_W), jnp.float32),
        ],
        compiler_params=pltpu.CompilerParams(use_tc_tiling_on_sc=False),
    )
    def k(vals_hbm, ei_hbm, zeros_hbm, out_hbm, idx_v, vals_v, accum_sh):
        c = lax.axis_index("c")
        s = lax.axis_index("s")

        @pl.when(s == 0)
        def _():
            pltpu.sync_copy(zeros_hbm, accum_sh)

        plsc.subcore_barrier()

        wid = s * NUM_CORES + c
        half = wid // NUM_SUBCORES
        w16 = wid % NUM_SUBCORES

        def body(j, carry):
            r = w16 * npw + j * ch
            off = half * EH + r0 + r
            pltpu.sync_copy(ei_hbm.at[1, pl.ds(off, ch)], idx_v)

            @pl.when(half == 0)
            def _():
                pltpu.sync_copy(vals_hbm.at[pl.ds(r, ch), pl.ds(0, PAD_W)],
                                vals_v)

            @pl.when(half == 1)
            def _():
                pltpu.sync_copy(vals_hbm.at[pl.ds(r, ch), pl.ds(PAD_W, PAD_W)],
                                vals_v)

            pltpu.sync_copy(vals_v, accum_sh.at[idx_v], add=True)
            return carry

        lax.fori_loop(0, npw // ch, body, 0)

        plsc.subcore_barrier()

        @pl.when(s == 0)
        def _():
            pltpu.sync_copy(accum_sh.at[pl.ds(0, N // 2)],
                            out_hbm.at[c, :, pl.ds(0, 64)])

        @pl.when(s == 1)
        def _():
            pltpu.sync_copy(accum_sh.at[pl.ds(N // 2, N // 2)],
                            out_hbm.at[c, :, pl.ds(64, 64)])

    return k(vals, ei, zeros)



def _node2_body(*refs):
    np_ = 2 * len(SLICES)
    xw2l_ref, xw2h_ref = refs[0], refs[1]
    p_refs = refs[2:2 + np_]
    (w2m_ref, b20_ref, w21_ref, b21_ref, w22_ref, b22_ref, w23_ref, b23_ref,
     w24_ref, b24_ref, out_ref) = refs[2 + np_:]
    acc = p_refs[0][0]
    for pr in p_refs[1:]:
        acc = acc + pr[0]
    cdims = (((1,), (0,)), ((), ()))
    mean_l = acc[:, 0:2] / jnp.maximum(acc[:, 2:3], 1.0)
    mean_h = acc[:, 64:66] / jnp.maximum(acc[:, 66:67], 1.0)
    w2m = w2m_ref[...]
    u = jnp.concatenate(
        [lax.dot_general(mean_l, w2m, cdims, preferred_element_type=jnp.float32),
         lax.dot_general(mean_h, w2m, cdims, preferred_element_type=jnp.float32)],
        axis=1)
    xw2 = jnp.concatenate([xw2l_ref[...], xw2h_ref[...]], axis=1)
    h = _leaky(xw2 + u + b20_ref[...])
    h = _leaky(_dot(h, w21_ref[...]) + b21_ref[...])
    h = _leaky(_dot(h, w22_ref[...]) + b22_ref[...])
    h = _leaky(_dot(h, w23_ref[...]) + b23_ref[...])
    out_ref[...] = _dot(h, w24_ref[...]) + b24_ref[...]


def _node_mlp2(xw2, ps, w2m, b20, w21, b21, w22, b22, w23, b23, w24, b24):
    blk = 1000
    n2 = N // 2
    grid = (n2 // blk,)
    full = lambda shape: pl.BlockSpec(shape, lambda i: (0,) * len(shape))
    return pl.pallas_call(
        _node2_body,
        grid=grid,
        in_specs=[
            pl.BlockSpec((blk, 64), lambda i: (i, 0)),
            pl.BlockSpec((blk, 64), lambda i: (i + n2 // blk, 0)),
        ] + [
            pl.BlockSpec((1, blk, 128), lambda i, c=c: (c, i, 0))
            for _ in range(len(SLICES)) for c in range(NUM_CORES)
        ] + [
            full((2, 64)), full((1, 128)),
            full((128, 64)), full((1, 64)),
            full((64, 32)), full((1, 32)),
            full((32, 16)), full((1, 16)),
            full((16, 4)), full((1, 4)),
        ],
        out_specs=pl.BlockSpec((blk, 4), lambda i: (i, 0)),
        out_shape=jax.ShapeDtypeStruct((n2, 4), jnp.float32),
    )(xw2, xw2, *[a for a in ps for _ in range(NUM_CORES)][::1],
      w2m, b20.reshape(1, -1), w21, b21.reshape(1, -1),
      w22, b22.reshape(1, -1), w23, b23.reshape(1, -1), w24, b24.reshape(1, -1))



def kernel(x, edge_index, edge_attr, u, batch,
           mlp1_W0, mlp1_b0, mlp1_W1, mlp1_b1, mlp1_W2, mlp1_b2,
           mlp1_W3, mlp1_b3, mlp1_W4, mlp1_b4,
           mlp2_W0, mlp2_b0, mlp2_W1, mlp2_b1, mlp2_W2, mlp2_b2,
           mlp2_W3, mlp2_b3, mlp2_W4, mlp2_b4):
    w1x = mlp1_W0[:NODE_IN]
    w1e = mlp1_W0[NODE_IN:]
    w2x = mlp2_W0[:NODE_IN]
    w2m = mlp2_W0[NODE_IN:]

    w14p = jnp.zeros((8, PAD_W), jnp.float32).at[:, 0:2].set(mlp1_W4)
    b14p = jnp.zeros((PAD_W,), jnp.float32).at[0:2].set(mlp1_b4).at[2].set(1.0)

    def blockdiag2(w):
        k, m = w.shape
        z = jnp.zeros((k, m), jnp.float32)
        return jnp.concatenate(
            [jnp.concatenate([w, z], axis=1), jnp.concatenate([z, w], axis=1)],
            axis=0)

    weights = (w1e,
               blockdiag2(mlp1_W1), jnp.tile(mlp1_b1, 2),
               blockdiag2(mlp1_W2), jnp.tile(mlp1_b2, 2),
               blockdiag2(mlp1_W3), jnp.tile(mlp1_b3, 2),
               blockdiag2(w14p), jnp.tile(b14p, 2))

    xw1, xw2 = _node_matmuls(x, w1x, mlp1_b0, w2x)
    eat = edge_attr.T
    zeros = jnp.zeros((N, PAD_W), jnp.float32)

    partials = []
    for (r0, nrows, ch) in SLICES:
        g2 = _sc_gather(xw1, edge_index, r0, nrows, ch)
        vals = _edge_mlp(g2, eat, weights, r0, nrows)
        partials.append(_sc_scatter(vals, edge_index, zeros, r0, nrows, ch))

    op = _node_mlp2(xw2, partials, w2m, jnp.tile(mlp2_b0, 2),
                    blockdiag2(mlp2_W1), jnp.tile(mlp2_b1, 2),
                    blockdiag2(mlp2_W2), jnp.tile(mlp2_b2, 2),
                    blockdiag2(mlp2_W3), jnp.tile(mlp2_b3, 2),
                    blockdiag2(mlp2_W4), jnp.tile(mlp2_b4, 2))
    return jnp.concatenate([op[:, 0:2], op[:, 2:4]], axis=0)

# --- scband reference (transcript-rebuilt; emitter-appended) ---
"""Pipeline reference for scband-node-model-927712936374 (READ-ONLY COPY).

The authoritative reference and input builder live on the scoring server;
editing this copy changes nothing except your own understanding.
"""

import jax, jax.numpy as jnp
import numpy as np

N = 10000
E = 160000
NODE_IN = 256
EDGE_IN = 16
LEAK = 0.1
DIMS1 = [NODE_IN + EDGE_IN, 64, 32, 16, 8, 2]
DIMS2 = [NODE_IN + 2, 64, 32, 16, 8, 2]


def _init_params(key):
    params = {}
    k = key
    for name, dims in (("mlp1", DIMS1), ("mlp2", DIMS2)):
        for i in range(len(dims) - 1):
            k, k1, k2 = jax.random.split(k, 3)
            params[f"{name}_W{i}"] = jax.random.normal(k1, (dims[i], dims[i + 1]), dtype=jnp.float32) * (1.0 / np.sqrt(dims[i]))
            params[f"{name}_b{i}"] = jax.random.normal(k2, (dims[i + 1],), dtype=jnp.float32) * 0.01
    return params


def setup_inputs(seed: int = 0):
    key = jax.random.key(seed)
    k0, k1, k2, k3, kp = jax.random.split(key, 5)
    inp = {
        "x": jax.random.normal(k0, (N, NODE_IN), dtype=jnp.float32),
        "edge_index": jax.random.randint(k1, (2, E), 0, N, dtype=jnp.int32),
        "edge_attr": jax.random.normal(k2, (E, EDGE_IN), dtype=jnp.float32),
        "u": jax.random.normal(k3, (1, 4), dtype=jnp.float32),
        "batch": jnp.zeros((N,), dtype=jnp.int32),
    }
    inp.update(_init_params(kp))
    return inp


def _mlp(h, Ws, bs):
    n = len(Ws)
    for i in range(n):
        h = h @ Ws[i] + bs[i]
        if i < n - 1:
            h = jax.nn.leaky_relu(h, LEAK)
    return h


def reference(x, edge_index, edge_attr, u, batch,
              mlp1_W0, mlp1_b0, mlp1_W1, mlp1_b1, mlp1_W2, mlp1_b2, mlp1_W3, mlp1_b3, mlp1_W4, mlp1_b4,
              mlp2_W0, mlp2_b0, mlp2_W1, mlp2_b1, mlp2_W2, mlp2_b2, mlp2_W3, mlp2_b3, mlp2_W4, mlp2_b4):
    # u and batch are unused by this module's forward (kept for signature parity)
    row, col = edge_index[0], edge_index[1]
    out = jnp.concatenate([x[row], edge_attr], axis=1)
    out = _mlp(out,
               [mlp1_W0, mlp1_W1, mlp1_W2, mlp1_W3, mlp1_W4],
               [mlp1_b0, mlp1_b1, mlp1_b2, mlp1_b3, mlp1_b4])
    # scatter_mean(out, col, dim=0, dim_size=N): segment sum / clamped counts
    sums = jax.ops.segment_sum(out, col, num_segments=x.shape[0])
    cnt = jax.ops.segment_sum(jnp.ones((col.shape[0], 1), dtype=out.dtype), col, num_segments=x.shape[0])
    mean = sums / jnp.maximum(cnt, 1.0)
    out = jnp.concatenate([x, mean], axis=1)
    return _mlp(out,
                [mlp2_W0, mlp2_W1, mlp2_W2, mlp2_W3, mlp2_W4],
                [mlp2_b0, mlp2_b1, mlp2_b2, mlp2_b3, mlp2_b4])

if __name__ == "__main__":
    import jax
    _d = setup_inputs()
    print(jax.jit(kernel)(*tuple(_d.values())))

</pallas_src>

<mosaic_0001>
#map = affine_map<(d0, d1) -> (0, 0)>
module attributes {stable_mosaic.version = 14 : i64} {
  func.func @k(%arg0: i32, %arg1: i32, %arg2: memref<10000x64xf32, #tpu.memory_space<hbm>>, %arg3: memref<2x160000xi32, #tpu.memory_space<hbm>>, %arg4: memref<28800x128xf32, #tpu.memory_space<hbm>>, %arg5: memref<600xi32, #tpu.memory_space<vmem>>, %arg6: memref<600x64xf32, #tpu.memory_space<vmem>>, %arg7: memref<!tpu.dma_semaphore, #tpu.memory_space<semaphore_mem>>) attributes {dimension_semantics = [#tpu.dimension_semantics<core_parallel>, #tpu.dimension_semantics<subcore_parallel>], iteration_bounds = array<i64: 2, 16>, scalar_prefetch = 0 : i64, scratch_operands = 3 : i64, tpu.core_type = #tpu.core_type<sc_vector_subcore>, window_params = [{transform_indices = #map}, {transform_indices = #map}, {transform_indices = #map}]} {
    %mul3A = arith.constant 2 : i32
    %mul3A_0 = arith.muli %arg1, %mul3A : i32
    %add3A = arith.addi %mul3A_0, %arg0 : i32
    %jit3A = arith.constant 16 : i32
    %div3A = arith.divsi %add3A, %jit3A : i32
    %sign3A = arith.constant 0 : i32
    %sign3A_1 = arith.cmpi sgt, %add3A, %sign3A : i32
    %sign3A_2 = arith.extui %sign3A_1 : i1 to i32
    %sign3A_3 = arith.constant 0 : i32
    %sign3A_4 = arith.cmpi slt, %add3A, %sign3A_3 : i32
    %sign3A_5 = arith.extui %sign3A_4 : i1 to i32
    %sign3A_6 = arith.subi %sign3A_2, %sign3A_5 : i32
    %sign3A_7 = arith.constant 0 : i32
    %sign3A_8 = arith.cmpi sgt, %jit3A, %sign3A_7 : i32
    %sign3A_9 = arith.extui %sign3A_8 : i1 to i32
    %sign3A_10 = arith.constant 0 : i32
    %sign3A_11 = arith.cmpi slt, %jit3A, %sign3A_10 : i32
    %sign3A_12 = arith.extui %sign3A_11 : i1 to i32
    %sign3A_13 = arith.subi %sign3A_9, %sign3A_12 : i32
    %ne3A = arith.cmpi ne, %sign3A_6, %sign3A_13 : i32
    %rem3A = arith.remsi %add3A, %jit3A : i32
    %ne3A_14 = arith.constant 0 : i32
    %ne3A_15 = arith.cmpi ne, %rem3A, %ne3A_14 : i32
    %and3A = arith.andi %ne3A, %ne3A_15 : i1
    %sub3A = arith.constant 1 : i32
    %sub3A_16 = arith.subi %div3A, %sub3A : i32
    %select_n3A = arith.select %and3A, %sub3A_16, %div3A : i32
    %jit3A_17 = arith.constant 16 : i32
    %eq3A = arith.constant 0 : i32
    %eq3A_18 = arith.cmpi eq, %jit3A_17, %eq3A : i32
    %jit3A_19 = arith.constant 1 : i32
    %select_n3A_20 = arith.select %eq3A_18, %jit3A_19, %jit3A_17 : i32
    %rem3A_21 = arith.remsi %add3A, %select_n3A_20 : i32
    %ne3A_22 = arith.constant 0 : i32
    %ne3A_23 = arith.cmpi ne, %rem3A_21, %ne3A_22 : i32
    %lt3A = arith.constant 0 : i32
    %lt3A_24 = arith.cmpi slt, %rem3A_21, %lt3A : i32
    %lt3A_25 = arith.constant 0 : i32
    %lt3A_26 = arith.cmpi slt, %select_n3A_20, %lt3A_25 : i32
    %ne3A_27 = arith.xori %lt3A_24, %lt3A_26 : i1
    %and3A_28 = arith.andi %ne3A_27, %ne3A_23 : i1
    %add3A_29 = arith.addi %rem3A_21, %select_n3A_20 : i32
    %select_n3A_30 = arith.select %and3A_28, %add3A_29, %rem3A_21 : i32
    %scan3A = arith.constant 0 : i32
    %scan3A_31 = arith.constant 0 : i32
    %scan3A_32 = arith.constant 3 : i32
    %scan3A_33 = arith.addi %scan3A_31, %scan3A_32 : i32
    %scan3A_34 = arith.constant 1 : i32
    scf.for %scan3A_36 = %scan3A_31 to %scan3A_33 step %scan3A_34  : i32 {
      %mul3A_37 = arith.constant 1800 : i32
      %mul3A_38 = arith.muli %select_n3A_30, %mul3A_37 : i32
      %mul3A_39 = arith.constant 600 : i32
      %mul3A_40 = arith.muli %scan3A_36, %mul3A_39 : i32
      %add3A_41 = arith.addi %mul3A_38, %mul3A_40 : i32
      %mul3A_42 = arith.constant 80000 : i32
      %mul3A_43 = arith.muli %select_n3A, %mul3A_42 : i32
      %add3A_44 = arith.constant 51200 : i32
      %add3A_45 = arith.addi %mul3A_43, %add3A_44 : i32
      %add3A_46 = arith.addi %add3A_45, %add3A_41 : i32
      %run_scoped3A = arith.constant 0 : i32
      "tpu.region"() ({
        %run_scoped3A_59 = tpu.sem_alloc : memref<!tpu.dma_semaphore, #tpu.memory_space<semaphore_mem>>
        %dma_start3A_60 = tpu.memref_slice %arg3[%run_scoped3A, %add3A_46] : memref<2x160000xi32, #tpu.memory_space<hbm>> -> memref<1x600xi32, #tpu.memory_space<hbm>>
        %dma_start3A_61 = tpu.memref_squeeze %dma_start3A_60 : memref<1x600xi32, #tpu.memory_space<hbm>> -> memref<600xi32, #tpu.memory_space<hbm>>
        %dma_start3A_62 = tpu.memref_slice %arg3[%run_scoped3A, %add3A_46] : memref<2x160000xi32, #tpu.memory_space<hbm>> -> memref<1x600xi32, #tpu.memory_space<hbm>>
        %dma_start3A_63 = tpu.memref_squeeze %dma_start3A_62 : memref<1x600xi32, #tpu.memory_space<hbm>> -> memref<600xi32, #tpu.memory_space<hbm>>
        tpu.enqueue_dma source(%dma_start3A_63 : memref<600xi32, #tpu.memory_space<hbm>>) target(%arg5 : memref<600xi32, #tpu.memory_space<vmem>>) target_semaphore(%run_scoped3A_59 : memref<!tpu.dma_semaphore, #tpu.memory_space<semaphore_mem>>)
        %dma_wait3A_64 = tpu.memref_slice %arg3[%run_scoped3A, %add3A_46] : memref<2x160000xi32, #tpu.memory_space<hbm>> -> memref<1x600xi32, #tpu.memory_space<hbm>>
        %dma_wait3A_65 = tpu.memref_squeeze %dma_wait3A_64 : memref<1x600xi32, #tpu.memory_space<hbm>> -> memref<600xi32, #tpu.memory_space<hbm>>
        %dma_wait3A_66 = tpu.memref_slice %arg3[%run_scoped3A, %add3A_46] : memref<2x160000xi32, #tpu.memory_space<hbm>> -> memref<1x600xi32, #tpu.memory_space<hbm>>
        %dma_wait3A_67 = tpu.memref_squeeze %dma_wait3A_66 : memref<1x600xi32, #tpu.memory_space<hbm>> -> memref<600xi32, #tpu.memory_space<hbm>>
        tpu.wait_dma2 semaphore(%run_scoped3A_59 : memref<!tpu.dma_semaphore, #tpu.memory_space<semaphore_mem>>) src(%dma_wait3A_67 : memref<600xi32, #tpu.memory_space<hbm>>) dst(%arg5 : memref<600xi32, #tpu.memory_space<vmem>>)
        tpu.yield
      }) : () -> ()
      %dma_start3A = arith.constant 0 : i32
      %dma_start3A_47 = arith.constant 0 : i32
      %dma_start3A_48 = tpu.memref_slice %arg2[%dma_start3A, %dma_start3A_47] : memref<10000x64xf32, #tpu.memory_space<hbm>> -> memref<10000x64xf32, #tpu.memory_space<hbm>>
      tpu.enqueue_indirect_dma source(%dma_start3A_48 : memref<10000x64xf32, #tpu.memory_space<hbm>>) target(%arg6 : memref<600x64xf32, #tpu.memory_space<vmem>>) offsets(%arg5 : memref<600xi32, #tpu.memory_space<vmem>>) semaphore(%arg7 : memref<!tpu.dma_semaphore, #tpu.memory_space<semaphore_mem>>)
      %dma_wait3A = arith.constant 0 : i32
      %dma_wait3A_49 = arith.constant 0 : i32
      %dma_wait3A_50 = tpu.memref_slice %arg2[%dma_wait3A, %dma_wait3A_49] : memref<10000x64xf32, #tpu.memory_space<hbm>> -> memref<10000x64xf32, #tpu.memory_space<hbm>>
      tpu.wait_indirect_dma semaphore(%arg7 : memref<!tpu.dma_semaphore, #tpu.memory_space<semaphore_mem>>) src(%dma_wait3A_50 : memref<10000x64xf32, #tpu.memory_space<hbm>>) dst(%arg6 : memref<600x64xf32, #tpu.memory_space<vmem>>)
      %eq3A_51 = arith.constant 0 : i32
      %eq3A_52 = arith.cmpi eq, %select_n3A, %eq3A_51 : i32
      %convert_element_type3A = arith.extui %eq3A_52 : i1 to i32
      %cond3A = arith.constant 0 : i32
      %cond3A_53 = arith.cmpi ne, %convert_element_type3A, %cond3A : i32
      scf.if %cond3A_53 {
        "tpu.region"() ({
          %run_scoped3A_59 = tpu.sem_alloc : memref<!tpu.dma_semaphore, #tpu.memory_space<semaphore_mem>>
          %dma_start3A_60 = arith.constant 0 : i32
          %dma_start3A_61 = tpu.memref_slice %arg4[%add3A_41, %dma_start3A_60] : memref<28800x128xf32, #tpu.memory_space<hbm>> -> memref<600x64xf32, #tpu.memory_space<hbm>>
          %dma_start3A_62 = arith.constant 0 : i32
          %dma_start3A_63 = tpu.memref_slice %arg4[%add3A_41, %dma_start3A_62] : memref<28800x128xf32, #tpu.memory_space<hbm>> -> memref<600x64xf32, #tpu.memory_space<hbm>>
          tpu.enqueue_dma source(%arg6 : memref<600x64xf32, #tpu.memory_space<vmem>>) target(%dma_start3A_63 : memref<600x64xf32, #tpu.memory_space<hbm>>) target_semaphore(%run_scoped3A_59 : memref<!tpu.dma_semaphore, #tpu.memory_space<semaphore_mem>>)
          %dma_wait3A_64 = arith.constant 0 : i32
          %dma_wait3A_65 = tpu.memref_slice %arg4[%add3A_41, %dma_wait3A_64] : memref<28800x128xf32, #tpu.memory_space<hbm>> -> memref<600x64xf32, #tpu.memory_space<hbm>>
          %dma_wait3A_66 = arith.constant 0 : i32
          %dma_wait3A_67 = tpu.memref_slice %arg4[%add3A_41, %dma_wait3A_66] : memref<28800x128xf32, #tpu.memory_space<hbm>> -> memref<600x64xf32, #tpu.memory_space<hbm>>
          tpu.wait_dma2 semaphore(%run_scoped3A_59 : memref<!tpu.dma_semaphore, #tpu.memory_space<semaphore_mem>>) src(%arg6 : memref<600x64xf32, #tpu.memory_space<vmem>>) dst(%dma_wait3A_67 : memref<600x64xf32, #tpu.memory_space<hbm>>)
          tpu.yield
        }) : () -> ()
      } else {
      }
      %eq3A_54 = arith.constant 1 : i32
      %eq3A_55 = arith.cmpi eq, %select_n3A, %eq3A_54 : i32
      %convert_element_type3A_56 = arith.extui %eq3A_55 : i1 to i32
      %cond3A_57 = arith.constant 0 : i32
      %cond3A_58 = arith.cmpi ne, %convert_element_type3A_56, %cond3A_57 : i32
      scf.if %cond3A_58 {
        "tpu.region"() ({
          %run_scoped3A_59 = tpu.sem_alloc : memref<!tpu.dma_semaphore, #tpu.memory_space<semaphore_mem>>
          %dma_start3A_60 = arith.constant 64 : i32
          %dma_start3A_61 = tpu.memref_slice %arg4[%add3A_41, %dma_start3A_60] : memref<28800x128xf32, #tpu.memory_space<hbm>> -> memref<600x64xf32, #tpu.memory_space<hbm>>
          %dma_start3A_62 = arith.constant 64 : i32
          %dma_start3A_63 = tpu.memref_slice %arg4[%add3A_41, %dma_start3A_62] : memref<28800x128xf32, #tpu.memory_space<hbm>> -> memref<600x64xf32, #tpu.memory_space<hbm>>
          tpu.enqueue_dma source(%arg6 : memref<600x64xf32, #tpu.memory_space<vmem>>) target(%dma_start3A_63 : memref<600x64xf32, #tpu.memory_space<hbm>>) target_semaphore(%run_scoped3A_59 : memref<!tpu.dma_semaphore, #tpu.memory_space<semaphore_mem>>)
          %dma_wait3A_64 = arith.constant 64 : i32
          %dma_wait3A_65 = tpu.memref_slice %arg4[%add3A_41, %dma_wait3A_64] : memref<28800x128xf32, #tpu.memory_space<hbm>> -> memref<600x64xf32, #tpu.memory_space<hbm>>
          %dma_wait3A_66 = arith.constant 64 : i32
          %dma_wait3A_67 = tpu.memref_slice %arg4[%add3A_41, %dma_wait3A_66] : memref<28800x128xf32, #tpu.memory_space<hbm>> -> memref<600x64xf32, #tpu.memory_space<hbm>>
          tpu.wait_dma2 semaphore(%run_scoped3A_59 : memref<!tpu.dma_semaphore, #tpu.memory_space<semaphore_mem>>) src(%arg6 : memref<600x64xf32, #tpu.memory_space<vmem>>) dst(%dma_wait3A_67 : memref<600x64xf32, #tpu.memory_space<hbm>>)
          tpu.yield
        }) : () -> ()
      } else {
      }
    }
    %scan3A_35 = arith.constant 3 : i32
    return
  }
}

#map = affine_map<(d0, d1) -> (0, 0)>
module attributes {stable_mosaic.version = 14 : i64} {
  func.func @k(%arg0: i32, %arg1: i32, %arg2: memref<10000x64xf32, #tpu.memory_space<hbm>>, %arg3: memref<2x160000xi32, #tpu.memory_space<hbm>>, %arg4: memref<25600x128xf32, #tpu.memory_space<hbm>>, %arg5: memref<800xi32, #tpu.memory_space<vmem>>, %arg6: memref<800x64xf32, #tpu.memory_space<vmem>>, %arg7: memref<!tpu.dma_semaphore, #tpu.memory_space<semaphore_mem>>) attributes {dimension_semantics = [#tpu.dimension_semantics<core_parallel>, #tpu.dimension_semantics<subcore_parallel>], iteration_bounds = array<i64: 2, 16>, scalar_prefetch = 0 : i64, scratch_operands = 3 : i64, tpu.core_type = #tpu.core_type<sc_vector_subcore>, window_params = [{transform_indices = #map}, {transform_indices = #map}, {transform_indices = #map}]} {
    %mul3A = arith.constant 2 : i32
    %mul3A_0 = arith.muli %arg1, %mul3A : i32
    %add3A = arith.addi %mul3A_0, %arg0 : i32
    %jit3A = arith.constant 16 : i32
    %div3A = arith.divsi %add3A, %jit3A : i32
    %sign3A = arith.constant 0 : i32
    %sign3A_1 = arith.cmpi sgt, %add3A, %sign3A : i32
    %sign3A_2 = arith.extui %sign3A_1 : i1 to i32
    %sign3A_3 = arith.constant 0 : i32
    %sign3A_4 = arith.cmpi slt, %add3A, %sign3A_3 : i32
    %sign3A_5 = arith.extui %sign3A_4 : i1 to i32
    %sign3A_6 = arith.subi %sign3A_2, %sign3A_5 : i32
    %sign3A_7 = arith.constant 0 : i32
    %sign3A_8 = arith.cmpi sgt, %jit3A, %sign3A_7 : i32
    %sign3A_9 = arith.extui %sign3A_8 : i1 to i32
    %sign3A_10 = arith.constant 0 : i32
    %sign3A_11 = arith.cmpi slt, %jit3A, %sign3A_10 : i32
    %sign3A_12 = arith.extui %sign3A_11 : i1 to i32
    %sign3A_13 = arith.subi %sign3A_9, %sign3A_12 : i32
    %ne3A = arith.cmpi ne, %sign3A_6, %sign3A_13 : i32
    %rem3A = arith.remsi %add3A, %jit3A : i32
    %ne3A_14 = arith.constant 0 : i32
    %ne3A_15 = arith.cmpi ne, %rem3A, %ne3A_14 : i32
    %and3A = arith.andi %ne3A, %ne3A_15 : i1
    %sub3A = arith.constant 1 : i32
    %sub3A_16 = arith.subi %div3A, %sub3A : i32
    %select_n3A = arith.select %and3A, %sub3A_16, %div3A : i32
    %jit3A_17 = arith.constant 16 : i32
    %eq3A = arith.constant 0 : i32
    %eq3A_18 = arith.cmpi eq, %jit3A_17, %eq3A : i32
    %jit3A_19 = arith.constant 1 : i32
    %select_n3A_20 = arith.select %eq3A_18, %jit3A_19, %jit3A_17 : i32
    %rem3A_21 = arith.remsi %add3A, %select_n3A_20 : i32
    %ne3A_22 = arith.constant 0 : i32
    %ne3A_23 = arith.cmpi ne, %rem3A_21, %ne3A_22 : i32
    %lt3A = arith.constant 0 : i32
    %lt3A_24 = arith.cmpi slt, %rem3A_21, %lt3A : i32
    %lt3A_25 = arith.constant 0 : i32
    %lt3A_26 = arith.cmpi slt, %select_n3A_20, %lt3A_25 : i32
    %ne3A_27 = arith.xori %lt3A_24, %lt3A_26 : i1
    %and3A_28 = arith.andi %ne3A_27, %ne3A_23 : i1
    %add3A_29 = arith.addi %rem3A_21, %select_n3A_20 : i32
    %select_n3A_30 = arith.select %and3A_28, %add3A_29, %rem3A_21 : i32
    %scan3A = arith.constant 0 : i32
    %scan3A_31 = arith.constant 0 : i32
    %scan3A_32 = arith.constant 2 : i32
    %scan3A_33 = arith.addi %scan3A_31, %scan3A_32 : i32
    %scan3A_34 = arith.constant 1 : i32
    scf.for %scan3A_36 = %scan3A_31 to %scan3A_33 step %scan3A_34  : i32 {
      %mul3A_37 = arith.constant 1600 : i32
      %mul3A_38 = arith.muli %select_n3A_30, %mul3A_37 : i32
      %mul3A_39 = arith.constant 800 : i32
      %mul3A_40 = arith.muli %scan3A_36, %mul3A_39 : i32
      %add3A_41 = arith.addi %mul3A_38, %mul3A_40 : i32
      %mul3A_42 = arith.constant 80000 : i32
      %mul3A_43 = arith.muli %select_n3A, %mul3A_42 : i32
      %add3A_44 = arith.constant 25600 : i32
      %add3A_45 = arith.addi %mul3A_43, %add3A_44 : i32
      %add3A_46 = arith.addi %add3A_45, %add3A_41 : i32
      %run_scoped3A = arith.constant 0 : i32
      "tpu.region"() ({
        %run_scoped3A_59 = tpu.sem_alloc : memref<!tpu.dma_semaphore, #tpu.memory_space<semaphore_mem>>
        %dma_start3A_60 = tpu.memref_slice %arg3[%run_scoped3A, %add3A_46] : memref<2x160000xi32, #tpu.memory_space<hbm>> -> memref<1x800xi32, #tpu.memory_space<hbm>>
        %dma_start3A_61 = tpu.memref_squeeze %dma_start3A_60 : memref<1x800xi32, #tpu.memory_space<hbm>> -> memref<800xi32, #tpu.memory_space<hbm>>
        %dma_start3A_62 = tpu.memref_slice %arg3[%run_scoped3A, %add3A_46] : memref<2x160000xi32, #tpu.memory_space<hbm>> -> memref<1x800xi32, #tpu.memory_space<hbm>>
        %dma_start3A_63 = tpu.memref_squeeze %dma_start3A_62 : memref<1x800xi32, #tpu.memory_space<hbm>> -> memref<800xi32, #tpu.memory_space<hbm>>
        tpu.enqueue_dma source(%dma_start3A_63 : memref<800xi32, #tpu.memory_space<hbm>>) target(%arg5 : memref<800xi32, #tpu.memory_space<vmem>>) target_semaphore(%run_scoped3A_59 : memref<!tpu.dma_semaphore, #tpu.memory_space<semaphore_mem>>)
        %dma_wait3A_64 = tpu.memref_slice %arg3[%run_scoped3A, %add3A_46] : memref<2x160000xi32, #tpu.memory_space<hbm>> -> memref<1x800xi32, #tpu.memory_space<hbm>>
        %dma_wait3A_65 = tpu.memref_squeeze %dma_wait3A_64 : memref<1x800xi32, #tpu.memory_space<hbm>> -> memref<800xi32, #tpu.memory_space<hbm>>
        %dma_wait3A_66 = tpu.memref_slice %arg3[%run_scoped3A, %add3A_46] : memref<2x160000xi32, #tpu.memory_space<hbm>> -> memref<1x800xi32, #tpu.memory_space<hbm>>
        %dma_wait3A_67 = tpu.memref_squeeze %dma_wait3A_66 : memref<1x800xi32, #tpu.memory_space<hbm>> -> memref<800xi32, #tpu.memory_space<hbm>>
        tpu.wait_dma2 semaphore(%run_scoped3A_59 : memref<!tpu.dma_semaphore, #tpu.memory_space<semaphore_mem>>) src(%dma_wait3A_67 : memref<800xi32, #tpu.memory_space<hbm>>) dst(%arg5 : memref<800xi32, #tpu.memory_space<vmem>>)
        tpu.yield
      }) : () -> ()
      %dma_start3A = arith.constant 0 : i32
      %dma_start3A_47 = arith.constant 0 : i32
      %dma_start3A_48 = tpu.memref_slice %arg2[%dma_start3A, %dma_start3A_47] : memref<10000x64xf32, #tpu.memory_space<hbm>> -> memref<10000x64xf32, #tpu.memory_space<hbm>>
      tpu.enqueue_indirect_dma source(%dma_start3A_48 : memref<10000x64xf32, #tpu.memory_space<hbm>>) target(%arg6 : memref<800x64xf32, #tpu.memory_space<vmem>>) offsets(%arg5 : memref<800xi32, #tpu.memory_space<vmem>>) semaphore(%arg7 : memref<!tpu.dma_semaphore, #tpu.memory_space<semaphore_mem>>)
      %dma_wait3A = arith.constant 0 : i32
      %dma_wait3A_49 = arith.constant 0 : i32
      %dma_wait3A_50 = tpu.memref_slice %arg2[%dma_wait3A, %dma_wait3A_49] : memref<10000x64xf32, #tpu.memory_space<hbm>> -> memref<10000x64xf32, #tpu.memory_space<hbm>>
      tpu.wait_indirect_dma semaphore(%arg7 : memref<!tpu.dma_semaphore, #tpu.memory_space<semaphore_mem>>) src(%dma_wait3A_50 : memref<10000x64xf32, #tpu.memory_space<hbm>>) dst(%arg6 : memref<800x64xf32, #tpu.memory_space<vmem>>)
      %eq3A_51 = arith.constant 0 : i32
      %eq3A_52 = arith.cmpi eq, %select_n3A, %eq3A_51 : i32
      %convert_element_type3A = arith.extui %eq3A_52 : i1 to i32
      %cond3A = arith.constant 0 : i32
      %cond3A_53 = arith.cmpi ne, %convert_element_type3A, %cond3A : i32
      scf.if %cond3A_53 {
        "tpu.region"() ({
          %run_scoped3A_59 = tpu.sem_alloc : memref<!tpu.dma_semaphore, #tpu.memory_space<semaphore_mem>>
          %dma_start3A_60 = arith.constant 0 : i32
          %dma_start3A_61 = tpu.memref_slice %arg4[%add3A_41, %dma_start3A_60] : memref<25600x128xf32, #tpu.memory_space<hbm>> -> memref<800x64xf32, #tpu.memory_space<hbm>>
          %dma_start3A_62 = arith.constant 0 : i32
          %dma_start3A_63 = tpu.memref_slice %arg4[%add3A_41, %dma_start3A_62] : memref<25600x128xf32, #tpu.memory_space<hbm>> -> memref<800x64xf32, #tpu.memory_space<hbm>>
          tpu.enqueue_dma source(%arg6 : memref<800x64xf32, #tpu.memory_space<vmem>>) target(%dma_start3A_63 : memref<800x64xf32, #tpu.memory_space<hbm>>) target_semaphore(%run_scoped3A_59 : memref<!tpu.dma_semaphore, #tpu.memory_space<semaphore_mem>>)
          %dma_wait3A_64 = arith.constant 0 : i32
          %dma_wait3A_65 = tpu.memref_slice %arg4[%add3A_41, %dma_wait3A_64] : memref<25600x128xf32, #tpu.memory_space<hbm>> -> memref<800x64xf32, #tpu.memory_space<hbm>>
          %dma_wait3A_66 = arith.constant 0 : i32
          %dma_wait3A_67 = tpu.memref_slice %arg4[%add3A_41, %dma_wait3A_66] : memref<25600x128xf32, #tpu.memory_space<hbm>> -> memref<800x64xf32, #tpu.memory_space<hbm>>
          tpu.wait_dma2 semaphore(%run_scoped3A_59 : memref<!tpu.dma_semaphore, #tpu.memory_space<semaphore_mem>>) src(%arg6 : memref<800x64xf32, #tpu.memory_space<vmem>>) dst(%dma_wait3A_67 : memref<800x64xf32, #tpu.memory_space<hbm>>)
          tpu.yield
        }) : () -> ()
      } else {
      }
      %eq3A_54 = arith.constant 1 : i32
      %eq3A_55 = arith.cmpi eq, %select_n3A, %eq3A_54 : i32
      %convert_element_type3A_56 = arith.extui %eq3A_55 : i1 to i32
      %cond3A_57 = arith.constant 0 : i32
      %cond3A_58 = arith.cmpi ne, %convert_element_type3A_56, %cond3A_57 : i32
      scf.if %cond3A_58 {
        "tpu.region"() ({
          %run_scoped3A_59 = tpu.sem_alloc : memref<!tpu.dma_semaphore, #tpu.memory_space<semaphore_mem>>
          %dma_start3A_60 = arith.constant 64 : i32
          %dma_start3A_61 = tpu.memref_slice %arg4[%add3A_41, %dma_start3A_60] : memref<25600x128xf32, #tpu.memory_space<hbm>> -> memref<800x64xf32, #tpu.memory_space<hbm>>
          %dma_start3A_62 = arith.constant 64 : i32
          %dma_start3A_63 = tpu.memref_slice %arg4[%add3A_41, %dma_start3A_62] : memref<25600x128xf32, #tpu.memory_space<hbm>> -> memref<800x64xf32, #tpu.memory_space<hbm>>
          tpu.enqueue_dma source(%arg6 : memref<800x64xf32, #tpu.memory_space<vmem>>) target(%dma_start3A_63 : memref<800x64xf32, #tpu.memory_space<hbm>>) target_semaphore(%run_scoped3A_59 : memref<!tpu.dma_semaphore, #tpu.memory_space<semaphore_mem>>)
          %dma_wait3A_64 = arith.constant 64 : i32
          %dma_wait3A_65 = tpu.memref_slice %arg4[%add3A_41, %dma_wait3A_64] : memref<25600x128xf32, #tpu.memory_space<hbm>> -> memref<800x64xf32, #tpu.memory_space<hbm>>
          %dma_wait3A_66 = arith.constant 64 : i32
          %dma_wait3A_67 = tpu.memref_slice %arg4[%add3A_41, %dma_wait3A_66] : memref<25600x128xf32, #tpu.memory_space<hbm>> -> memref<800x64xf32, #tpu.memory_space<hbm>>
          tpu.wait_dma2 semaphore(%run_scoped3A_59 : memref<!tpu.dma_semaphore, #tpu.memory_space<semaphore_mem>>) src(%arg6 : memref<800x64xf32, #tpu.memory_space<vmem>>) dst(%dma_wait3A_67 : memref<800x64xf32, #tpu.memory_space<hbm>>)
          tpu.yield
        }) : () -> ()
      } else {
      }
    }
    %scan3A_35 = arith.constant 2 : i32
    return
  }
}

#map = affine_map<(d0, d1) -> (0, 0)>
#map1 = affine_map<(d0, d1) -> (0, 0, 0)>
module attributes {stable_mosaic.version = 14 : i64} {
  func.func @k(%arg0: i32, %arg1: i32, %arg2: memref<28800x128xf32, #tpu.memory_space<hbm>>, %arg3: memref<2x160000xi32, #tpu.memory_space<hbm>>, %arg4: memref<10000x64xf32, #tpu.memory_space<hbm>>, %arg5: memref<2x5000x128xf32, #tpu.memory_space<hbm>>, %arg6: memref<600xi32, #tpu.memory_space<vmem>>, %arg7: memref<600x64xf32, #tpu.memory_space<vmem>>, %arg8: memref<10000x64xf32, #tpu.memory_space<vmem_shared>>) attributes {dimension_semantics = [#tpu.dimension_semantics<core_parallel>, #tpu.dimension_semantics<subcore_parallel>], iteration_bounds = array<i64: 2, 16>, scalar_prefetch = 0 : i64, scratch_operands = 3 : i64, tpu.core_type = #tpu.core_type<sc_vector_subcore>, window_params = [{transform_indices = #map}, {transform_indices = #map}, {transform_indices = #map}, {transform_indices = #map1}]} {
    %eq3A = arith.constant 0 : i32
    %eq3A_0 = arith.cmpi eq, %arg1, %eq3A : i32
    %convert_element_type3A = arith.extui %eq3A_0 : i1 to i32
    %cond3A = arith.constant 0 : i32
    %cond3A_1 = arith.cmpi ne, %convert_element_type3A, %cond3A : i32
    scf.if %cond3A_1 {
      "tpu.region"() ({
        %run_scoped3A = tpu.sem_alloc : memref<!tpu.dma_semaphore, #tpu.memory_space<semaphore_mem>>
        tpu.enqueue_dma source(%arg4 : memref<10000x64xf32, #tpu.memory_space<hbm>>) target(%arg8 : memref<10000x64xf32, #tpu.memory_space<vmem_shared>>) target_semaphore(%run_scoped3A : memref<!tpu.dma_semaphore, #tpu.memory_space<semaphore_mem>>)
        tpu.wait_dma2 semaphore(%run_scoped3A : memref<!tpu.dma_semaphore, #tpu.memory_space<semaphore_mem>>) src(%arg4 : memref<10000x64xf32, #tpu.memory_space<hbm>>) dst(%arg8 : memref<10000x64xf32, #tpu.memory_space<vmem_shared>>)
        tpu.yield
      }) : () -> ()
    } else {
    }
    %barrier3A = arith.constant 0 : index
    tpu.barrier barrier_id(%barrier3A)
    %mul3A = arith.constant 2 : i32
    %mul3A_2 = arith.muli %arg1, %mul3A : i32
    %add3A = arith.addi %mul3A_2, %arg0 : i32
    %jit3A = arith.constant 16 : i32
    %div3A = arith.divsi %add3A, %jit3A : i32
    %sign3A = arith.constant 0 : i32
    %sign3A_3 = arith.cmpi sgt, %add3A, %sign3A : i32
    %sign3A_4 = arith.extui %sign3A_3 : i1 to i32
    %sign3A_5 = arith.constant 0 : i32
    %sign3A_6 = arith.cmpi slt, %add3A, %sign3A_5 : i32
    %sign3A_7 = arith.extui %sign3A_6 : i1 to i32
    %sign3A_8 = arith.subi %sign3A_4, %sign3A_7 : i32
    %sign3A_9 = arith.constant 0 : i32
    %sign3A_10 = arith.cmpi sgt, %jit3A, %sign3A_9 : i32
    %sign3A_11 = arith.extui %sign3A_10 : i1 to i32
    %sign3A_12 = arith.constant 0 : i32
    %sign3A_13 = arith.cmpi slt, %jit3A, %sign3A_12 : i32
    %sign3A_14 = arith.extui %sign3A_13 : i1 to i32
    %sign3A_15 = arith.subi %sign3A_11, %sign3A_14 : i32
    %ne3A = arith.cmpi ne, %sign3A_8, %sign3A_15 : i32
    %rem3A = arith.remsi %add3A, %jit3A : i32
    %ne3A_16 = arith.constant 0 : i32
    %ne3A_17 = arith.cmpi ne, %rem3A, %ne3A_16 : i32
    %and3A = arith.andi %ne3A, %ne3A_17 : i1
    %sub3A = arith.constant 1 : i32
    %sub3A_18 = arith.subi %div3A, %sub3A : i32
    %select_n3A = arith.select %and3A, %sub3A_18, %div3A : i32
    %jit3A_19 = arith.constant 16 : i32
    %eq3A_20 = arith.constant 0 : i32
    %eq3A_21 = arith.cmpi eq, %jit3A_19, %eq3A_20 : i32
    %jit3A_22 = arith.constant 1 : i32
    %select_n3A_23 = arith.select %eq3A_21, %jit3A_22, %jit3A_19 : i32
    %rem3A_24 = arith.remsi %add3A, %select_n3A_23 : i32
    %ne3A_25 = arith.constant 0 : i32
    %ne3A_26 = arith.cmpi ne, %rem3A_24, %ne3A_25 : i32
    %lt3A = arith.constant 0 : i32
    %lt3A_27 = arith.cmpi slt, %rem3A_24, %lt3A : i32
    %lt3A_28 = arith.constant 0 : i32
    %lt3A_29 = arith.cmpi slt, %select_n3A_23, %lt3A_28 : i32
    %ne3A_30 = arith.xori %lt3A_27, %lt3A_29 : i1
    %and3A_31 = arith.andi %ne3A_30, %ne3A_26 : i1
    %add3A_32 = arith.addi %rem3A_24, %select_n3A_23 : i32
    %select_n3A_33 = arith.select %and3A_31, %add3A_32, %rem3A_24 : i32
    %scan3A = arith.constant 0 : i32
    %scan3A_34 = arith.constant 0 : i32
    %scan3A_35 = arith.constant 3 : i32
    %scan3A_36 = arith.addi %scan3A_34, %scan3A_35 : i32
    %scan3A_37 = arith.constant 1 : i32
    scf.for %scan3A_50 = %scan3A_34 to %scan3A_36 step %scan3A_37  : i32 {
      %mul3A_51 = arith.constant 1800 : i32
      %mul3A_52 = arith.muli %select_n3A_33, %mul3A_51 : i32
      %mul3A_53 = arith.constant 600 : i32
      %mul3A_54 = arith.muli %scan3A_50, %mul3A_53 : i32
      %add3A_55 = arith.addi %mul3A_52, %mul3A_54 : i32
      %mul3A_56 = arith.constant 80000 : i32
      %mul3A_57 = arith.muli %select_n3A, %mul3A_56 : i32
      %add3A_58 = arith.constant 51200 : i32
      %add3A_59 = arith.addi %mul3A_57, %add3A_58 : i32
      %add3A_60 = arith.addi %add3A_59, %add3A_55 : i32
      %run_scoped3A = arith.constant 1 : i32
      "tpu.region"() ({
        %run_scoped3A_71 = tpu.sem_alloc : memref<!tpu.dma_semaphore, #tpu.memory_space<semaphore_mem>>
        %dma_start3A = tpu.memref_slice %arg3[%run_scoped3A, %add3A_60] : memref<2x160000xi32, #tpu.memory_space<hbm>> -> memref<1x600xi32, #tpu.memory_space<hbm>>
        %dma_start3A_72 = tpu.memref_squeeze %dma_start3A : memref<1x600xi32, #tpu.memory_space<hbm>> -> memref<600xi32, #tpu.memory_space<hbm>>
        %dma_start3A_73 = tpu.memref_slice %arg3[%run_scoped3A, %add3A_60] : memref<2x160000xi32, #tpu.memory_space<hbm>> -> memref<1x600xi32, #tpu.memory_space<hbm>>
        %dma_start3A_74 = tpu.memref_squeeze %dma_start3A_73 : memref<1x600xi32, #tpu.memory_space<hbm>> -> memref<600xi32, #tpu.memory_space<hbm>>
        tpu.enqueue_dma source(%dma_start3A_74 : memref<600xi32, #tpu.memory_space<hbm>>) target(%arg6 : memref<600xi32, #tpu.memory_space<vmem>>) target_semaphore(%run_scoped3A_71 : memref<!tpu.dma_semaphore, #tpu.memory_space<semaphore_mem>>)
        %dma_wait3A = tpu.memref_slice %arg3[%run_scoped3A, %add3A_60] : memref<2x160000xi32, #tpu.memory_space<hbm>> -> memref<1x600xi32, #tpu.memory_space<hbm>>
        %dma_wait3A_75 = tpu.memref_squeeze %dma_wait3A : memref<1x600xi32, #tpu.memory_space<hbm>> -> memref<600xi32, #tpu.memory_space<hbm>>
        %dma_wait3A_76 = tpu.memref_slice %arg3[%run_scoped3A, %add3A_60] : memref<2x160000xi32, #tpu.memory_space<hbm>> -> memref<1x600xi32, #tpu.memory_space<hbm>>
        %dma_wait3A_77 = tpu.memref_squeeze %dma_wait3A_76 : memref<1x600xi32, #tpu.memory_space<hbm>> -> memref<600xi32, #tpu.memory_space<hbm>>
        tpu.wait_dma2 semaphore(%run_scoped3A_71 : memref<!tpu.dma_semaphore, #tpu.memory_space<semaphore_mem>>) src(%dma_wait3A_77 : memref<600xi32, #tpu.memory_space<hbm>>) dst(%arg6 : memref<600xi32, #tpu.memory_space<vmem>>)
        tpu.yield
      }) : () -> ()
      %eq3A_61 = arith.constant 0 : i32
      %eq3A_62 = arith.cmpi eq, %select_n3A, %eq3A_61 : i32
      %convert_element_type3A_63 = arith.extui %eq3A_62 : i1 to i32
      %cond3A_64 = arith.constant 0 : i32
      %cond3A_65 = arith.cmpi ne, %convert_element_type3A_63, %cond3A_64 : i32
      scf.if %cond3A_65 {
        "tpu.region"() ({
          %run_scoped3A_71 = tpu.sem_alloc : memref<!tpu.dma_semaphore, #tpu.memory_space<semaphore_mem>>
          %dma_start3A = arith.constant 0 : i32
          %dma_start3A_72 = tpu.memref_slice %arg2[%add3A_55, %dma_start3A] : memref<28800x128xf32, #tpu.memory_space<hbm>> -> memref<600x64xf32, #tpu.memory_space<hbm>>
          %dma_start3A_73 = arith.constant 0 : i32
          %dma_start3A_74 = tpu.memref_slice %arg2[%add3A_55, %dma_start3A_73] : memref<28800x128xf32, #tpu.memory_space<hbm>> -> memref<600x64xf32, #tpu.memory_space<hbm>>
          tpu.enqueue_dma source(%dma_start3A_74 : memref<600x64xf32, #tpu.memory_space<hbm>>) target(%arg7 : memref<600x64xf32, #tpu.memory_space<vmem>>) target_semaphore(%run_scoped3A_71 : memref<!tpu.dma_semaphore, #tpu.memory_space<semaphore_mem>>)
          %dma_wait3A = arith.constant 0 : i32
          %dma_wait3A_75 = tpu.memref_slice %arg2[%add3A_55, %dma_wait3A] : memref<28800x128xf32, #tpu.memory_space<hbm>> -> memref<600x64xf32, #tpu.memory_space<hbm>>
          %dma_wait3A_76 = arith.constant 0 : i32
          %dma_wait3A_77 = tpu.memref_slice %arg2[%add3A_55, %dma_wait3A_76] : memref<28800x128xf32, #tpu.memory_space<hbm>> -> memref<600x64xf32, #tpu.memory_space<hbm>>
          tpu.wait_dma2 semaphore(%run_scoped3A_71 : memref<!tpu.dma_semaphore, #tpu.memory_space<semaphore_mem>>) src(%dma_wait3A_77 : memref<600x64xf32, #tpu.memory_space<hbm>>) dst(%arg7 : memref<600x64xf32, #tpu.memory_space<vmem>>)
          tpu.yield
        }) : () -> ()
      } else {
      }
      %eq3A_66 = arith.constant 1 : i32
      %eq3A_67 = arith.cmpi eq, %select_n3A, %eq3A_66 : i32
      %convert_element_type3A_68 = arith.extui %eq3A_67 : i1 to i32
      %cond3A_69 = arith.constant 0 : i32
      %cond3A_70 = arith.cmpi ne, %convert_element_type3A_68, %cond3A_69 : i32
      scf.if %cond3A_70 {
        "tpu.region"() ({
          %run_scoped3A_71 = tpu.sem_alloc : memref<!tpu.dma_semaphore, #tpu.memory_space<semaphore_mem>>
          %dma_start3A = arith.constant 64 : i32
          %dma_start3A_72 = tpu.memref_slice %arg2[%add3A_55, %dma_start3A] : memref<28800x128xf32, #tpu.memory_space<hbm>> -> memref<600x64xf32, #tpu.memory_space<hbm>>
          %dma_start3A_73 = arith.constant 64 : i32
          %dma_start3A_74 = tpu.memref_slice %arg2[%add3A_55, %dma_start3A_73] : memref<28800x128xf32, #tpu.memory_space<hbm>> -> memref<600x64xf32, #tpu.memory_space<hbm>>
          tpu.enqueue_dma source(%dma_start3A_74 : memref<600x64xf32, #tpu.memory_space<hbm>>) target(%arg7 : memref<600x64xf32, #tpu.memory_space<vmem>>) target_semaphore(%run_scoped3A_71 : memref<!tpu.dma_semaphore, #tpu.memory_space<semaphore_mem>>)
          %dma_wait3A = arith.constant 64 : i32
          %dma_wait3A_75 = tpu.memref_slice %arg2[%add3A_55, %dma_wait3A] : memref<28800x128xf32, #tpu.memory_space<hbm>> -> memref<600x64xf32, #tpu.memory_space<hbm>>
          %dma_wait3A_76 = arith.constant 64 : i32
          %dma_wait3A_77 = tpu.memref_slice %arg2[%add3A_55, %dma_wait3A_76] : memref<28800x128xf32, #tpu.memory_space<hbm>> -> memref<600x64xf32, #tpu.memory_space<hbm>>
          tpu.wait_dma2 semaphore(%run_scoped3A_71 : memref<!tpu.dma_semaphore, #tpu.memory_space<semaphore_mem>>) src(%dma_wait3A_77 : memref<600x64xf32, #tpu.memory_space<hbm>>) dst(%arg7 : memref<600x64xf32, #tpu.memory_space<vmem>>)
          tpu.yield
        }) : () -> ()
      } else {
      }
      "tpu.region"() ({
        %run_scoped3A_71 = tpu.sem_alloc : memref<!tpu.dma_semaphore, #tpu.memory_space<semaphore_mem>>
        %dma_start3A = arith.constant 0 : i32
        %dma_start3A_72 = arith.constant 0 : i32
        %dma_start3A_73 = tpu.memref_slice %arg8[%dma_start3A, %dma_start3A_72] : memref<10000x64xf32, #tpu.memory_space<vmem_shared>> -> memref<10000x64xf32, #tpu.memory_space<vmem_shared>>
        tpu.enqueue_indirect_dma source(%arg7 : memref<600x64xf32, #tpu.memory_space<vmem>>) target(%dma_start3A_73 : memref<10000x64xf32, #tpu.memory_space<vmem_shared>>) offsets(%arg6 : memref<600xi32, #tpu.memory_space<vmem>>) semaphore(%run_scoped3A_71 : memref<!tpu.dma_semaphore, #tpu.memory_space<semaphore_mem>>) {add = true}
        %dma_wait3A = arith.constant 0 : i32
        %dma_wait3A_74 = arith.constant 0 : i32
        %dma_wait3A_75 = tpu.memref_slice %arg8[%dma_wait3A, %dma_wait3A_74] : memref<10000x64xf32, #tpu.memory_space<vmem_shared>> -> memref<10000x64xf32, #tpu.memory_space<vmem_shared>>
        tpu.wait_indirect_dma semaphore(%run_scoped3A_71 : memref<!tpu.dma_semaphore, #tpu.memory_space<semaphore_mem>>) src(%arg7 : memref<600x64xf32, #tpu.memory_space<vmem>>) dst(%dma_wait3A_75 : memref<10000x64xf32, #tpu.memory_space<vmem_shared>>)
        tpu.yield
      }) : () -> ()
    }
    %scan3A_38 = arith.constant 3 : i32
    %barrier3A_39 = arith.constant 0 : index
    tpu.barrier barrier_id(%barrier3A_39)
    %eq3A_40 = arith.constant 0 : i32
    %eq3A_41 = arith.cmpi eq, %arg1, %eq3A_40 : i32
    %convert_element_type3A_42 = arith.extui %eq3A_41 : i1 to i32
    %cond3A_43 = arith.constant 0 : i32
    %cond3A_44 = arith.cmpi ne, %convert_element_type3A_42, %cond3A_43 : i32
    scf.if %cond3A_44 {
      "tpu.region"() ({
        %run_scoped3A = tpu.sem_alloc : memref<!tpu.dma_semaphore, #tpu.memory_space<semaphore_mem>>
        %dma_start3A = arith.constant 0 : i32
        %dma_start3A_50 = arith.constant 0 : i32
        %dma_start3A_51 = tpu.memref_slice %arg5[%arg0, %dma_start3A, %dma_start3A_50] : memref<2x5000x128xf32, #tpu.memory_space<hbm>> -> memref<1x5000x64xf32, #tpu.memory_space<hbm>>
        %dma_start3A_52 = tpu.memref_squeeze %dma_start3A_51 : memref<1x5000x64xf32, #tpu.memory_space<hbm>> -> memref<5000x64xf32, #tpu.memory_space<hbm>>
        %dma_start3A_53 = arith.constant 0 : i32
        %dma_start3A_54 = arith.constant 0 : i32
        %dma_start3A_55 = tpu.memref_slice %arg8[%dma_start3A_53, %dma_start3A_54] : memref<10000x64xf32, #tpu.memory_space<vmem_shared>> -> memref<5000x64xf32, #tpu.memory_space<vmem_shared>>
        tpu.enqueue_dma source(%dma_start3A_55 : memref<5000x64xf32, #tpu.memory_space<vmem_shared>>) target(%dma_start3A_52 : memref<5000x64xf32, #tpu.memory_space<hbm>>) target_semaphore(%run_scoped3A : memref<!tpu.dma_semaphore, #tpu.memory_space<semaphore_mem>>)
        %dma_wait3A = arith.constant 0 : i32
        %dma_wait3A_56 = arith.constant 0 : i32
        %dma_wait3A_57 = tpu.memref_slice %arg5[%arg0, %dma_wait3A, %dma_wait3A_56] : memref<2x5000x128xf32, #tpu.memory_space<hbm>> -> memref<1x5000x64xf32, #tpu.memory_space<hbm>>
        %dma_wait3A_58 = tpu.memref_squeeze %dma_wait3A_57 : memref<1x5000x64xf32, #tpu.memory_space<hbm>> -> memref<5000x64xf32, #tpu.memory_space<hbm>>
        %dma_wait3A_59 = arith.constant 0 : i32
        %dma_wait3A_60 = arith.constant 0 : i32
        %dma_wait3A_61 = tpu.memref_slice %arg8[%dma_wait3A_59, %dma_wait3A_60] : memref<10000x64xf32, #tpu.memory_space<vmem_shared>> -> memref<5000x64xf32, #tpu.memory_space<vmem_shared>>
        tpu.wait_dma2 semaphore(%run_scoped3A : memref<!tpu.dma_semaphore, #tpu.memory_space<semaphore_mem>>) src(%dma_wait3A_61 : memref<5000x64xf32, #tpu.memory_space<vmem_shared>>) dst(%dma_wait3A_58 : memref<5000x64xf32, #tpu.memory_space<hbm>>)
        tpu.yield
      }) : () -> ()
    } else {
    }
    %eq3A_45 = arith.constant 1 : i32
    %eq3A_46 = arith.cmpi eq, %arg1, %eq3A_45 : i32
    %convert_element_type3A_47 = arith.extui %eq3A_46 : i1 to i32
    %cond3A_48 = arith.constant 0 : i32
    %cond3A_49 = arith.cmpi ne, %convert_element_type3A_47, %cond3A_48 : i32
    scf.if %cond3A_49 {
      "tpu.region"() ({
        %run_scoped3A = tpu.sem_alloc : memref<!tpu.dma_semaphore, #tpu.memory_space<semaphore_mem>>
        %dma_start3A = arith.constant 0 : i32
        %dma_start3A_50 = arith.constant 64 : i32
        %dma_start3A_51 = tpu.memref_slice %arg5[%arg0, %dma_start3A, %dma_start3A_50] : memref<2x5000x128xf32, #tpu.memory_space<hbm>> -> memref<1x5000x64xf32, #tpu.memory_space<hbm>>
        %dma_start3A_52 = tpu.memref_squeeze %dma_start3A_51 : memref<1x5000x64xf32, #tpu.memory_space<hbm>> -> memref<5000x64xf32, #tpu.memory_space<hbm>>
        %dma_start3A_53 = arith.constant 5000 : i32
        %dma_start3A_54 = arith.constant 0 : i32
        %dma_start3A_55 = tpu.memref_slice %arg8[%dma_start3A_53, %dma_start3A_54] : memref<10000x64xf32, #tpu.memory_space<vmem_shared>> -> memref<5000x64xf32, #tpu.memory_space<vmem_shared>>
        tpu.enqueue_dma source(%dma_start3A_55 : memref<5000x64xf32, #tpu.memory_space<vmem_shared>>) target(%dma_start3A_52 : memref<5000x64xf32, #tpu.memory_space<hbm>>) target_semaphore(%run_scoped3A : memref<!tpu.dma_semaphore, #tpu.memory_space<semaphore_mem>>)
        %dma_wait3A = arith.constant 0 : i32
        %dma_wait3A_56 = arith.constant 64 : i32
        %dma_wait3A_57 = tpu.memref_slice %arg5[%arg0, %dma_wait3A, %dma_wait3A_56] : memref<2x5000x128xf32, #tpu.memory_space<hbm>> -> memref<1x5000x64xf32, #tpu.memory_space<hbm>>
        %dma_wait3A_58 = tpu.memref_squeeze %dma_wait3A_57 : memref<1x5000x64xf32, #tpu.memory_space<hbm>> -> memref<5000x64xf32, #tpu.memory_space<hbm>>
        %dma_wait3A_59 = arith.constant 5000 : i32
        %dma_wait3A_60 = arith.constant 0 : i32
        %dma_wait3A_61 = tpu.memref_slice %arg8[%dma_wait3A_59, %dma_wait3A_60] : memref<10000x64xf32, #tpu.memory_space<vmem_shared>> -> memref<5000x64xf32, #tpu.memory_space<vmem_shared>>
        tpu.wait_dma2 semaphore(%run_scoped3A : memref<!tpu.dma_semaphore, #tpu.memory_space<semaphore_mem>>) src(%dma_wait3A_61 : memref<5000x64xf32, #tpu.memory_space<vmem_shared>>) dst(%dma_wait3A_58 : memref<5000x64xf32, #tpu.memory_space<hbm>>)
        tpu.yield
      }) : () -> ()
    } else {
    }
    return
  }
}

#map = affine_map<(d0, d1) -> (0, 0)>
module attributes {stable_mosaic.version = 14 : i64} {
  func.func @k(%arg0: i32, %arg1: i32, %arg2: memref<10000x64xf32, #tpu.memory_space<hbm>>, %arg3: memref<2x160000xi32, #tpu.memory_space<hbm>>, %arg4: memref<25600x128xf32, #tpu.memory_space<hbm>>, %arg5: memref<800xi32, #tpu.memory_space<vmem>>, %arg6: memref<800x64xf32, #tpu.memory_space<vmem>>, %arg7: memref<!tpu.dma_semaphore, #tpu.memory_space<semaphore_mem>>) attributes {dimension_semantics = [#tpu.dimension_semantics<core_parallel>, #tpu.dimension_semantics<subcore_parallel>], iteration_bounds = array<i64: 2, 16>, scalar_prefetch = 0 : i64, scratch_operands = 3 : i64, tpu.core_type = #tpu.core_type<sc_vector_subcore>, window_params = [{transform_indices = #map}, {transform_indices = #map}, {transform_indices = #map}]} {
    %mul3A = arith.constant 2 : i32
    %mul3A_0 = arith.muli %arg1, %mul3A : i32
    %add3A = arith.addi %mul3A_0, %arg0 : i32
    %jit3A = arith.constant 16 : i32
    %div3A = arith.divsi %add3A, %jit3A : i32
    %sign3A = arith.constant 0 : i32
    %sign3A_1 = arith.cmpi sgt, %add3A, %sign3A : i32
    %sign3A_2 = arith.extui %sign3A_1 : i1 to i32
    %sign3A_3 = arith.constant 0 : i32
    %sign3A_4 = arith.cmpi slt, %add3A, %sign3A_3 : i32
    %sign3A_5 = arith.extui %sign3A_4 : i1 to i32
    %sign3A_6 = arith.subi %sign3A_2, %sign3A_5 : i32
    %sign3A_7 = arith.constant 0 : i32
    %sign3A_8 = arith.cmpi sgt, %jit3A, %sign3A_7 : i32
    %sign3A_9 = arith.extui %sign3A_8 : i1 to i32
    %sign3A_10 = arith.constant 0 : i32
    %sign3A_11 = arith.cmpi slt, %jit3A, %sign3A_10 : i32
    %sign3A_12 = arith.extui %sign3A_11 : i1 to i32
    %sign3A_13 = arith.subi %sign3A_9, %sign3A_12 : i32
    %ne3A = arith.cmpi ne, %sign3A_6, %sign3A_13 : i32
    %rem3A = arith.remsi %add3A, %jit3A : i32
    %ne3A_14 = arith.constant 0 : i32
    %ne3A_15 = arith.cmpi ne, %rem3A, %ne3A_14 : i32
    %and3A = arith.andi %ne3A, %ne3A_15 : i1
    %sub3A = arith.constant 1 : i32
    %sub3A_16 = arith.subi %div3A, %sub3A : i32
    %select_n3A = arith.select %and3A, %sub3A_16, %div3A : i32
    %jit3A_17 = arith.constant 16 : i32
    %eq3A = arith.constant 0 : i32
    %eq3A_18 = arith.cmpi eq, %jit3A_17, %eq3A : i32
    %jit3A_19 = arith.constant 1 : i32
    %select_n3A_20 = arith.select %eq3A_18, %jit3A_19, %jit3A_17 : i32
    %rem3A_21 = arith.remsi %add3A, %select_n3A_20 : i32
    %ne3A_22 = arith.constant 0 : i32
    %ne3A_23 = arith.cmpi ne, %rem3A_21, %ne3A_22 : i32
    %lt3A = arith.constant 0 : i32
    %lt3A_24 = arith.cmpi slt, %rem3A_21, %lt3A : i32
    %lt3A_25 = arith.constant 0 : i32
    %lt3A_26 = arith.cmpi slt, %select_n3A_20, %lt3A_25 : i32
    %ne3A_27 = arith.xori %lt3A_24, %lt3A_26 : i1
    %and3A_28 = arith.andi %ne3A_27, %ne3A_23 : i1
    %add3A_29 = arith.addi %rem3A_21, %select_n3A_20 : i32
    %select_n3A_30 = arith.select %and3A_28, %add3A_29, %rem3A_21 : i32
    %scan3A = arith.constant 0 : i32
    %scan3A_31 = arith.constant 0 : i32
    %scan3A_32 = arith.constant 2 : i32
    %scan3A_33 = arith.addi %scan3A_31, %scan3A_32 : i32
    %scan3A_34 = arith.constant 1 : i32
    scf.for %scan3A_36 = %scan3A_31 to %scan3A_33 step %scan3A_34  : i32 {
      %mul3A_37 = arith.constant 1600 : i32
      %mul3A_38 = arith.muli %select_n3A_30, %mul3A_37 : i32
      %mul3A_39 = arith.constant 800 : i32
      %mul3A_40 = arith.muli %scan3A_36, %mul3A_39 : i32
      %add3A_41 = arith.addi %mul3A_38, %mul3A_40 : i32
      %mul3A_42 = arith.constant 80000 : i32
      %mul3A_43 = arith.muli %select_n3A, %mul3A_42 : i32
      %add3A_44 = arith.constant 0 : i32
      %add3A_45 = arith.addi %mul3A_43, %add3A_44 : i32
      %add3A_46 = arith.addi %add3A_45, %add3A_41 : i32
      %run_scoped3A = arith.constant 0 : i32
      "tpu.region"() ({
        %run_scoped3A_59 = tpu.sem_alloc : memref<!tpu.dma_semaphore, #tpu.memory_space<semaphore_mem>>
        %dma_start3A_60 = tpu.memref_slice %arg3[%run_scoped3A, %add3A_46] : memref<2x160000xi32, #tpu.memory_space<hbm>> -> memref<1x800xi32, #tpu.memory_space<hbm>>
        %dma_start3A_61 = tpu.memref_squeeze %dma_start3A_60 : memref<1x800xi32, #tpu.memory_space<hbm>> -> memref<800xi32, #tpu.memory_space<hbm>>
        %dma_start3A_62 = tpu.memref_slice %arg3[%run_scoped3A, %add3A_46] : memref<2x160000xi32, #tpu.memory_space<hbm>> -> memref<1x800xi32, #tpu.memory_space<hbm>>
        %dma_start3A_63 = tpu.memref_squeeze %dma_start3A_62 : memref<1x800xi32, #tpu.memory_space<hbm>> -> memref<800xi32, #tpu.memory_space<hbm>>
        tpu.enqueue_dma source(%dma_start3A_63 : memref<800xi32, #tpu.memory_space<hbm>>) target(%arg5 : memref<800xi32, #tpu.memory_space<vmem>>) target_semaphore(%run_scoped3A_59 : memref<!tpu.dma_semaphore, #tpu.memory_space<semaphore_mem>>)
        %dma_wait3A_64 = tpu.memref_slice %arg3[%run_scoped3A, %add3A_46] : memref<2x160000xi32, #tpu.memory_space<hbm>> -> memref<1x800xi32, #tpu.memory_space<hbm>>
        %dma_wait3A_65 = tpu.memref_squeeze %dma_wait3A_64 : memref<1x800xi32, #tpu.memory_space<hbm>> -> memref<800xi32, #tpu.memory_space<hbm>>
        %dma_wait3A_66 = tpu.memref_slice %arg3[%run_scoped3A, %add3A_46] : memref<2x160000xi32, #tpu.memory_space<hbm>> -> memref<1x800xi32, #tpu.memory_space<hbm>>
        %dma_wait3A_67 = tpu.memref_squeeze %dma_wait3A_66 : memref<1x800xi32, #tpu.memory_space<hbm>> -> memref<800xi32, #tpu.memory_space<hbm>>
        tpu.wait_dma2 semaphore(%run_scoped3A_59 : memref<!tpu.dma_semaphore, #tpu.memory_space<semaphore_mem>>) src(%dma_wait3A_67 : memref<800xi32, #tpu.memory_space<hbm>>) dst(%arg5 : memref<800xi32, #tpu.memory_space<vmem>>)
        tpu.yield
      }) : () -> ()
      %dma_start3A = arith.constant 0 : i32
      %dma_start3A_47 = arith.constant 0 : i32
      %dma_start3A_48 = tpu.memref_slice %arg2[%dma_start3A, %dma_start3A_47] : memref<10000x64xf32, #tpu.memory_space<hbm>> -> memref<10000x64xf32, #tpu.memory_space<hbm>>
      tpu.enqueue_indirect_dma source(%dma_start3A_48 : memref<10000x64xf32, #tpu.memory_space<hbm>>) target(%arg6 : memref<800x64xf32, #tpu.memory_space<vmem>>) offsets(%arg5 : memref<800xi32, #tpu.memory_space<vmem>>) semaphore(%arg7 : memref<!tpu.dma_semaphore, #tpu.memory_space<semaphore_mem>>)
      %dma_wait3A = arith.constant 0 : i32
      %dma_wait3A_49 = arith.constant 0 : i32
      %dma_wait3A_50 = tpu.memref_slice %arg2[%dma_wait3A, %dma_wait3A_49] : memref<10000x64xf32, #tpu.memory_space<hbm>> -> memref<10000x64xf32, #tpu.memory_space<hbm>>
      tpu.wait_indirect_dma semaphore(%arg7 : memref<!tpu.dma_semaphore, #tpu.memory_space<semaphore_mem>>) src(%dma_wait3A_50 : memref<10000x64xf32, #tpu.memory_space<hbm>>) dst(%arg6 : memref<800x64xf32, #tpu.memory_space<vmem>>)
      %eq3A_51 = arith.constant 0 : i32
      %eq3A_52 = arith.cmpi eq, %select_n3A, %eq3A_51 : i32
      %convert_element_type3A = arith.extui %eq3A_52 : i1 to i32
      %cond3A = arith.constant 0 : i32
      %cond3A_53 = arith.cmpi ne, %convert_element_type3A, %cond3A : i32
      scf.if %cond3A_53 {
        "tpu.region"() ({
          %run_scoped3A_59 = tpu.sem_alloc : memref<!tpu.dma_semaphore, #tpu.memory_space<semaphore_mem>>
          %dma_start3A_60 = arith.constant 0 : i32
          %dma_start3A_61 = tpu.memref_slice %arg4[%add3A_41, %dma_start3A_60] : memref<25600x128xf32, #tpu.memory_space<hbm>> -> memref<800x64xf32, #tpu.memory_space<hbm>>
          %dma_start3A_62 = arith.constant 0 : i32
          %dma_start3A_63 = tpu.memref_slice %arg4[%add3A_41, %dma_start3A_62] : memref<25600x128xf32, #tpu.memory_space<hbm>> -> memref<800x64xf32, #tpu.memory_space<hbm>>
          tpu.enqueue_dma source(%arg6 : memref<800x64xf32, #tpu.memory_space<vmem>>) target(%dma_start3A_63 : memref<800x64xf32, #tpu.memory_space<hbm>>) target_semaphore(%run_scoped3A_59 : memref<!tpu.dma_semaphore, #tpu.memory_space<semaphore_mem>>)
          %dma_wait3A_64 = arith.constant 0 : i32
          %dma_wait3A_65 = tpu.memref_slice %arg4[%add3A_41, %dma_wait3A_64] : memref<25600x128xf32, #tpu.memory_space<hbm>> -> memref<800x64xf32, #tpu.memory_space<hbm>>
          %dma_wait3A_66 = arith.constant 0 : i32
          %dma_wait3A_67 = tpu.memref_slice %arg4[%add3A_41, %dma_wait3A_66] : memref<25600x128xf32, #tpu.memory_space<hbm>> -> memref<800x64xf32, #tpu.memory_space<hbm>>
          tpu.wait_dma2 semaphore(%run_scoped3A_59 : memref<!tpu.dma_semaphore, #tpu.memory_space<semaphore_mem>>) src(%arg6 : memref<800x64xf32, #tpu.memory_space<vmem>>) dst(%dma_wait3A_67 : memref<800x64xf32, #tpu.memory_space<hbm>>)
          tpu.yield
        }) : () -> ()
      } else {
      }
      %eq3A_54 = arith.constant 1 : i32
      %eq3A_55 = arith.cmpi eq, %select_n3A, %eq3A_54 : i32
      %convert_element_type3A_56 = arith.extui %eq3A_55 : i1 to i32
      %cond3A_57 = arith.constant 0 : i32
      %cond3A_58 = arith.cmpi ne, %convert_element_type3A_56, %cond3A_57 : i32
      scf.if %cond3A_58 {
        "tpu.region"() ({
          %run_scoped3A_59 = tpu.sem_alloc : memref<!tpu.dma_semaphore, #tpu.memory_space<semaphore_mem>>
          %dma_start3A_60 = arith.constant 64 : i32
          %dma_start3A_61 = tpu.memref_slice %arg4[%add3A_41, %dma_start3A_60] : memref<25600x128xf32, #tpu.memory_space<hbm>> -> memref<800x64xf32, #tpu.memory_space<hbm>>
          %dma_start3A_62 = arith.constant 64 : i32
          %dma_start3A_63 = tpu.memref_slice %arg4[%add3A_41, %dma_start3A_62] : memref<25600x128xf32, #tpu.memory_space<hbm>> -> memref<800x64xf32, #tpu.memory_space<hbm>>
          tpu.enqueue_dma source(%arg6 : memref<800x64xf32, #tpu.memory_space<vmem>>) target(%dma_start3A_63 : memref<800x64xf32, #tpu.memory_space<hbm>>) target_semaphore(%run_scoped3A_59 : memref<!tpu.dma_semaphore, #tpu.memory_space<semaphore_mem>>)
          %dma_wait3A_64 = arith.constant 64 : i32
          %dma_wait3A_65 = tpu.memref_slice %arg4[%add3A_41, %dma_wait3A_64] : memref<25600x128xf32, #tpu.memory_space<hbm>> -> memref<800x64xf32, #tpu.memory_space<hbm>>
          %dma_wait3A_66 = arith.constant 64 : i32
          %dma_wait3A_67 = tpu.memref_slice %arg4[%add3A_41, %dma_wait3A_66] : memref<25600x128xf32, #tpu.memory_space<hbm>> -> memref<800x64xf32, #tpu.memory_space<hbm>>
          tpu.wait_dma2 semaphore(%run_scoped3A_59 : memref<!tpu.dma_semaphore, #tpu.memory_space<semaphore_mem>>) src(%arg6 : memref<800x64xf32, #tpu.memory_space<vmem>>) dst(%dma_wait3A_67 : memref<800x64xf32, #tpu.memory_space<hbm>>)
          tpu.yield
        }) : () -> ()
      } else {
      }
    }
    %scan3A_35 = arith.constant 2 : i32
    return
  }
}

#map = affine_map<(d0, d1) -> (0, 0)>
#map1 = affine_map<(d0, d1) -> (0, 0, 0)>
module attributes {stable_mosaic.version = 14 : i64} {
  func.func @k(%arg0: i32, %arg1: i32, %arg2: memref<25600x128xf32, #tpu.memory_space<hbm>>, %arg3: memref<2x160000xi32, #tpu.memory_space<hbm>>, %arg4: memref<10000x64xf32, #tpu.memory_space<hbm>>, %arg5: memref<2x5000x128xf32, #tpu.memory_space<hbm>>, %arg6: memref<800xi32, #tpu.memory_space<vmem>>, %arg7: memref<800x64xf32, #tpu.memory_space<vmem>>, %arg8: memref<10000x64xf32, #tpu.memory_space<vmem_shared>>) attributes {dimension_semantics = [#tpu.dimension_semantics<core_parallel>, #tpu.dimension_semantics<subcore_parallel>], iteration_bounds = array<i64: 2, 16>, scalar_prefetch = 0 : i64, scratch_operands = 3 : i64, tpu.core_type = #tpu.core_type<sc_vector_subcore>, window_params = [{transform_indices = #map}, {transform_indices = #map}, {transform_indices = #map}, {transform_indices = #map1}]} {
    %eq3A = arith.constant 0 : i32
    %eq3A_0 = arith.cmpi eq, %arg1, %eq3A : i32
    %convert_element_type3A = arith.extui %eq3A_0 : i1 to i32
    %cond3A = arith.constant 0 : i32
    %cond3A_1 = arith.cmpi ne, %convert_element_type3A, %cond3A : i32
    scf.if %cond3A_1 {
      "tpu.region"() ({
        %run_scoped3A = tpu.sem_alloc : memref<!tpu.dma_semaphore, #tpu.memory_space<semaphore_mem>>
        tpu.enqueue_dma source(%arg4 : memref<10000x64xf32, #tpu.memory_space<hbm>>) target(%arg8 : memref<10000x64xf32, #tpu.memory_space<vmem_shared>>) target_semaphore(%run_scoped3A : memref<!tpu.dma_semaphore, #tpu.memory_space<semaphore_mem>>)
        tpu.wait_dma2 semaphore(%run_scoped3A : memref<!tpu.dma_semaphore, #tpu.memory_space<semaphore_mem>>) src(%arg4 : memref<10000x64xf32, #tpu.memory_space<hbm>>) dst(%arg8 : memref<10000x64xf32, #tpu.memory_space<vmem_shared>>)
        tpu.yield
      }) : () -> ()
    } else {
    }
    %barrier3A = arith.constant 0 : index
    tpu.barrier barrier_id(%barrier3A)
    %mul3A = arith.constant 2 : i32
    %mul3A_2 = arith.muli %arg1, %mul3A : i32
    %add3A = arith.addi %mul3A_2, %arg0 : i32
    %jit3A = arith.constant 16 : i32
    %div3A = arith.divsi %add3A, %jit3A : i32
    %sign3A = arith.constant 0 : i32
    %sign3A_3 = arith.cmpi sgt, %add3A, %sign3A : i32
    %sign3A_4 = arith.extui %sign3A_3 : i1 to i32
    %sign3A_5 = arith.constant 0 : i32
    %sign3A_6 = arith.cmpi slt, %add3A, %sign3A_5 : i32
    %sign3A_7 = arith.extui %sign3A_6 : i1 to i32
    %sign3A_8 = arith.subi %sign3A_4, %sign3A_7 : i32
    %sign3A_9 = arith.constant 0 : i32
    %sign3A_10 = arith.cmpi sgt, %jit3A, %sign3A_9 : i32
    %sign3A_11 = arith.extui %sign3A_10 : i1 to i32
    %sign3A_12 = arith.constant 0 : i32
    %sign3A_13 = arith.cmpi slt, %jit3A, %sign3A_12 : i32
    %sign3A_14 = arith.extui %sign3A_13 : i1 to i32
    %sign3A_15 = arith.subi %sign3A_11, %sign3A_14 : i32
    %ne3A = arith.cmpi ne, %sign3A_8, %sign3A_15 : i32
    %rem3A = arith.remsi %add3A, %jit3A : i32
    %ne3A_16 = arith.constant 0 : i32
    %ne3A_17 = arith.cmpi ne, %rem3A, %ne3A_16 : i32
    %and3A = arith.andi %ne3A, %ne3A_17 : i1
    %sub3A = arith.constant 1 : i32
    %sub3A_18 = arith.subi %div3A, %sub3A : i32
    %select_n3A = arith.select %and3A, %sub3A_18, %div3A : i32
    %jit3A_19 = arith.constant 16 : i32
    %eq3A_20 = arith.constant 0 : i32
    %eq3A_21 = arith.cmpi eq, %jit3A_19, %eq3A_20 : i32
    %jit3A_22 = arith.constant 1 : i32
    %select_n3A_23 = arith.select %eq3A_21, %jit3A_22, %jit3A_19 : i32
    %rem3A_24 = arith.remsi %add3A, %select_n3A_23 : i32
    %ne3A_25 = arith.constant 0 : i32
    %ne3A_26 = arith.cmpi ne, %rem3A_24, %ne3A_25 : i32
    %lt3A = arith.constant 0 : i32
    %lt3A_27 = arith.cmpi slt, %rem3A_24, %lt3A : i32
    %lt3A_28 = arith.constant 0 : i32
    %lt3A_29 = arith.cmpi slt, %select_n3A_23, %lt3A_28 : i32
    %ne3A_30 = arith.xori %lt3A_27, %lt3A_29 : i1
    %and3A_31 = arith.andi %ne3A_30, %ne3A_26 : i1
    %add3A_32 = arith.addi %rem3A_24, %select_n3A_23 : i32
    %select_n3A_33 = arith.select %and3A_31, %add3A_32, %rem3A_24 : i32
    %scan3A = arith.constant 0 : i32
    %scan3A_34 = arith.constant 0 : i32
    %scan3A_35 = arith.constant 2 : i32
    %scan3A_36 = arith.addi %scan3A_34, %scan3A_35 : i32
    %scan3A_37 = arith.constant 1 : i32
    scf.for %scan3A_50 = %scan3A_34 to %scan3A_36 step %scan3A_37  : i32 {
      %mul3A_51 = arith.constant 1600 : i32
      %mul3A_52 = arith.muli %select_n3A_33, %mul3A_51 : i32
      %mul3A_53 = arith.constant 800 : i32
      %mul3A_54 = arith.muli %scan3A_50, %mul3A_53 : i32
      %add3A_55 = arith.addi %mul3A_52, %mul3A_54 : i32
      %mul3A_56 = arith.constant 80000 : i32
      %mul3A_57 = arith.muli %select_n3A, %mul3A_56 : i32
      %add3A_58 = arith.constant 25600 : i32
      %add3A_59 = arith.addi %mul3A_57, %add3A_58 : i32
      %add3A_60 = arith.addi %add3A_59, %add3A_55 : i32
      %run_scoped3A = arith.constant 1 : i32
      "tpu.region"() ({
        %run_scoped3A_71 = tpu.sem_alloc : memref<!tpu.dma_semaphore, #tpu.memory_space<semaphore_mem>>
        %dma_start3A = tpu.memref_slice %arg3[%run_scoped3A, %add3A_60] : memref<2x160000xi32, #tpu.memory_space<hbm>> -> memref<1x800xi32, #tpu.memory_space<hbm>>
        %dma_start3A_72 = tpu.memref_squeeze %dma_start3A : memref<1x800xi32, #tpu.memory_space<hbm>> -> memref<800xi32, #tpu.memory_space<hbm>>
        %dma_start3A_73 = tpu.memref_slice %arg3[%run_scoped3A, %add3A_60] : memref<2x160000xi32, #tpu.memory_space<hbm>> -> memref<1x800xi32, #tpu.memory_space<hbm>>
        %dma_start3A_74 = tpu.memref_squeeze %dma_start3A_73 : memref<1x800xi32, #tpu.memory_space<hbm>> -> memref<800xi32, #tpu.memory_space<hbm>>
        tpu.enqueue_dma source(%dma_start3A_74 : memref<800xi32, #tpu.memory_space<hbm>>) target(%arg6 : memref<800xi32, #tpu.memory_space<vmem>>) target_semaphore(%run_scoped3A_71 : memref<!tpu.dma_semaphore, #tpu.memory_space<semaphore_mem>>)
        %dma_wait3A = tpu.memref_slice %arg3[%run_scoped3A, %add3A_60] : memref<2x160000xi32, #tpu.memory_space<hbm>> -> memref<1x800xi32, #tpu.memory_space<hbm>>
        %dma_wait3A_75 = tpu.memref_squeeze %dma_wait3A : memref<1x800xi32, #tpu.memory_space<hbm>> -> memref<800xi32, #tpu.memory_space<hbm>>
        %dma_wait3A_76 = tpu.memref_slice %arg3[%run_scoped3A, %add3A_60] : memref<2x160000xi32, #tpu.memory_space<hbm>> -> memref<1x800xi32, #tpu.memory_space<hbm>>
        %dma_wait3A_77 = tpu.memref_squeeze %dma_wait3A_76 : memref<1x800xi32, #tpu.memory_space<hbm>> -> memref<800xi32, #tpu.memory_space<hbm>>
        tpu.wait_dma2 semaphore(%run_scoped3A_71 : memref<!tpu.dma_semaphore, #tpu.memory_space<semaphore_mem>>) src(%dma_wait3A_77 : memref<800xi32, #tpu.memory_space<hbm>>) dst(%arg6 : memref<800xi32, #tpu.memory_space<vmem>>)
        tpu.yield
      }) : () -> ()
      %eq3A_61 = arith.constant 0 : i32
      %eq3A_62 = arith.cmpi eq, %select_n3A, %eq3A_61 : i32
      %convert_element_type3A_63 = arith.extui %eq3A_62 : i1 to i32
      %cond3A_64 = arith.constant 0 : i32
      %cond3A_65 = arith.cmpi ne, %convert_element_type3A_63, %cond3A_64 : i32
      scf.if %cond3A_65 {
        "tpu.region"() ({
          %run_scoped3A_71 = tpu.sem_alloc : memref<!tpu.dma_semaphore, #tpu.memory_space<semaphore_mem>>
          %dma_start3A = arith.constant 0 : i32
          %dma_start3A_72 = tpu.memref_slice %arg2[%add3A_55, %dma_start3A] : memref<25600x128xf32, #tpu.memory_space<hbm>> -> memref<800x64xf32, #tpu.memory_space<hbm>>
          %dma_start3A_73 = arith.constant 0 : i32
          %dma_start3A_74 = tpu.memref_slice %arg2[%add3A_55, %dma_start3A_73] : memref<25600x128xf32, #tpu.memory_space<hbm>> -> memref<800x64xf32, #tpu.memory_space<hbm>>
          tpu.enqueue_dma source(%dma_start3A_74 : memref<800x64xf32, #tpu.memory_space<hbm>>) target(%arg7 : memref<800x64xf32, #tpu.memory_space<vmem>>) target_semaphore(%run_scoped3A_71 : memref<!tpu.dma_semaphore, #tpu.memory_space<semaphore_mem>>)
          %dma_wait3A = arith.constant 0 : i32
          %dma_wait3A_75 = tpu.memref_slice %arg2[%add3A_55, %dma_wait3A] : memref<25600x128xf32, #tpu.memory_space<hbm>> -> memref<800x64xf32, #tpu.memory_space<hbm>>
          %dma_wait3A_76 = arith.constant 0 : i32
          %dma_wait3A_77 = tpu.memref_slice %arg2[%add3A_55, %dma_wait3A_76] : memref<25600x128xf32, #tpu.memory_space<hbm>> -> memref<800x64xf32, #tpu.memory_space<hbm>>
          tpu.wait_dma2 semaphore(%run_scoped3A_71 : memref<!tpu.dma_semaphore, #tpu.memory_space<semaphore_mem>>) src(%dma_wait3A_77 : memref<800x64xf32, #tpu.memory_space<hbm>>) dst(%arg7 : memref<800x64xf32, #tpu.memory_space<vmem>>)
          tpu.yield
        }) : () -> ()
      } else {
      }
      %eq3A_66 = arith.constant 1 : i32
      %eq3A_67 = arith.cmpi eq, %select_n3A, %eq3A_66 : i32
      %convert_element_type3A_68 = arith.extui %eq3A_67 : i1 to i32
      %cond3A_69 = arith.constant 0 : i32
      %cond3A_70 = arith.cmpi ne, %convert_element_type3A_68, %cond3A_69 : i32
      scf.if %cond3A_70 {
        "tpu.region"() ({
          %run_scoped3A_71 = tpu.sem_alloc : memref<!tpu.dma_semaphore, #tpu.memory_space<semaphore_mem>>
          %dma_start3A = arith.constant 64 : i32
          %dma_start3A_72 = tpu.memref_slice %arg2[%add3A_55, %dma_start3A] : memref<25600x128xf32, #tpu.memory_space<hbm>> -> memref<800x64xf32, #tpu.memory_space<hbm>>
          %dma_start3A_73 = arith.constant 64 : i32
          %dma_start3A_74 = tpu.memref_slice %arg2[%add3A_55, %dma_start3A_73] : memref<25600x128xf32, #tpu.memory_space<hbm>> -> memref<800x64xf32, #tpu.memory_space<hbm>>
          tpu.enqueue_dma source(%dma_start3A_74 : memref<800x64xf32, #tpu.memory_space<hbm>>) target(%arg7 : memref<800x64xf32, #tpu.memory_space<vmem>>) target_semaphore(%run_scoped3A_71 : memref<!tpu.dma_semaphore, #tpu.memory_space<semaphore_mem>>)
          %dma_wait3A = arith.constant 64 : i32
          %dma_wait3A_75 = tpu.memref_slice %arg2[%add3A_55, %dma_wait3A] : memref<25600x128xf32, #tpu.memory_space<hbm>> -> memref<800x64xf32, #tpu.memory_space<hbm>>
          %dma_wait3A_76 = arith.constant 64 : i32
          %dma_wait3A_77 = tpu.memref_slice %arg2[%add3A_55, %dma_wait3A_76] : memref<25600x128xf32, #tpu.memory_space<hbm>> -> memref<800x64xf32, #tpu.memory_space<hbm>>
          tpu.wait_dma2 semaphore(%run_scoped3A_71 : memref<!tpu.dma_semaphore, #tpu.memory_space<semaphore_mem>>) src(%dma_wait3A_77 : memref<800x64xf32, #tpu.memory_space<hbm>>) dst(%arg7 : memref<800x64xf32, #tpu.memory_space<vmem>>)
          tpu.yield
        }) : () -> ()
      } else {
      }
      "tpu.region"() ({
        %run_scoped3A_71 = tpu.sem_alloc : memref<!tpu.dma_semaphore, #tpu.memory_space<semaphore_mem>>
        %dma_start3A = arith.constant 0 : i32
        %dma_start3A_72 = arith.constant 0 : i32
        %dma_start3A_73 = tpu.memref_slice %arg8[%dma_start3A, %dma_start3A_72] : memref<10000x64xf32, #tpu.memory_space<vmem_shared>> -> memref<10000x64xf32, #tpu.memory_space<vmem_shared>>
        tpu.enqueue_indirect_dma source(%arg7 : memref<800x64xf32, #tpu.memory_space<vmem>>) target(%dma_start3A_73 : memref<10000x64xf32, #tpu.memory_space<vmem_shared>>) offsets(%arg6 : memref<800xi32, #tpu.memory_space<vmem>>) semaphore(%run_scoped3A_71 : memref<!tpu.dma_semaphore, #tpu.memory_space<semaphore_mem>>) {add = true}
        %dma_wait3A = arith.constant 0 : i32
        %dma_wait3A_74 = arith.constant 0 : i32
        %dma_wait3A_75 = tpu.memref_slice %arg8[%dma_wait3A, %dma_wait3A_74] : memref<10000x64xf32, #tpu.memory_space<vmem_shared>> -> memref<10000x64xf32, #tpu.memory_space<vmem_shared>>
        tpu.wait_indirect_dma semaphore(%run_scoped3A_71 : memref<!tpu.dma_semaphore, #tpu.memory_space<semaphore_mem>>) src(%arg7 : memref<800x64xf32, #tpu.memory_space<vmem>>) dst(%dma_wait3A_75 : memref<10000x64xf32, #tpu.memory_space<vmem_shared>>)
        tpu.yield
      }) : () -> ()
    }
    %scan3A_38 = arith.constant 2 : i32
    %barrier3A_39 = arith.constant 0 : index
    tpu.barrier barrier_id(%barrier3A_39)
    %eq3A_40 = arith.constant 0 : i32
    %eq3A_41 = arith.cmpi eq, %arg1, %eq3A_40 : i32
    %convert_element_type3A_42 = arith.extui %eq3A_41 : i1 to i32
    %cond3A_43 = arith.constant 0 : i32
    %cond3A_44 = arith.cmpi ne, %convert_element_type3A_42, %cond3A_43 : i32
    scf.if %cond3A_44 {
      "tpu.region"() ({
        %run_scoped3A = tpu.sem_alloc : memref<!tpu.dma_semaphore, #tpu.memory_space<semaphore_mem>>
        %dma_start3A = arith.constant 0 : i32
        %dma_start3A_50 = arith.constant 0 : i32
        %dma_start3A_51 = tpu.memref_slice %arg5[%arg0, %dma_start3A, %dma_start3A_50] : memref<2x5000x128xf32, #tpu.memory_space<hbm>> -> memref<1x5000x64xf32, #tpu.memory_space<hbm>>
        %dma_start3A_52 = tpu.memref_squeeze %dma_start3A_51 : memref<1x5000x64xf32, #tpu.memory_space<hbm>> -> memref<5000x64xf32, #tpu.memory_space<hbm>>
        %dma_start3A_53 = arith.constant 0 : i32
        %dma_start3A_54 = arith.constant 0 : i32
        %dma_start3A_55 = tpu.memref_slice %arg8[%dma_start3A_53, %dma_start3A_54] : memref<10000x64xf32, #tpu.memory_space<vmem_shared>> -> memref<5000x64xf32, #tpu.memory_space<vmem_shared>>
        tpu.enqueue_dma source(%dma_start3A_55 : memref<5000x64xf32, #tpu.memory_space<vmem_shared>>) target(%dma_start3A_52 : memref<5000x64xf32, #tpu.memory_space<hbm>>) target_semaphore(%run_scoped3A : memref<!tpu.dma_semaphore, #tpu.memory_space<semaphore_mem>>)
        %dma_wait3A = arith.constant 0 : i32
        %dma_wait3A_56 = arith.constant 0 : i32
        %dma_wait3A_57 = tpu.memref_slice %arg5[%arg0, %dma_wait3A, %dma_wait3A_56] : memref<2x5000x128xf32, #tpu.memory_space<hbm>> -> memref<1x5000x64xf32, #tpu.memory_space<hbm>>
        %dma_wait3A_58 = tpu.memref_squeeze %dma_wait3A_57 : memref<1x5000x64xf32, #tpu.memory_space<hbm>> -> memref<5000x64xf32, #tpu.memory_space<hbm>>
        %dma_wait3A_59 = arith.constant 0 : i32
        %dma_wait3A_60 = arith.constant 0 : i32
        %dma_wait3A_61 = tpu.memref_slice %arg8[%dma_wait3A_59, %dma_wait3A_60] : memref<10000x64xf32, #tpu.memory_space<vmem_shared>> -> memref<5000x64xf32, #tpu.memory_space<vmem_shared>>
        tpu.wait_dma2 semaphore(%run_scoped3A : memref<!tpu.dma_semaphore, #tpu.memory_space<semaphore_mem>>) src(%dma_wait3A_61 : memref<5000x64xf32, #tpu.memory_space<vmem_shared>>) dst(%dma_wait3A_58 : memref<5000x64xf32, #tpu.memory_space<hbm>>)
        tpu.yield
      }) : () -> ()
    } else {
    }
    %eq3A_45 = arith.constant 1 : i32
    %eq3A_46 = arith.cmpi eq, %arg1, %eq3A_45 : i32
    %convert_element_type3A_47 = arith.extui %eq3A_46 : i1 to i32
    %cond3A_48 = arith.constant 0 : i32
    %cond3A_49 = arith.cmpi ne, %convert_element_type3A_47, %cond3A_48 : i32
    scf.if %cond3A_49 {
      "tpu.region"() ({
        %run_scoped3A = tpu.sem_alloc : memref<!tpu.dma_semaphore, #tpu.memory_space<semaphore_mem>>
        %dma_start3A = arith.constant 0 : i32
        %dma_start3A_50 = arith.constant 64 : i32
        %dma_start3A_51 = tpu.memref_slice %arg5[%arg0, %dma_start3A, %dma_start3A_50] : memref<2x5000x128xf32, #tpu.memory_space<hbm>> -> memref<1x5000x64xf32, #tpu.memory_space<hbm>>
        %dma_start3A_52 = tpu.memref_squeeze %dma_start3A_51 : memref<1x5000x64xf32, #tpu.memory_space<hbm>> -> memref<5000x64xf32, #tpu.memory_space<hbm>>
        %dma_start3A_53 = arith.constant 5000 : i32
        %dma_start3A_54 = arith.constant 0 : i32
        %dma_start3A_55 = tpu.memref_slice %arg8[%dma_start3A_53, %dma_start3A_54] : memref<10000x64xf32, #tpu.memory_space<vmem_shared>> -> memref<5000x64xf32, #tpu.memory_space<vmem_shared>>
        tpu.enqueue_dma source(%dma_start3A_55 : memref<5000x64xf32, #tpu.memory_space<vmem_shared>>) target(%dma_start3A_52 : memref<5000x64xf32, #tpu.memory_space<hbm>>) target_semaphore(%run_scoped3A : memref<!tpu.dma_semaphore, #tpu.memory_space<semaphore_mem>>)
        %dma_wait3A = arith.constant 0 : i32
        %dma_wait3A_56 = arith.constant 64 : i32
        %dma_wait3A_57 = tpu.memref_slice %arg5[%arg0, %dma_wait3A, %dma_wait3A_56] : memref<2x5000x128xf32, #tpu.memory_space<hbm>> -> memref<1x5000x64xf32, #tpu.memory_space<hbm>>
        %dma_wait3A_58 = tpu.memref_squeeze %dma_wait3A_57 : memref<1x5000x64xf32, #tpu.memory_space<hbm>> -> memref<5000x64xf32, #tpu.memory_space<hbm>>
        %dma_wait3A_59 = arith.constant 5000 : i32
        %dma_wait3A_60 = arith.constant 0 : i32
        %dma_wait3A_61 = tpu.memref_slice %arg8[%dma_wait3A_59, %dma_wait3A_60] : memref<10000x64xf32, #tpu.memory_space<vmem_shared>> -> memref<5000x64xf32, #tpu.memory_space<vmem_shared>>
        tpu.wait_dma2 semaphore(%run_scoped3A : memref<!tpu.dma_semaphore, #tpu.memory_space<semaphore_mem>>) src(%dma_wait3A_61 : memref<5000x64xf32, #tpu.memory_space<vmem_shared>>) dst(%dma_wait3A_58 : memref<5000x64xf32, #tpu.memory_space<hbm>>)
        tpu.yield
      }) : () -> ()
    } else {
    }
    return
  }
}

#map = affine_map<(d0, d1) -> (0, 0)>
#map1 = affine_map<(d0, d1) -> (0, 0, 0)>
module attributes {stable_mosaic.version = 14 : i64} {
  func.func @k(%arg0: i32, %arg1: i32, %arg2: memref<25600x128xf32, #tpu.memory_space<hbm>>, %arg3: memref<2x160000xi32, #tpu.memory_space<hbm>>, %arg4: memref<10000x64xf32, #tpu.memory_space<hbm>>, %arg5: memref<2x5000x128xf32, #tpu.memory_space<hbm>>, %arg6: memref<800xi32, #tpu.memory_space<vmem>>, %arg7: memref<800x64xf32, #tpu.memory_space<vmem>>, %arg8: memref<10000x64xf32, #tpu.memory_space<vmem_shared>>) attributes {dimension_semantics = [#tpu.dimension_semantics<core_parallel>, #tpu.dimension_semantics<subcore_parallel>], iteration_bounds = array<i64: 2, 16>, scalar_prefetch = 0 : i64, scratch_operands = 3 : i64, tpu.core_type = #tpu.core_type<sc_vector_subcore>, window_params = [{transform_indices = #map}, {transform_indices = #map}, {transform_indices = #map}, {transform_indices = #map1}]} {
    %eq3A = arith.constant 0 : i32
    %eq3A_0 = arith.cmpi eq, %arg1, %eq3A : i32
    %convert_element_type3A = arith.extui %eq3A_0 : i1 to i32
    %cond3A = arith.constant 0 : i32
    %cond3A_1 = arith.cmpi ne, %convert_element_type3A, %cond3A : i32
    scf.if %cond3A_1 {
      "tpu.region"() ({
        %run_scoped3A = tpu.sem_alloc : memref<!tpu.dma_semaphore, #tpu.memory_space<semaphore_mem>>
        tpu.enqueue_dma source(%arg4 : memref<10000x64xf32, #tpu.memory_space<hbm>>) target(%arg8 : memref<10000x64xf32, #tpu.memory_space<vmem_shared>>) target_semaphore(%run_scoped3A : memref<!tpu.dma_semaphore, #tpu.memory_space<semaphore_mem>>)
        tpu.wait_dma2 semaphore(%run_scoped3A : memref<!tpu.dma_semaphore, #tpu.memory_space<semaphore_mem>>) src(%arg4 : memref<10000x64xf32, #tpu.memory_space<hbm>>) dst(%arg8 : memref<10000x64xf32, #tpu.memory_space<vmem_shared>>)
        tpu.yield
      }) : () -> ()
    } else {
    }
    %barrier3A = arith.constant 0 : index
    tpu.barrier barrier_id(%barrier3A)
    %mul3A = arith.constant 2 : i32
    %mul3A_2 = arith.muli %arg1, %mul3A : i32
    %add3A = arith.addi %mul3A_2, %arg0 : i32
    %jit3A = arith.constant 16 : i32
    %div3A = arith.divsi %add3A, %jit3A : i32
    %sign3A = arith.constant 0 : i32
    %sign3A_3 = arith.cmpi sgt, %add3A, %sign3A : i32
    %sign3A_4 = arith.extui %sign3A_3 : i1 to i32
    %sign3A_5 = arith.constant 0 : i32
    %sign3A_6 = arith.cmpi slt, %add3A, %sign3A_5 : i32
    %sign3A_7 = arith.extui %sign3A_6 : i1 to i32
    %sign3A_8 = arith.subi %sign3A_4, %sign3A_7 : i32
    %sign3A_9 = arith.constant 0 : i32
    %sign3A_10 = arith.cmpi sgt, %jit3A, %sign3A_9 : i32
    %sign3A_11 = arith.extui %sign3A_10 : i1 to i32
    %sign3A_12 = arith.constant 0 : i32
    %sign3A_13 = arith.cmpi slt, %jit3A, %sign3A_12 : i32
    %sign3A_14 = arith.extui %sign3A_13 : i1 to i32
    %sign3A_15 = arith.subi %sign3A_11, %sign3A_14 : i32
    %ne3A = arith.cmpi ne, %sign3A_8, %sign3A_15 : i32
    %rem3A = arith.remsi %add3A, %jit3A : i32
    %ne3A_16 = arith.constant 0 : i32
    %ne3A_17 = arith.cmpi ne, %rem3A, %ne3A_16 : i32
    %and3A = arith.andi %ne3A, %ne3A_17 : i1
    %sub3A = arith.constant 1 : i32
    %sub3A_18 = arith.subi %div3A, %sub3A : i32
    %select_n3A = arith.select %and3A, %sub3A_18, %div3A : i32
    %jit3A_19 = arith.constant 16 : i32
    %eq3A_20 = arith.constant 0 : i32
    %eq3A_21 = arith.cmpi eq, %jit3A_19, %eq3A_20 : i32
    %jit3A_22 = arith.constant 1 : i32
    %select_n3A_23 = arith.select %eq3A_21, %jit3A_22, %jit3A_19 : i32
    %rem3A_24 = arith.remsi %add3A, %select_n3A_23 : i32
    %ne3A_25 = arith.constant 0 : i32
    %ne3A_26 = arith.cmpi ne, %rem3A_24, %ne3A_25 : i32
    %lt3A = arith.constant 0 : i32
    %lt3A_27 = arith.cmpi slt, %rem3A_24, %lt3A : i32
    %lt3A_28 = arith.constant 0 : i32
    %lt3A_29 = arith.cmpi slt, %select_n3A_23, %lt3A_28 : i32
    %ne3A_30 = arith.xori %lt3A_27, %lt3A_29 : i1
    %and3A_31 = arith.andi %ne3A_30, %ne3A_26 : i1
    %add3A_32 = arith.addi %rem3A_24, %select_n3A_23 : i32
    %select_n3A_33 = arith.select %and3A_31, %add3A_32, %rem3A_24 : i32
    %scan3A = arith.constant 0 : i32
    %scan3A_34 = arith.constant 0 : i32
    %scan3A_35 = arith.constant 2 : i32
    %scan3A_36 = arith.addi %scan3A_34, %scan3A_35 : i32
    %scan3A_37 = arith.constant 1 : i32
    scf.for %scan3A_50 = %scan3A_34 to %scan3A_36 step %scan3A_37  : i32 {
      %mul3A_51 = arith.constant 1600 : i32
      %mul3A_52 = arith.muli %select_n3A_33, %mul3A_51 : i32
      %mul3A_53 = arith.constant 800 : i32
      %mul3A_54 = arith.muli %scan3A_50, %mul3A_53 : i32
      %add3A_55 = arith.addi %mul3A_52, %mul3A_54 : i32
      %mul3A_56 = arith.constant 80000 : i32
      %mul3A_57 = arith.muli %select_n3A, %mul3A_56 : i32
      %add3A_58 = arith.constant 0 : i32
      %add3A_59 = arith.addi %mul3A_57, %add3A_58 : i32
      %add3A_60 = arith.addi %add3A_59, %add3A_55 : i32
      %run_scoped3A = arith.constant 1 : i32
      "tpu.region"() ({
        %run_scoped3A_71 = tpu.sem_alloc : memref<!tpu.dma_semaphore, #tpu.memory_space<semaphore_mem>>
        %dma_start3A = tpu.memref_slice %arg3[%run_scoped3A, %add3A_60] : memref<2x160000xi32, #tpu.memory_space<hbm>> -> memref<1x800xi32, #tpu.memory_space<hbm>>
        %dma_start3A_72 = tpu.memref_squeeze %dma_start3A : memref<1x800xi32, #tpu.memory_space<hbm>> -> memref<800xi32, #tpu.memory_space<hbm>>
        %dma_start3A_73 = tpu.memref_slice %arg3[%run_scoped3A, %add3A_60] : memref<2x160000xi32, #tpu.memory_space<hbm>> -> memref<1x800xi32, #tpu.memory_space<hbm>>
        %dma_start3A_74 = tpu.memref_squeeze %dma_start3A_73 : memref<1x800xi32, #tpu.memory_space<hbm>> -> memref<800xi32, #tpu.memory_space<hbm>>
        tpu.enqueue_dma source(%dma_start3A_74 : memref<800xi32, #tpu.memory_space<hbm>>) target(%arg6 : memref<800xi32, #tpu.memory_space<vmem>>) target_semaphore(%run_scoped3A_71 : memref<!tpu.dma_semaphore, #tpu.memory_space<semaphore_mem>>)
        %dma_wait3A = tpu.memref_slice %arg3[%run_scoped3A, %add3A_60] : memref<2x160000xi32, #tpu.memory_space<hbm>> -> memref<1x800xi32, #tpu.memory_space<hbm>>
        %dma_wait3A_75 = tpu.memref_squeeze %dma_wait3A : memref<1x800xi32, #tpu.memory_space<hbm>> -> memref<800xi32, #tpu.memory_space<hbm>>
        %dma_wait3A_76 = tpu.memref_slice %arg3[%run_scoped3A, %add3A_60] : memref<2x160000xi32, #tpu.memory_space<hbm>> -> memref<1x800xi32, #tpu.memory_space<hbm>>
        %dma_wait3A_77 = tpu.memref_squeeze %dma_wait3A_76 : memref<1x800xi32, #tpu.memory_space<hbm>> -> memref<800xi32, #tpu.memory_space<hbm>>
        tpu.wait_dma2 semaphore(%run_scoped3A_71 : memref<!tpu.dma_semaphore, #tpu.memory_space<semaphore_mem>>) src(%dma_wait3A_77 : memref<800xi32, #tpu.memory_space<hbm>>) dst(%arg6 : memref<800xi32, #tpu.memory_space<vmem>>)
        tpu.yield
      }) : () -> ()
      %eq3A_61 = arith.constant 0 : i32
      %eq3A_62 = arith.cmpi eq, %select_n3A, %eq3A_61 : i32
      %convert_element_type3A_63 = arith.extui %eq3A_62 : i1 to i32
      %cond3A_64 = arith.constant 0 : i32
      %cond3A_65 = arith.cmpi ne, %convert_element_type3A_63, %cond3A_64 : i32
      scf.if %cond3A_65 {
        "tpu.region"() ({
          %run_scoped3A_71 = tpu.sem_alloc : memref<!tpu.dma_semaphore, #tpu.memory_space<semaphore_mem>>
          %dma_start3A = arith.constant 0 : i32
          %dma_start3A_72 = tpu.memref_slice %arg2[%add3A_55, %dma_start3A] : memref<25600x128xf32, #tpu.memory_space<hbm>> -> memref<800x64xf32, #tpu.memory_space<hbm>>
          %dma_start3A_73 = arith.constant 0 : i32
          %dma_start3A_74 = tpu.memref_slice %arg2[%add3A_55, %dma_start3A_73] : memref<25600x128xf32, #tpu.memory_space<hbm>> -> memref<800x64xf32, #tpu.memory_space<hbm>>
          tpu.enqueue_dma source(%dma_start3A_74 : memref<800x64xf32, #tpu.memory_space<hbm>>) target(%arg7 : memref<800x64xf32, #tpu.memory_space<vmem>>) target_semaphore(%run_scoped3A_71 : memref<!tpu.dma_semaphore, #tpu.memory_space<semaphore_mem>>)
          %dma_wait3A = arith.constant 0 : i32
          %dma_wait3A_75 = tpu.memref_slice %arg2[%add3A_55, %dma_wait3A] : memref<25600x128xf32, #tpu.memory_space<hbm>> -> memref<800x64xf32, #tpu.memory_space<hbm>>
          %dma_wait3A_76 = arith.constant 0 : i32
          %dma_wait3A_77 = tpu.memref_slice %arg2[%add3A_55, %dma_wait3A_76] : memref<25600x128xf32, #tpu.memory_space<hbm>> -> memref<800x64xf32, #tpu.memory_space<hbm>>
          tpu.wait_dma2 semaphore(%run_scoped3A_71 : memref<!tpu.dma_semaphore, #tpu.memory_space<semaphore_mem>>) src(%dma_wait3A_77 : memref<800x64xf32, #tpu.memory_space<hbm>>) dst(%arg7 : memref<800x64xf32, #tpu.memory_space<vmem>>)
          tpu.yield
        }) : () -> ()
      } else {
      }
      %eq3A_66 = arith.constant 1 : i32
      %eq3A_67 = arith.cmpi eq, %select_n3A, %eq3A_66 : i32
      %convert_element_type3A_68 = arith.extui %eq3A_67 : i1 to i32
      %cond3A_69 = arith.constant 0 : i32
      %cond3A_70 = arith.cmpi ne, %convert_element_type3A_68, %cond3A_69 : i32
      scf.if %cond3A_70 {
        "tpu.region"() ({
          %run_scoped3A_71 = tpu.sem_alloc : memref<!tpu.dma_semaphore, #tpu.memory_space<semaphore_mem>>
          %dma_start3A = arith.constant 64 : i32
          %dma_start3A_72 = tpu.memref_slice %arg2[%add3A_55, %dma_start3A] : memref<25600x128xf32, #tpu.memory_space<hbm>> -> memref<800x64xf32, #tpu.memory_space<hbm>>
          %dma_start3A_73 = arith.constant 64 : i32
          %dma_start3A_74 = tpu.memref_slice %arg2[%add3A_55, %dma_start3A_73] : memref<25600x128xf32, #tpu.memory_space<hbm>> -> memref<800x64xf32, #tpu.memory_space<hbm>>
          tpu.enqueue_dma source(%dma_start3A_74 : memref<800x64xf32, #tpu.memory_space<hbm>>) target(%arg7 : memref<800x64xf32, #tpu.memory_space<vmem>>) target_semaphore(%run_scoped3A_71 : memref<!tpu.dma_semaphore, #tpu.memory_space<semaphore_mem>>)
          %dma_wait3A = arith.constant 64 : i32
          %dma_wait3A_75 = tpu.memref_slice %arg2[%add3A_55, %dma_wait3A] : memref<25600x128xf32, #tpu.memory_space<hbm>> -> memref<800x64xf32, #tpu.memory_space<hbm>>
          %dma_wait3A_76 = arith.constant 64 : i32
          %dma_wait3A_77 = tpu.memref_slice %arg2[%add3A_55, %dma_wait3A_76] : memref<25600x128xf32, #tpu.memory_space<hbm>> -> memref<800x64xf32, #tpu.memory_space<hbm>>
          tpu.wait_dma2 semaphore(%run_scoped3A_71 : memref<!tpu.dma_semaphore, #tpu.memory_space<semaphore_mem>>) src(%dma_wait3A_77 : memref<800x64xf32, #tpu.memory_space<hbm>>) dst(%arg7 : memref<800x64xf32, #tpu.memory_space<vmem>>)
          tpu.yield
        }) : () -> ()
      } else {
      }
      "tpu.region"() ({
        %run_scoped3A_71 = tpu.sem_alloc : memref<!tpu.dma_semaphore, #tpu.memory_space<semaphore_mem>>
        %dma_start3A = arith.constant 0 : i32
        %dma_start3A_72 = arith.constant 0 : i32
        %dma_start3A_73 = tpu.memref_slice %arg8[%dma_start3A, %dma_start3A_72] : memref<10000x64xf32, #tpu.memory_space<vmem_shared>> -> memref<10000x64xf32, #tpu.memory_space<vmem_shared>>
        tpu.enqueue_indirect_dma source(%arg7 : memref<800x64xf32, #tpu.memory_space<vmem>>) target(%dma_start3A_73 : memref<10000x64xf32, #tpu.memory_space<vmem_shared>>) offsets(%arg6 : memref<800xi32, #tpu.memory_space<vmem>>) semaphore(%run_scoped3A_71 : memref<!tpu.dma_semaphore, #tpu.memory_space<semaphore_mem>>) {add = true}
        %dma_wait3A = arith.constant 0 : i32
        %dma_wait3A_74 = arith.constant 0 : i32
        %dma_wait3A_75 = tpu.memref_slice %arg8[%dma_wait3A, %dma_wait3A_74] : memref<10000x64xf32, #tpu.memory_space<vmem_shared>> -> memref<10000x64xf32, #tpu.memory_space<vmem_shared>>
        tpu.wait_indirect_dma semaphore(%run_scoped3A_71 : memref<!tpu.dma_semaphore, #tpu.memory_space<semaphore_mem>>) src(%arg7 : memref<800x64xf32, #tpu.memory_space<vmem>>) dst(%dma_wait3A_75 : memref<10000x64xf32, #tpu.memory_space<vmem_shared>>)
        tpu.yield
      }) : () -> ()
    }
    %scan3A_38 = arith.constant 2 : i32
    %barrier3A_39 = arith.constant 0 : index
    tpu.barrier barrier_id(%barrier3A_39)
    %eq3A_40 = arith.constant 0 : i32
    %eq3A_41 = arith.cmpi eq, %arg1, %eq3A_40 : i32
    %convert_element_type3A_42 = arith.extui %eq3A_41 : i1 to i32
    %cond3A_43 = arith.constant 0 : i32
    %cond3A_44 = arith.cmpi ne, %convert_element_type3A_42, %cond3A_43 : i32
    scf.if %cond3A_44 {
      "tpu.region"() ({
        %run_scoped3A = tpu.sem_alloc : memref<!tpu.dma_semaphore, #tpu.memory_space<semaphore_mem>>
        %dma_start3A = arith.constant 0 : i32
        %dma_start3A_50 = arith.constant 0 : i32
        %dma_start3A_51 = tpu.memref_slice %arg5[%arg0, %dma_start3A, %dma_start3A_50] : memref<2x5000x128xf32, #tpu.memory_space<hbm>> -> memref<1x5000x64xf32, #tpu.memory_space<hbm>>
        %dma_start3A_52 = tpu.memref_squeeze %dma_start3A_51 : memref<1x5000x64xf32, #tpu.memory_space<hbm>> -> memref<5000x64xf32, #tpu.memory_space<hbm>>
        %dma_start3A_53 = arith.constant 0 : i32
        %dma_start3A_54 = arith.constant 0 : i32
        %dma_start3A_55 = tpu.memref_slice %arg8[%dma_start3A_53, %dma_start3A_54] : memref<10000x64xf32, #tpu.memory_space<vmem_shared>> -> memref<5000x64xf32, #tpu.memory_space<vmem_shared>>
        tpu.enqueue_dma source(%dma_start3A_55 : memref<5000x64xf32, #tpu.memory_space<vmem_shared>>) target(%dma_start3A_52 : memref<5000x64xf32, #tpu.memory_space<hbm>>) target_semaphore(%run_scoped3A : memref<!tpu.dma_semaphore, #tpu.memory_space<semaphore_mem>>)
        %dma_wait3A = arith.constant 0 : i32
        %dma_wait3A_56 = arith.constant 0 : i32
        %dma_wait3A_57 = tpu.memref_slice %arg5[%arg0, %dma_wait3A, %dma_wait3A_56] : memref<2x5000x128xf32, #tpu.memory_space<hbm>> -> memref<1x5000x64xf32, #tpu.memory_space<hbm>>
        %dma_wait3A_58 = tpu.memref_squeeze %dma_wait3A_57 : memref<1x5000x64xf32, #tpu.memory_space<hbm>> -> memref<5000x64xf32, #tpu.memory_space<hbm>>
        %dma_wait3A_59 = arith.constant 0 : i32
        %dma_wait3A_60 = arith.constant 0 : i32
        %dma_wait3A_61 = tpu.memref_slice %arg8[%dma_wait3A_59, %dma_wait3A_60] : memref<10000x64xf32, #tpu.memory_space<vmem_shared>> -> memref<5000x64xf32, #tpu.memory_space<vmem_shared>>
        tpu.wait_dma2 semaphore(%run_scoped3A : memref<!tpu.dma_semaphore, #tpu.memory_space<semaphore_mem>>) src(%dma_wait3A_61 : memref<5000x64xf32, #tpu.memory_space<vmem_shared>>) dst(%dma_wait3A_58 : memref<5000x64xf32, #tpu.memory_space<hbm>>)
        tpu.yield
      }) : () -> ()
    } else {
    }
    %eq3A_45 = arith.constant 1 : i32
    %eq3A_46 = arith.cmpi eq, %arg1, %eq3A_45 : i32
    %convert_element_type3A_47 = arith.extui %eq3A_46 : i1 to i32
    %cond3A_48 = arith.constant 0 : i32
    %cond3A_49 = arith.cmpi ne, %convert_element_type3A_47, %cond3A_48 : i32
    scf.if %cond3A_49 {
      "tpu.region"() ({
        %run_scoped3A = tpu.sem_alloc : memref<!tpu.dma_semaphore, #tpu.memory_space<semaphore_mem>>
        %dma_start3A = arith.constant 0 : i32
        %dma_start3A_50 = arith.constant 64 : i32
        %dma_start3A_51 = tpu.memref_slice %arg5[%arg0, %dma_start3A, %dma_start3A_50] : memref<2x5000x128xf32, #tpu.memory_space<hbm>> -> memref<1x5000x64xf32, #tpu.memory_space<hbm>>
        %dma_start3A_52 = tpu.memref_squeeze %dma_start3A_51 : memref<1x5000x64xf32, #tpu.memory_space<hbm>> -> memref<5000x64xf32, #tpu.memory_space<hbm>>
        %dma_start3A_53 = arith.constant 5000 : i32
        %dma_start3A_54 = arith.constant 0 : i32
        %dma_start3A_55 = tpu.memref_slice %arg8[%dma_start3A_53, %dma_start3A_54] : memref<10000x64xf32, #tpu.memory_space<vmem_shared>> -> memref<5000x64xf32, #tpu.memory_space<vmem_shared>>
        tpu.enqueue_dma source(%dma_start3A_55 : memref<5000x64xf32, #tpu.memory_space<vmem_shared>>) target(%dma_start3A_52 : memref<5000x64xf32, #tpu.memory_space<hbm>>) target_semaphore(%run_scoped3A : memref<!tpu.dma_semaphore, #tpu.memory_space<semaphore_mem>>)
        %dma_wait3A = arith.constant 0 : i32
        %dma_wait3A_56 = arith.constant 64 : i32
        %dma_wait3A_57 = tpu.memref_slice %arg5[%arg0, %dma_wait3A, %dma_wait3A_56] : memref<2x5000x128xf32, #tpu.memory_space<hbm>> -> memref<1x5000x64xf32, #tpu.memory_space<hbm>>
        %dma_wait3A_58 = tpu.memref_squeeze %dma_wait3A_57 : memref<1x5000x64xf32, #tpu.memory_space<hbm>> -> memref<5000x64xf32, #tpu.memory_space<hbm>>
        %dma_wait3A_59 = arith.constant 5000 : i32
        %dma_wait3A_60 = arith.constant 0 : i32
        %dma_wait3A_61 = tpu.memref_slice %arg8[%dma_wait3A_59, %dma_wait3A_60] : memref<10000x64xf32, #tpu.memory_space<vmem_shared>> -> memref<5000x64xf32, #tpu.memory_space<vmem_shared>>
        tpu.wait_dma2 semaphore(%run_scoped3A : memref<!tpu.dma_semaphore, #tpu.memory_space<semaphore_mem>>) src(%dma_wait3A_61 : memref<5000x64xf32, #tpu.memory_space<vmem_shared>>) dst(%dma_wait3A_58 : memref<5000x64xf32, #tpu.memory_space<hbm>>)
        tpu.yield
      }) : () -> ()
    } else {
    }
    return
  }
}

module attributes {stable_mosaic.version = 14 : i64} {
  func.func @_node_mm_body(%arg0: i32, %arg1: memref<1000x256xf32, #tpu.memory_space<vmem>>, %arg2: memref<256x64xf32, #tpu.memory_space<vmem>>, %arg3: memref<1x64xf32, #tpu.memory_space<vmem>>, %arg4: memref<256x64xf32, #tpu.memory_space<vmem>>, %arg5: memref<1000x64xf32, #tpu.memory_space<vmem>>, %arg6: memref<1000x64xf32, #tpu.memory_space<vmem>>) attributes {dimension_semantics = [#tpu.dimension_semantics<arbitrary>], iteration_bounds = array<i64: 10>, scalar_prefetch = 0 : i64, scratch_operands = 0 : i64, tpu.core_type = #tpu.core_type<tc>, window_params = [{transform_indices = @transform_0, window_bounds = array<i64: 1000, 256>}, {pipeline_mode = #tpu.pipeline_mode<synchronous>, transform_indices = @transform_1, window_bounds = array<i64: 256, 64>}, {pipeline_mode = #tpu.pipeline_mode<synchronous>, transform_indices = @transform_2, window_bounds = array<i64: 1, 64>}, {pipeline_mode = #tpu.pipeline_mode<synchronous>, transform_indices = @transform_3, window_bounds = array<i64: 256, 64>}, {transform_indices = @transform_4, window_bounds = array<i64: 1000, 64>}, {transform_indices = @transform_5, window_bounds = array<i64: 1000, 64>}]} {
    %get3A = arith.constant 0 : index
    %get3A_0 = arith.constant 0 : index
    %get3A_1 = vector.load %arg1[%get3A, %get3A_0] : memref<1000x256xf32, #tpu.memory_space<vmem>>, vector<1000x256xf32>
    %get3A_2 = arith.constant 0 : index
    %get3A_3 = arith.constant 0 : index
    %get3A_4 = vector.load %arg2[%get3A_2, %get3A_3] : memref<256x64xf32, #tpu.memory_space<vmem>>, vector<256x64xf32>
    %dot_general3A = arith.constant dense<0.000000e+00> : vector<1000x64xf32>
    %dot_general3A_5 = tpu.matmul %get3A_1, %get3A_4, %dot_general3A {dimension_numbers = #tpu.dot_dimension_numbers<[1], [0], [0], [1], [0, 0, 1, 1], [], []>, transpose_lhs_hint = false} : vector<1000x256xf32>, vector<256x64xf32>, vector<1000x64xf32> -> vector<1000x64xf32>
    %get3A_6 = arith.constant 0 : index
    %get3A_7 = arith.constant 0 : index
    %get3A_8 = vector.load %arg3[%get3A_6, %get3A_7] : memref<1x64xf32, #tpu.memory_space<vmem>>, vector<1x64xf32>
    %add3A = vector.broadcast %get3A_8 : vector<1x64xf32> to vector<1000x64xf32>
    %add3A_9 = arith.addf %dot_general3A_5, %add3A : vector<1000x64xf32>
    %swap3A = arith.constant 0 : index
    %swap3A_10 = arith.constant 0 : index
    %swap3A_11 = vector.load %arg5[%swap3A, %swap3A_10] : memref<1000x64xf32, #tpu.memory_space<vmem>>, vector<1000x64xf32>
    tpu.vector_store %arg5[%swap3A, %swap3A_10], %add3A_9 {strides = array<i32>} : memref<1000x64xf32, #tpu.memory_space<vmem>>, vector<1000x64xf32>,
    %get3A_12 = arith.constant 0 : index
    %get3A_13 = arith.constant 0 : index
    %get3A_14 = vector.load %arg4[%get3A_12, %get3A_13] : memref<256x64xf32, #tpu.memory_space<vmem>>, vector<256x64xf32>
    %dot_general3A_15 = arith.constant dense<0.000000e+00> : vector<1000x64xf32>
    %dot_general3A_16 = tpu.matmul %get3A_1, %get3A_14, %dot_general3A_15 {dimension_numbers = #tpu.dot_dimension_numbers<[1], [0], [0], [1], [0, 0, 1, 1], [], []>, transpose_lhs_hint = false} : vector<1000x256xf32>, vector<256x64xf32>, vector<1000x64xf32> -> vector<1000x64xf32>
    %swap3A_17 = arith.constant 0 : index
    %swap3A_18 = arith.constant 0 : index
    %swap3A_19 = vector.load %arg6[%swap3A_17, %swap3A_18] : memref<1000x64xf32, #tpu.memory_space<vmem>>, vector<1000x64xf32>
    tpu.vector_store %arg6[%swap3A_17, %swap3A_18], %dot_general3A_16 {strides = array<i32>} : memref<1000x64xf32, #tpu.memory_space<vmem>>, vector<1000x64xf32>,
    return
  }
  func.func @transform_0(%arg0: i32) -> (i32, i32) {
    %c0_i32 = arith.constant 0 : i32
    %c0_i32_0 = arith.constant 0 : i32
    return %arg0, %c0_i32 : i32, i32
  }
  func.func @transform_1(%arg0: i32) -> (i32, i32) {
    %c0_i32 = arith.constant 0 : i32
    %c0_i32_0 = arith.constant 0 : i32
    %c0_i32_1 = arith.constant 0 : i32
    return %c0_i32, %c0_i32_0 : i32, i32
  }
  func.func @transform_2(%arg0: i32) -> (i32, i32) {
    %c0_i32 = arith.constant 0 : i32
    %c0_i32_0 = arith.constant 0 : i32
    %c0_i32_1 = arith.constant 0 : i32
    return %c0_i32, %c0_i32_0 : i32, i32
  }
  func.func @transform_3(%arg0: i32) -> (i32, i32) {
    %c0_i32 = arith.constant 0 : i32
    %c0_i32_0 = arith.constant 0 : i32
    %c0_i32_1 = arith.constant 0 : i32
    return %c0_i32, %c0_i32_0 : i32, i32
  }
  func.func @transform_4(%arg0: i32) -> (i32, i32) {
    %c0_i32 = arith.constant 0 : i32
    %c0_i32_0 = arith.constant 0 : i32
    return %arg0, %c0_i32 : i32, i32
  }
  func.func @transform_5(%arg0: i32) -> (i32, i32) {
    %c0_i32 = arith.constant 0 : i32
    %c0_i32_0 = arith.constant 0 : i32
    return %arg0, %c0_i32 : i32, i32
  }
}

module attributes {stable_mosaic.version = 14 : i64} {
  func.func @_edge_mlp_body(%arg0: i32, %arg1: memref<3200x128xf32, #tpu.memory_space<vmem>>, %arg2: memref<16x3200xf32, #tpu.memory_space<vmem>>, %arg3: memref<16x3200xf32, #tpu.memory_space<vmem>>, %arg4: memref<16x64xf32, #tpu.memory_space<vmem>>, %arg5: memref<128x64xf32, #tpu.memory_space<vmem>>, %arg6: memref<1x64xf32, #tpu.memory_space<vmem>>, %arg7: memref<64x32xf32, #tpu.memory_space<vmem>>, %arg8: memref<1x32xf32, #tpu.memory_space<vmem>>, %arg9: memref<32x16xf32, #tpu.memory_space<vmem>>, %arg10: memref<1x16xf32, #tpu.memory_space<vmem>>, %arg11: memref<16x128xf32, #tpu.memory_space<vmem>>, %arg12: memref<1x128xf32, #tpu.memory_space<vmem>>, %arg13: memref<3200x128xf32, #tpu.memory_space<vmem>>) attributes {dimension_semantics = [#tpu.dimension_semantics<arbitrary>], iteration_bounds = array<i64: 9>, scalar_prefetch = 0 : i64, scratch_operands = 0 : i64, tpu.core_type = #tpu.core_type<tc>, window_params = [{transform_indices = @transform_0, window_bounds = array<i64: 3200, 128>}, {transform_indices = @transform_1, window_bounds = array<i64: 16, 3200>}, {transform_indices = @transform_2, window_bounds = array<i64: 16, 3200>}, {pipeline_mode = #tpu.pipeline_mode<synchronous>, transform_indices = @transform_3, window_bounds = array<i64: 16, 64>}, {pipeline_mode = #tpu.pipeline_mode<synchronous>, transform_indices = @transform_4, window_bounds = array<i64: 128, 64>}, {pipeline_mode = #tpu.pipeline_mode<synchronous>, transform_indices = @transform_5, window_bounds = array<i64: 1, 64>}, {pipeline_mode = #tpu.pipeline_mode<synchronous>, transform_indices = @transform_6, window_bounds = array<i64: 64, 32>}, {pipeline_mode = #tpu.pipeline_mode<synchronous>, transform_indices = @transform_7, window_bounds = array<i64: 1, 32>}, {pipeline_mode = #tpu.pipeline_mode<synchronous>, transform_indices = @transform_8, window_bounds = array<i64: 32, 16>}, {pipeline_mode = #tpu.pipeline_mode<synchronous>, transform_indices = @transform_9, window_bounds = array<i64: 1, 16>}, {pipeline_mode = #tpu.pipeline_mode<synchronous>, transform_indices = @transform_10, window_bounds = array<i64: 16, 128>}, {pipeline_mode = #tpu.pipeline_mode<synchronous>, transform_indices = @transform_11, window_bounds = array<i64: 1, 128>}, {transform_indices = @transform_12, window_bounds = array<i64: 3200, 128>}]} {
    %get3A = arith.constant 0 : index
    %get3A_0 = arith.constant 0 : index
    %get3A_1 = vector.load %arg2[%get3A, %get3A_0] : memref<16x3200xf32, #tpu.memory_space<vmem>>, vector<16x3200xf32>
    %get3A_2 = arith.constant 0 : index
    %get3A_3 = arith.constant 0 : index
    %get3A_4 = vector.load %arg4[%get3A_2, %get3A_3] : memref<16x64xf32, #tpu.memory_space<vmem>>, vector<16x64xf32>
    %dot_general3A = arith.constant dense<0.000000e+00> : vector<3200x64xf32>
    %dot_general3A_5 = tpu.matmul %get3A_1, %get3A_4, %dot_general3A {dimension_numbers = #tpu.dot_dimension_numbers<[0], [0], [1], [1], [0, 1, 1, 1], [], []>, transpose_lhs_hint = false} : vector<16x3200xf32>, vector<16x64xf32>, vector<3200x64xf32> -> vector<3200x64xf32>
    %get3A_6 = arith.constant 0 : index
    %get3A_7 = arith.constant 0 : index
    %get3A_8 = vector.load %arg3[%get3A_6, %get3A_7] : memref<16x3200xf32, #tpu.memory_space<vmem>>, vector<16x3200xf32>
    %get3A_9 = arith.constant 0 : index
    %get3A_10 = arith.constant 0 : index
    %get3A_11 = vector.load %arg4[%get3A_9, %get3A_10] : memref<16x64xf32, #tpu.memory_space<vmem>>, vector<16x64xf32>
    %dot_general3A_12 = arith.constant dense<0.000000e+00> : vector<3200x64xf32>
    %dot_general3A_13 = tpu.matmul %get3A_8, %get3A_11, %dot_general3A_12 {dimension_numbers = #tpu.dot_dimension_numbers<[0], [0], [1], [1], [0, 1, 1, 1], [], []>, transpose_lhs_hint = false} : vector<16x3200xf32>, vector<16x64xf32>, vector<3200x64xf32> -> vector<3200x64xf32>
    %concatenate3A = tpu.concatenate %dot_general3A_5, %dot_general3A_13 in 1 : vector<3200x64xf32>, vector<3200x64xf32> -> vector<3200x128xf32>
    %get3A_14 = arith.constant 0 : index
    %get3A_15 = arith.constant 0 : index
    %get3A_16 = vector.load %arg1[%get3A_14, %get3A_15] : memref<3200x128xf32, #tpu.memory_space<vmem>>, vector<3200x128xf32>
    %add3A = arith.addf %get3A_16, %concatenate3A : vector<3200x128xf32>
    %ge3A = arith.constant 0.000000e+00 : f32
    %ge3A_17 = vector.broadcast %ge3A : f32 to vector<3200x128xf32>
    %ge3A_18 = arith.cmpf oge, %add3A, %ge3A_17 : vector<3200x128xf32>
    %mul3A = arith.constant 1.000000e-01 : f32
    %mul3A_19 = vector.broadcast %mul3A : f32 to vector<3200x128xf32>
    %mul3A_20 = arith.mulf %mul3A_19, %add3A : vector<3200x128xf32>
    %select_n3A = arith.select %ge3A_18, %add3A, %mul3A_20 : vector<3200x128xi1>, vector<3200x128xf32>
    %get3A_21 = arith.constant 0 : index
    %get3A_22 = arith.constant 0 : index
    %get3A_23 = vector.load %arg5[%get3A_21, %get3A_22] : memref<128x64xf32, #tpu.memory_space<vmem>>, vector<128x64xf32>
    %dot_general3A_24 = arith.constant dense<0.000000e+00> : vector<3200x64xf32>
    %dot_general3A_25 = tpu.matmul %select_n3A, %get3A_23, %dot_general3A_24 {dimension_numbers = #tpu.dot_dimension_numbers<[1], [0], [0], [1], [0, 0, 1, 1], [], []>, transpose_lhs_hint = false} : vector<3200x128xf32>, vector<128x64xf32>, vector<3200x64xf32> -> vector<3200x64xf32>
    %get3A_26 = arith.constant 0 : index
    %get3A_27 = arith.constant 0 : index
    %get3A_28 = vector.load %arg6[%get3A_26, %get3A_27] : memref<1x64xf32, #tpu.memory_space<vmem>>, vector<1x64xf32>
    %add3A_29 = vector.broadcast %get3A_28 : vector<1x64xf32> to vector<3200x64xf32>
    %add3A_30 = arith.addf %dot_general3A_25, %add3A_29 : vector<3200x64xf32>
    %ge3A_31 = arith.constant 0.000000e+00 : f32
    %ge3A_32 = vector.broadcast %ge3A_31 : f32 to vector<3200x64xf32>
    %ge3A_33 = arith.cmpf oge, %add3A_30, %ge3A_32 : vector<3200x64xf32>
    %mul3A_34 = arith.constant 1.000000e-01 : f32
    %mul3A_35 = vector.broadcast %mul3A_34 : f32 to vector<3200x64xf32>
    %mul3A_36 = arith.mulf %mul3A_35, %add3A_30 : vector<3200x64xf32>
    %select_n3A_37 = arith.select %ge3A_33, %add3A_30, %mul3A_36 : vector<3200x64xi1>, vector<3200x64xf32>
    %get3A_38 = arith.constant 0 : index
    %get3A_39 = arith.constant 0 : index
    %get3A_40 = vector.load %arg7[%get3A_38, %get3A_39] : memref<64x32xf32, #tpu.memory_space<vmem>>, vector<64x32xf32>
    %dot_general3A_41 = arith.constant dense<0.000000e+00> : vector<3200x32xf32>
    %dot_general3A_42 = tpu.matmul %select_n3A_37, %get3A_40, %dot_general3A_41 {dimension_numbers = #tpu.dot_dimension_numbers<[1], [0], [0], [1], [0, 0, 1, 1], [], []>, transpose_lhs_hint = false} : vector<3200x64xf32>, vector<64x32xf32>, vector<3200x32xf32> -> vector<3200x32xf32>
    %get3A_43 = arith.constant 0 : index
    %get3A_44 = arith.constant 0 : index
    %get3A_45 = vector.load %arg8[%get3A_43, %get3A_44] : memref<1x32xf32, #tpu.memory_space<vmem>>, vector<1x32xf32>
    %add3A_46 = vector.broadcast %get3A_45 : vector<1x32xf32> to vector<3200x32xf32>
    %add3A_47 = arith.addf %dot_general3A_42, %add3A_46 : vector<3200x32xf32>
    %ge3A_48 = arith.constant 0.000000e+00 : f32
    %ge3A_49 = vector.broadcast %ge3A_48 : f32 to vector<3200x32xf32>
    %ge3A_50 = arith.cmpf oge, %add3A_47, %ge3A_49 : vector<3200x32xf32>
    %mul3A_51 = arith.constant 1.000000e-01 : f32
    %mul3A_52 = vector.broadcast %mul3A_51 : f32 to vector<3200x32xf32>
    %mul3A_53 = arith.mulf %mul3A_52, %add3A_47 : vector<3200x32xf32>
    %select_n3A_54 = arith.select %ge3A_50, %add3A_47, %mul3A_53 : vector<3200x32xi1>, vector<3200x32xf32>
    %get3A_55 = arith.constant 0 : index
    %get3A_56 = arith.constant 0 : index
    %get3A_57 = vector.load %arg9[%get3A_55, %get3A_56] : memref<32x16xf32, #tpu.memory_space<vmem>>, vector<32x16xf32>
    %dot_general3A_58 = arith.constant dense<0.000000e+00> : vector<3200x16xf32>
    %dot_general3A_59 = tpu.matmul %select_n3A_54, %get3A_57, %dot_general3A_58 {dimension_numbers = #tpu.dot_dimension_numbers<[1], [0], [0], [1], [0, 0, 1, 1], [], []>, transpose_lhs_hint = false} : vector<3200x32xf32>, vector<32x16xf32>, vector<3200x16xf32> -> vector<3200x16xf32>
    %get3A_60 = arith.constant 0 : index
    %get3A_61 = arith.constant 0 : index
    %get3A_62 = vector.load %arg10[%get3A_60, %get3A_61] : memref<1x16xf32, #tpu.memory_space<vmem>>, vector<1x16xf32>
    %add3A_63 = vector.broadcast %get3A_62 : vector<1x16xf32> to vector<3200x16xf32>
    %add3A_64 = arith.addf %dot_general3A_59, %add3A_63 : vector<3200x16xf32>
    %ge3A_65 = arith.constant 0.000000e+00 : f32
    %ge3A_66 = vector.broadcast %ge3A_65 : f32 to vector<3200x16xf32>
    %ge3A_67 = arith.cmpf oge, %add3A_64, %ge3A_66 : vector<3200x16xf32>
    %mul3A_68 = arith.constant 1.000000e-01 : f32
    %mul3A_69 = vector.broadcast %mul3A_68 : f32 to vector<3200x16xf32>
    %mul3A_70 = arith.mulf %mul3A_69, %add3A_64 : vector<3200x16xf32>
    %select_n3A_71 = arith.select %ge3A_67, %add3A_64, %mul3A_70 : vector<3200x16xi1>, vector<3200x16xf32>
    %get3A_72 = arith.constant 0 : index
    %get3A_73 = arith.constant 0 : index
    %get3A_74 = vector.load %arg11[%get3A_72, %get3A_73] : memref<16x128xf32, #tpu.memory_space<vmem>>, vector<16x128xf32>
    %dot_general3A_75 = arith.constant dense<0.000000e+00> : vector<3200x128xf32>
    %dot_general3A_76 = tpu.matmul %select_n3A_71, %get3A_74, %dot_general3A_75 {dimension_numbers = #tpu.dot_dimension_numbers<[1], [0], [0], [1], [0, 0, 1, 1], [], []>, transpose_lhs_hint = false} : vector<3200x16xf32>, vector<16x128xf32>, vector<3200x128xf32> -> vector<3200x128xf32>
    %get3A_77 = arith.constant 0 : index
    %get3A_78 = arith.constant 0 : index
    %get3A_79 = vector.load %arg12[%get3A_77, %get3A_78] : memref<1x128xf32, #tpu.memory_space<vmem>>, vector<1x128xf32>
    %add3A_80 = vector.broadcast %get3A_79 : vector<1x128xf32> to vector<3200x128xf32>
    %add3A_81 = arith.addf %dot_general3A_76, %add3A_80 : vector<3200x128xf32>
    %swap3A = arith.constant 0 : index
    %swap3A_82 = arith.constant 0 : index
    %swap3A_83 = vector.load %arg13[%swap3A, %swap3A_82] : memref<3200x128xf32, #tpu.memory_space<vmem>>, vector<3200x128xf32>
    tpu.vector_store %arg13[%swap3A, %swap3A_82], %add3A_81 {strides = array<i32>} : memref<3200x128xf32, #tpu.memory_space<vmem>>, vector<3200x128xf32>,
    return
  }
  func.func @transform_0(%arg0: i32) -> (i32, i32) {
    %c0_i32 = arith.constant 0 : i32
    %c0_i32_0 = arith.constant 0 : i32
    return %arg0, %c0_i32 : i32, i32
  }
  func.func @transform_1(%arg0: i32) -> (i32, i32) {
    %add3A = arith.constant 16 : i32
    %add3A_0 = arith.addi %arg0, %add3A : i32
    %c0_i32 = arith.constant 0 : i32
    %c0_i32_1 = arith.constant 0 : i32
    return %c0_i32, %add3A_0 : i32, i32
  }
  func.func @transform_2(%arg0: i32) -> (i32, i32) {
    %add3A = arith.constant 16 : i32
    %add3A_0 = arith.addi %arg0, %add3A : i32
    %add3A_1 = arith.constant 25 : i32
    %add3A_2 = arith.addi %add3A_0, %add3A_1 : i32
    %c0_i32 = arith.constant 0 : i32
    %c0_i32_3 = arith.constant 0 : i32
    return %c0_i32, %add3A_2 : i32, i32
  }
  func.func @transform_3(%arg0: i32) -> (i32, i32) {
    %c0_i32 = arith.constant 0 : i32
    %c0_i32_0 = arith.constant 0 : i32
    %c0_i32_1 = arith.constant 0 : i32
    return %c0_i32, %c0_i32_0 : i32, i32
  }
  func.func @transform_4(%arg0: i32) -> (i32, i32) {
    %c0_i32 = arith.constant 0 : i32
    %c0_i32_0 = arith.constant 0 : i32
    %c0_i32_1 = arith.constant 0 : i32
    return %c0_i32, %c0_i32_0 : i32, i32
  }
  func.func @transform_5(%arg0: i32) -> (i32, i32) {
    %c0_i32 = arith.constant 0 : i32
    %c0_i32_0 = arith.constant 0 : i32
    %c0_i32_1 = arith.constant 0 : i32
    return %c0_i32, %c0_i32_0 : i32, i32
  }
  func.func @transform_6(%arg0: i32) -> (i32, i32) {
    %c0_i32 = arith.constant 0 : i32
    %c0_i32_0 = arith.constant 0 : i32
    %c0_i32_1 = arith.constant 0 : i32
    return %c0_i32, %c0_i32_0 : i32, i32
  }
  func.func @transform_7(%arg0: i32) -> (i32, i32) {
    %c0_i32 = arith.constant 0 : i32
    %c0_i32_0 = arith.constant 0 : i32
    %c0_i32_1 = arith.constant 0 : i32
    return %c0_i32, %c0_i32_0 : i32, i32
  }
  func.func @transform_8(%arg0: i32) -> (i32, i32) {
    %c0_i32 = arith.constant 0 : i32
    %c0_i32_0 = arith.constant 0 : i32
    %c0_i32_1 = arith.constant 0 : i32
    return %c0_i32, %c0_i32_0 : i32, i32
  }
  func.func @transform_9(%arg0: i32) -> (i32, i32) {
    %c0_i32 = arith.constant 0 : i32
    %c0_i32_0 = arith.constant 0 : i32
    %c0_i32_1 = arith.constant 0 : i32
    return %c0_i32, %c0_i32_0 : i32, i32
  }
  func.func @transform_10(%arg0: i32) -> (i32, i32) {
    %c0_i32 = arith.constant 0 : i32
    %c0_i32_0 = arith.constant 0 : i32
    %c0_i32_1 = arith.constant 0 : i32
    return %c0_i32, %c0_i32_0 : i32, i32
  }
  func.func @transform_11(%arg0: i32) -> (i32, i32) {
    %c0_i32 = arith.constant 0 : i32
    %c0_i32_0 = arith.constant 0 : i32
    %c0_i32_1 = arith.constant 0 : i32
    return %c0_i32, %c0_i32_0 : i32, i32
  }
  func.func @transform_12(%arg0: i32) -> (i32, i32) {
    %c0_i32 = arith.constant 0 : i32
    %c0_i32_0 = arith.constant 0 : i32
    return %arg0, %c0_i32 : i32, i32
  }
}

module attributes {stable_mosaic.version = 14 : i64} {
  func.func @_edge_mlp_body(%arg0: i32, %arg1: memref<3200x128xf32, #tpu.memory_space<vmem>>, %arg2: memref<16x3200xf32, #tpu.memory_space<vmem>>, %arg3: memref<16x3200xf32, #tpu.memory_space<vmem>>, %arg4: memref<16x64xf32, #tpu.memory_space<vmem>>, %arg5: memref<128x64xf32, #tpu.memory_space<vmem>>, %arg6: memref<1x64xf32, #tpu.memory_space<vmem>>, %arg7: memref<64x32xf32, #tpu.memory_space<vmem>>, %arg8: memref<1x32xf32, #tpu.memory_space<vmem>>, %arg9: memref<32x16xf32, #tpu.memory_space<vmem>>, %arg10: memref<1x16xf32, #tpu.memory_space<vmem>>, %arg11: memref<16x128xf32, #tpu.memory_space<vmem>>, %arg12: memref<1x128xf32, #tpu.memory_space<vmem>>, %arg13: memref<3200x128xf32, #tpu.memory_space<vmem>>) attributes {dimension_semantics = [#tpu.dimension_semantics<arbitrary>], iteration_bounds = array<i64: 8>, scalar_prefetch = 0 : i64, scratch_operands = 0 : i64, tpu.core_type = #tpu.core_type<tc>, window_params = [{transform_indices = @transform_0, window_bounds = array<i64: 3200, 128>}, {transform_indices = @transform_1, window_bounds = array<i64: 16, 3200>}, {transform_indices = @transform_2, window_bounds = array<i64: 16, 3200>}, {pipeline_mode = #tpu.pipeline_mode<synchronous>, transform_indices = @transform_3, window_bounds = array<i64: 16, 64>}, {pipeline_mode = #tpu.pipeline_mode<synchronous>, transform_indices = @transform_4, window_bounds = array<i64: 128, 64>}, {pipeline_mode = #tpu.pipeline_mode<synchronous>, transform_indices = @transform_5, window_bounds = array<i64: 1, 64>}, {pipeline_mode = #tpu.pipeline_mode<synchronous>, transform_indices = @transform_6, window_bounds = array<i64: 64, 32>}, {pipeline_mode = #tpu.pipeline_mode<synchronous>, transform_indices = @transform_7, window_bounds = array<i64: 1, 32>}, {pipeline_mode = #tpu.pipeline_mode<synchronous>, transform_indices = @transform_8, window_bounds = array<i64: 32, 16>}, {pipeline_mode = #tpu.pipeline_mode<synchronous>, transform_indices = @transform_9, window_bounds = array<i64: 1, 16>}, {pipeline_mode = #tpu.pipeline_mode<synchronous>, transform_indices = @transform_10, window_bounds = array<i64: 16, 128>}, {pipeline_mode = #tpu.pipeline_mode<synchronous>, transform_indices = @transform_11, window_bounds = array<i64: 1, 128>}, {transform_indices = @transform_12, window_bounds = array<i64: 3200, 128>}]} {
    %get3A = arith.constant 0 : index
    %get3A_0 = arith.constant 0 : index
    %get3A_1 = vector.load %arg2[%get3A, %get3A_0] : memref<16x3200xf32, #tpu.memory_space<vmem>>, vector<16x3200xf32>
    %get3A_2 = arith.constant 0 : index
    %get3A_3 = arith.constant 0 : index
    %get3A_4 = vector.load %arg4[%get3A_2, %get3A_3] : memref<16x64xf32, #tpu.memory_space<vmem>>, vector<16x64xf32>
    %dot_general3A = arith.constant dense<0.000000e+00> : vector<3200x64xf32>
    %dot_general3A_5 = tpu.matmul %get3A_1, %get3A_4, %dot_general3A {dimension_numbers = #tpu.dot_dimension_numbers<[0], [0], [1], [1], [0, 1, 1, 1], [], []>, transpose_lhs_hint = false} : vector<16x3200xf32>, vector<16x64xf32>, vector<3200x64xf32> -> vector<3200x64xf32>
    %get3A_6 = arith.constant 0 : index
    %get3A_7 = arith.constant 0 : index
    %get3A_8 = vector.load %arg3[%get3A_6, %get3A_7] : memref<16x3200xf32, #tpu.memory_space<vmem>>, vector<16x3200xf32>
    %get3A_9 = arith.constant 0 : index
    %get3A_10 = arith.constant 0 : index
    %get3A_11 = vector.load %arg4[%get3A_9, %get3A_10] : memref<16x64xf32, #tpu.memory_space<vmem>>, vector<16x64xf32>
    %dot_general3A_12 = arith.constant dense<0.000000e+00> : vector<3200x64xf32>
    %dot_general3A_13 = tpu.matmul %get3A_8, %get3A_11, %dot_general3A_12 {dimension_numbers = #tpu.dot_dimension_numbers<[0], [0], [1], [1], [0, 1, 1, 1], [], []>, transpose_lhs_hint = false} : vector<16x3200xf32>, vector<16x64xf32>, vector<3200x64xf32> -> vector<3200x64xf32>
    %concatenate3A = tpu.concatenate %dot_general3A_5, %dot_general3A_13 in 1 : vector<3200x64xf32>, vector<3200x64xf32> -> vector<3200x128xf32>
    %get3A_14 = arith.constant 0 : index
    %get3A_15 = arith.constant 0 : index
    %get3A_16 = vector.load %arg1[%get3A_14, %get3A_15] : memref<3200x128xf32, #tpu.memory_space<vmem>>, vector<3200x128xf32>
    %add3A = arith.addf %get3A_16, %concatenate3A : vector<3200x128xf32>
    %ge3A = arith.constant 0.000000e+00 : f32
    %ge3A_17 = vector.broadcast %ge3A : f32 to vector<3200x128xf32>
    %ge3A_18 = arith.cmpf oge, %add3A, %ge3A_17 : vector<3200x128xf32>
    %mul3A = arith.constant 1.000000e-01 : f32
    %mul3A_19 = vector.broadcast %mul3A : f32 to vector<3200x128xf32>
    %mul3A_20 = arith.mulf %mul3A_19, %add3A : vector<3200x128xf32>
    %select_n3A = arith.select %ge3A_18, %add3A, %mul3A_20 : vector<3200x128xi1>, vector<3200x128xf32>
    %get3A_21 = arith.constant 0 : index
    %get3A_22 = arith.constant 0 : index
    %get3A_23 = vector.load %arg5[%get3A_21, %get3A_22] : memref<128x64xf32, #tpu.memory_space<vmem>>, vector<128x64xf32>
    %dot_general3A_24 = arith.constant dense<0.000000e+00> : vector<3200x64xf32>
    %dot_general3A_25 = tpu.matmul %select_n3A, %get3A_23, %dot_general3A_24 {dimension_numbers = #tpu.dot_dimension_numbers<[1], [0], [0], [1], [0, 0, 1, 1], [], []>, transpose_lhs_hint = false} : vector<3200x128xf32>, vector<128x64xf32>, vector<3200x64xf32> -> vector<3200x64xf32>
    %get3A_26 = arith.constant 0 : index
    %get3A_27 = arith.constant 0 : index
    %get3A_28 = vector.load %arg6[%get3A_26, %get3A_27] : memref<1x64xf32, #tpu.memory_space<vmem>>, vector<1x64xf32>
    %add3A_29 = vector.broadcast %get3A_28 : vector<1x64xf32> to vector<3200x64xf32>
    %add3A_30 = arith.addf %dot_general3A_25, %add3A_29 : vector<3200x64xf32>
    %ge3A_31 = arith.constant 0.000000e+00 : f32
    %ge3A_32 = vector.broadcast %ge3A_31 : f32 to vector<3200x64xf32>
    %ge3A_33 = arith.cmpf oge, %add3A_30, %ge3A_32 : vector<3200x64xf32>
    %mul3A_34 = arith.constant 1.000000e-01 : f32
    %mul3A_35 = vector.broadcast %mul3A_34 : f32 to vector<3200x64xf32>
    %mul3A_36 = arith.mulf %mul3A_35, %add3A_30 : vector<3200x64xf32>
    %select_n3A_37 = arith.select %ge3A_33, %add3A_30, %mul3A_36 : vector<3200x64xi1>, vector<3200x64xf32>
    %get3A_38 = arith.constant 0 : index
    %get3A_39 = arith.constant 0 : index
    %get3A_40 = vector.load %arg7[%get3A_38, %get3A_39] : memref<64x32xf32, #tpu.memory_space<vmem>>, vector<64x32xf32>
    %dot_general3A_41 = arith.constant dense<0.000000e+00> : vector<3200x32xf32>
    %dot_general3A_42 = tpu.matmul %select_n3A_37, %get3A_40, %dot_general3A_41 {dimension_numbers = #tpu.dot_dimension_numbers<[1], [0], [0], [1], [0, 0, 1, 1], [], []>, transpose_lhs_hint = false} : vector<3200x64xf32>, vector<64x32xf32>, vector<3200x32xf32> -> vector<3200x32xf32>
    %get3A_43 = arith.constant 0 : index
    %get3A_44 = arith.constant 0 : index
    %get3A_45 = vector.load %arg8[%get3A_43, %get3A_44] : memref<1x32xf32, #tpu.memory_space<vmem>>, vector<1x32xf32>
    %add3A_46 = vector.broadcast %get3A_45 : vector<1x32xf32> to vector<3200x32xf32>
    %add3A_47 = arith.addf %dot_general3A_42, %add3A_46 : vector<3200x32xf32>
    %ge3A_48 = arith.constant 0.000000e+00 : f32
    %ge3A_49 = vector.broadcast %ge3A_48 : f32 to vector<3200x32xf32>
    %ge3A_50 = arith.cmpf oge, %add3A_47, %ge3A_49 : vector<3200x32xf32>
    %mul3A_51 = arith.constant 1.000000e-01 : f32
    %mul3A_52 = vector.broadcast %mul3A_51 : f32 to vector<3200x32xf32>
    %mul3A_53 = arith.mulf %mul3A_52, %add3A_47 : vector<3200x32xf32>
    %select_n3A_54 = arith.select %ge3A_50, %add3A_47, %mul3A_53 : vector<3200x32xi1>, vector<3200x32xf32>
    %get3A_55 = arith.constant 0 : index
    %get3A_56 = arith.constant 0 : index
    %get3A_57 = vector.load %arg9[%get3A_55, %get3A_56] : memref<32x16xf32, #tpu.memory_space<vmem>>, vector<32x16xf32>
    %dot_general3A_58 = arith.constant dense<0.000000e+00> : vector<3200x16xf32>
    %dot_general3A_59 = tpu.matmul %select_n3A_54, %get3A_57, %dot_general3A_58 {dimension_numbers = #tpu.dot_dimension_numbers<[1], [0], [0], [1], [0, 0, 1, 1], [], []>, transpose_lhs_hint = false} : vector<3200x32xf32>, vector<32x16xf32>, vector<3200x16xf32> -> vector<3200x16xf32>
    %get3A_60 = arith.constant 0 : index
    %get3A_61 = arith.constant 0 : index
    %get3A_62 = vector.load %arg10[%get3A_60, %get3A_61] : memref<1x16xf32, #tpu.memory_space<vmem>>, vector<1x16xf32>
    %add3A_63 = vector.broadcast %get3A_62 : vector<1x16xf32> to vector<3200x16xf32>
    %add3A_64 = arith.addf %dot_general3A_59, %add3A_63 : vector<3200x16xf32>
    %ge3A_65 = arith.constant 0.000000e+00 : f32
    %ge3A_66 = vector.broadcast %ge3A_65 : f32 to vector<3200x16xf32>
    %ge3A_67 = arith.cmpf oge, %add3A_64, %ge3A_66 : vector<3200x16xf32>
    %mul3A_68 = arith.constant 1.000000e-01 : f32
    %mul3A_69 = vector.broadcast %mul3A_68 : f32 to vector<3200x16xf32>
    %mul3A_70 = arith.mulf %mul3A_69, %add3A_64 : vector<3200x16xf32>
    %select_n3A_71 = arith.select %ge3A_67, %add3A_64, %mul3A_70 : vector<3200x16xi1>, vector<3200x16xf32>
    %get3A_72 = arith.constant 0 : index
    %get3A_73 = arith.constant 0 : index
    %get3A_74 = vector.load %arg11[%get3A_72, %get3A_73] : memref<16x128xf32, #tpu.memory_space<vmem>>, vector<16x128xf32>
    %dot_general3A_75 = arith.constant dense<0.000000e+00> : vector<3200x128xf32>
    %dot_general3A_76 = tpu.matmul %select_n3A_71, %get3A_74, %dot_general3A_75 {dimension_numbers = #tpu.dot_dimension_numbers<[1], [0], [0], [1], [0, 0, 1, 1], [], []>, transpose_lhs_hint = false} : vector<3200x16xf32>, vector<16x128xf32>, vector<3200x128xf32> -> vector<3200x128xf32>
    %get3A_77 = arith.constant 0 : index
    %get3A_78 = arith.constant 0 : index
    %get3A_79 = vector.load %arg12[%get3A_77, %get3A_78] : memref<1x128xf32, #tpu.memory_space<vmem>>, vector<1x128xf32>
    %add3A_80 = vector.broadcast %get3A_79 : vector<1x128xf32> to vector<3200x128xf32>
    %add3A_81 = arith.addf %dot_general3A_76, %add3A_80 : vector<3200x128xf32>
    %swap3A = arith.constant 0 : index
    %swap3A_82 = arith.constant 0 : index
    %swap3A_83 = vector.load %arg13[%swap3A, %swap3A_82] : memref<3200x128xf32, #tpu.memory_space<vmem>>, vector<3200x128xf32>
    tpu.vector_store %arg13[%swap3A, %swap3A_82], %add3A_81 {strides = array<i32>} : memref<3200x128xf32, #tpu.memory_space<vmem>>, vector<3200x128xf32>,
    return
  }
  func.func @transform_0(%arg0: i32) -> (i32, i32) {
    %c0_i32 = arith.constant 0 : i32
    %c0_i32_0 = arith.constant 0 : i32
    return %arg0, %c0_i32 : i32, i32
  }
  func.func @transform_1(%arg0: i32) -> (i32, i32) {
    %add3A = arith.constant 8 : i32
    %add3A_0 = arith.addi %arg0, %add3A : i32
    %c0_i32 = arith.constant 0 : i32
    %c0_i32_1 = arith.constant 0 : i32
    return %c0_i32, %add3A_0 : i32, i32
  }
  func.func @transform_2(%arg0: i32) -> (i32, i32) {
    %add3A = arith.constant 8 : i32
    %add3A_0 = arith.addi %arg0, %add3A : i32
    %add3A_1 = arith.constant 25 : i32
    %add3A_2 = arith.addi %add3A_0, %add3A_1 : i32
    %c0_i32 = arith.constant 0 : i32
    %c0_i32_3 = arith.constant 0 : i32
    return %c0_i32, %add3A_2 : i32, i32
  }
  func.func @transform_3(%arg0: i32) -> (i32, i32) {
    %c0_i32 = arith.constant 0 : i32
    %c0_i32_0 = arith.constant 0 : i32
    %c0_i32_1 = arith.constant 0 : i32
    return %c0_i32, %c0_i32_0 : i32, i32
  }
  func.func @transform_4(%arg0: i32) -> (i32, i32) {
    %c0_i32 = arith.constant 0 : i32
    %c0_i32_0 = arith.constant 0 : i32
    %c0_i32_1 = arith.constant 0 : i32
    return %c0_i32, %c0_i32_0 : i32, i32
  }
  func.func @transform_5(%arg0: i32) -> (i32, i32) {
    %c0_i32 = arith.constant 0 : i32
    %c0_i32_0 = arith.constant 0 : i32
    %c0_i32_1 = arith.constant 0 : i32
    return %c0_i32, %c0_i32_0 : i32, i32
  }
  func.func @transform_6(%arg0: i32) -> (i32, i32) {
    %c0_i32 = arith.constant 0 : i32
    %c0_i32_0 = arith.constant 0 : i32
    %c0_i32_1 = arith.constant 0 : i32
    return %c0_i32, %c0_i32_0 : i32, i32
  }
  func.func @transform_7(%arg0: i32) -> (i32, i32) {
    %c0_i32 = arith.constant 0 : i32
    %c0_i32_0 = arith.constant 0 : i32
    %c0_i32_1 = arith.constant 0 : i32
    return %c0_i32, %c0_i32_0 : i32, i32
  }
  func.func @transform_8(%arg0: i32) -> (i32, i32) {
    %c0_i32 = arith.constant 0 : i32
    %c0_i32_0 = arith.constant 0 : i32
    %c0_i32_1 = arith.constant 0 : i32
    return %c0_i32, %c0_i32_0 : i32, i32
  }
  func.func @transform_9(%arg0: i32) -> (i32, i32) {
    %c0_i32 = arith.constant 0 : i32
    %c0_i32_0 = arith.constant 0 : i32
    %c0_i32_1 = arith.constant 0 : i32
    return %c0_i32, %c0_i32_0 : i32, i32
  }
  func.func @transform_10(%arg0: i32) -> (i32, i32) {
    %c0_i32 = arith.constant 0 : i32
    %c0_i32_0 = arith.constant 0 : i32
    %c0_i32_1 = arith.constant 0 : i32
    return %c0_i32, %c0_i32_0 : i32, i32
  }
  func.func @transform_11(%arg0: i32) -> (i32, i32) {
    %c0_i32 = arith.constant 0 : i32
    %c0_i32_0 = arith.constant 0 : i32
    %c0_i32_1 = arith.constant 0 : i32
    return %c0_i32, %c0_i32_0 : i32, i32
  }
  func.func @transform_12(%arg0: i32) -> (i32, i32) {
    %c0_i32 = arith.constant 0 : i32
    %c0_i32_0 = arith.constant 0 : i32
    return %arg0, %c0_i32 : i32, i32
  }
}

module attributes {stable_mosaic.version = 14 : i64} {
  func.func @_edge_mlp_body(%arg0: i32, %arg1: memref<3200x128xf32, #tpu.memory_space<vmem>>, %arg2: memref<16x3200xf32, #tpu.memory_space<vmem>>, %arg3: memref<16x3200xf32, #tpu.memory_space<vmem>>, %arg4: memref<16x64xf32, #tpu.memory_space<vmem>>, %arg5: memref<128x64xf32, #tpu.memory_space<vmem>>, %arg6: memref<1x64xf32, #tpu.memory_space<vmem>>, %arg7: memref<64x32xf32, #tpu.memory_space<vmem>>, %arg8: memref<1x32xf32, #tpu.memory_space<vmem>>, %arg9: memref<32x16xf32, #tpu.memory_space<vmem>>, %arg10: memref<1x16xf32, #tpu.memory_space<vmem>>, %arg11: memref<16x128xf32, #tpu.memory_space<vmem>>, %arg12: memref<1x128xf32, #tpu.memory_space<vmem>>, %arg13: memref<3200x128xf32, #tpu.memory_space<vmem>>) attributes {dimension_semantics = [#tpu.dimension_semantics<arbitrary>], iteration_bounds = array<i64: 8>, scalar_prefetch = 0 : i64, scratch_operands = 0 : i64, tpu.core_type = #tpu.core_type<tc>, window_params = [{transform_indices = @transform_0, window_bounds = array<i64: 3200, 128>}, {transform_indices = @transform_1, window_bounds = array<i64: 16, 3200>}, {transform_indices = @transform_2, window_bounds = array<i64: 16, 3200>}, {pipeline_mode = #tpu.pipeline_mode<synchronous>, transform_indices = @transform_3, window_bounds = array<i64: 16, 64>}, {pipeline_mode = #tpu.pipeline_mode<synchronous>, transform_indices = @transform_4, window_bounds = array<i64: 128, 64>}, {pipeline_mode = #tpu.pipeline_mode<synchronous>, transform_indices = @transform_5, window_bounds = array<i64: 1, 64>}, {pipeline_mode = #tpu.pipeline_mode<synchronous>, transform_indices = @transform_6, window_bounds = array<i64: 64, 32>}, {pipeline_mode = #tpu.pipeline_mode<synchronous>, transform_indices = @transform_7, window_bounds = array<i64: 1, 32>}, {pipeline_mode = #tpu.pipeline_mode<synchronous>, transform_indices = @transform_8, window_bounds = array<i64: 32, 16>}, {pipeline_mode = #tpu.pipeline_mode<synchronous>, transform_indices = @transform_9, window_bounds = array<i64: 1, 16>}, {pipeline_mode = #tpu.pipeline_mode<synchronous>, transform_indices = @transform_10, window_bounds = array<i64: 16, 128>}, {pipeline_mode = #tpu.pipeline_mode<synchronous>, transform_indices = @transform_11, window_bounds = array<i64: 1, 128>}, {transform_indices = @transform_12, window_bounds = array<i64: 3200, 128>}]} {
    %get3A = arith.constant 0 : index
    %get3A_0 = arith.constant 0 : index
    %get3A_1 = vector.load %arg2[%get3A, %get3A_0] : memref<16x3200xf32, #tpu.memory_space<vmem>>, vector<16x3200xf32>
    %get3A_2 = arith.constant 0 : index
    %get3A_3 = arith.constant 0 : index
    %get3A_4 = vector.load %arg4[%get3A_2, %get3A_3] : memref<16x64xf32, #tpu.memory_space<vmem>>, vector<16x64xf32>
    %dot_general3A = arith.constant dense<0.000000e+00> : vector<3200x64xf32>
    %dot_general3A_5 = tpu.matmul %get3A_1, %get3A_4, %dot_general3A {dimension_numbers = #tpu.dot_dimension_numbers<[0], [0], [1], [1], [0, 1, 1, 1], [], []>, transpose_lhs_hint = false} : vector<16x3200xf32>, vector<16x64xf32>, vector<3200x64xf32> -> vector<3200x64xf32>
    %get3A_6 = arith.constant 0 : index
    %get3A_7 = arith.constant 0 : index
    %get3A_8 = vector.load %arg3[%get3A_6, %get3A_7] : memref<16x3200xf32, #tpu.memory_space<vmem>>, vector<16x3200xf32>
    %get3A_9 = arith.constant 0 : index
    %get3A_10 = arith.constant 0 : index
    %get3A_11 = vector.load %arg4[%get3A_9, %get3A_10] : memref<16x64xf32, #tpu.memory_space<vmem>>, vector<16x64xf32>
    %dot_general3A_12 = arith.constant dense<0.000000e+00> : vector<3200x64xf32>
    %dot_general3A_13 = tpu.matmul %get3A_8, %get3A_11, %dot_general3A_12 {dimension_numbers = #tpu.dot_dimension_numbers<[0], [0], [1], [1], [0, 1, 1, 1], [], []>, transpose_lhs_hint = false} : vector<16x3200xf32>, vector<16x64xf32>, vector<3200x64xf32> -> vector<3200x64xf32>
    %concatenate3A = tpu.concatenate %dot_general3A_5, %dot_general3A_13 in 1 : vector<3200x64xf32>, vector<3200x64xf32> -> vector<3200x128xf32>
    %get3A_14 = arith.constant 0 : index
    %get3A_15 = arith.constant 0 : index
    %get3A_16 = vector.load %arg1[%get3A_14, %get3A_15] : memref<3200x128xf32, #tpu.memory_space<vmem>>, vector<3200x128xf32>
    %add3A = arith.addf %get3A_16, %concatenate3A : vector<3200x128xf32>
    %ge3A = arith.constant 0.000000e+00 : f32
    %ge3A_17 = vector.broadcast %ge3A : f32 to vector<3200x128xf32>
    %ge3A_18 = arith.cmpf oge, %add3A, %ge3A_17 : vector<3200x128xf32>
    %mul3A = arith.constant 1.000000e-01 : f32
    %mul3A_19 = vector.broadcast %mul3A : f32 to vector<3200x128xf32>
    %mul3A_20 = arith.mulf %mul3A_19, %add3A : vector<3200x128xf32>
    %select_n3A = arith.select %ge3A_18, %add3A, %mul3A_20 : vector<3200x128xi1>, vector<3200x128xf32>
    %get3A_21 = arith.constant 0 : index
    %get3A_22 = arith.constant 0 : index
    %get3A_23 = vector.load %arg5[%get3A_21, %get3A_22] : memref<128x64xf32, #tpu.memory_space<vmem>>, vector<128x64xf32>
    %dot_general3A_24 = arith.constant dense<0.000000e+00> : vector<3200x64xf32>
    %dot_general3A_25 = tpu.matmul %select_n3A, %get3A_23, %dot_general3A_24 {dimension_numbers = #tpu.dot_dimension_numbers<[1], [0], [0], [1], [0, 0, 1, 1], [], []>, transpose_lhs_hint = false} : vector<3200x128xf32>, vector<128x64xf32>, vector<3200x64xf32> -> vector<3200x64xf32>
    %get3A_26 = arith.constant 0 : index
    %get3A_27 = arith.constant 0 : index
    %get3A_28 = vector.load %arg6[%get3A_26, %get3A_27] : memref<1x64xf32, #tpu.memory_space<vmem>>, vector<1x64xf32>
    %add3A_29 = vector.broadcast %get3A_28 : vector<1x64xf32> to vector<3200x64xf32>
    %add3A_30 = arith.addf %dot_general3A_25, %add3A_29 : vector<3200x64xf32>
    %ge3A_31 = arith.constant 0.000000e+00 : f32
    %ge3A_32 = vector.broadcast %ge3A_31 : f32 to vector<3200x64xf32>
    %ge3A_33 = arith.cmpf oge, %add3A_30, %ge3A_32 : vector<3200x64xf32>
    %mul3A_34 = arith.constant 1.000000e-01 : f32
    %mul3A_35 = vector.broadcast %mul3A_34 : f32 to vector<3200x64xf32>
    %mul3A_36 = arith.mulf %mul3A_35, %add3A_30 : vector<3200x64xf32>
    %select_n3A_37 = arith.select %ge3A_33, %add3A_30, %mul3A_36 : vector<3200x64xi1>, vector<3200x64xf32>
    %get3A_38 = arith.constant 0 : index
    %get3A_39 = arith.constant 0 : index
    %get3A_40 = vector.load %arg7[%get3A_38, %get3A_39] : memref<64x32xf32, #tpu.memory_space<vmem>>, vector<64x32xf32>
    %dot_general3A_41 = arith.constant dense<0.000000e+00> : vector<3200x32xf32>
    %dot_general3A_42 = tpu.matmul %select_n3A_37, %get3A_40, %dot_general3A_41 {dimension_numbers = #tpu.dot_dimension_numbers<[1], [0], [0], [1], [0, 0, 1, 1], [], []>, transpose_lhs_hint = false} : vector<3200x64xf32>, vector<64x32xf32>, vector<3200x32xf32> -> vector<3200x32xf32>
    %get3A_43 = arith.constant 0 : index
    %get3A_44 = arith.constant 0 : index
    %get3A_45 = vector.load %arg8[%get3A_43, %get3A_44] : memref<1x32xf32, #tpu.memory_space<vmem>>, vector<1x32xf32>
    %add3A_46 = vector.broadcast %get3A_45 : vector<1x32xf32> to vector<3200x32xf32>
    %add3A_47 = arith.addf %dot_general3A_42, %add3A_46 : vector<3200x32xf32>
    %ge3A_48 = arith.constant 0.000000e+00 : f32
    %ge3A_49 = vector.broadcast %ge3A_48 : f32 to vector<3200x32xf32>
    %ge3A_50 = arith.cmpf oge, %add3A_47, %ge3A_49 : vector<3200x32xf32>
    %mul3A_51 = arith.constant 1.000000e-01 : f32
    %mul3A_52 = vector.broadcast %mul3A_51 : f32 to vector<3200x32xf32>
    %mul3A_53 = arith.mulf %mul3A_52, %add3A_47 : vector<3200x32xf32>
    %select_n3A_54 = arith.select %ge3A_50, %add3A_47, %mul3A_53 : vector<3200x32xi1>, vector<3200x32xf32>
    %get3A_55 = arith.constant 0 : index
    %get3A_56 = arith.constant 0 : index
    %get3A_57 = vector.load %arg9[%get3A_55, %get3A_56] : memref<32x16xf32, #tpu.memory_space<vmem>>, vector<32x16xf32>
    %dot_general3A_58 = arith.constant dense<0.000000e+00> : vector<3200x16xf32>
    %dot_general3A_59 = tpu.matmul %select_n3A_54, %get3A_57, %dot_general3A_58 {dimension_numbers = #tpu.dot_dimension_numbers<[1], [0], [0], [1], [0, 0, 1, 1], [], []>, transpose_lhs_hint = false} : vector<3200x32xf32>, vector<32x16xf32>, vector<3200x16xf32> -> vector<3200x16xf32>
    %get3A_60 = arith.constant 0 : index
    %get3A_61 = arith.constant 0 : index
    %get3A_62 = vector.load %arg10[%get3A_60, %get3A_61] : memref<1x16xf32, #tpu.memory_space<vmem>>, vector<1x16xf32>
    %add3A_63 = vector.broadcast %get3A_62 : vector<1x16xf32> to vector<3200x16xf32>
    %add3A_64 = arith.addf %dot_general3A_59, %add3A_63 : vector<3200x16xf32>
    %ge3A_65 = arith.constant 0.000000e+00 : f32
    %ge3A_66 = vector.broadcast %ge3A_65 : f32 to vector<3200x16xf32>
    %ge3A_67 = arith.cmpf oge, %add3A_64, %ge3A_66 : vector<3200x16xf32>
    %mul3A_68 = arith.constant 1.000000e-01 : f32
    %mul3A_69 = vector.broadcast %mul3A_68 : f32 to vector<3200x16xf32>
    %mul3A_70 = arith.mulf %mul3A_69, %add3A_64 : vector<3200x16xf32>
    %select_n3A_71 = arith.select %ge3A_67, %add3A_64, %mul3A_70 : vector<3200x16xi1>, vector<3200x16xf32>
    %get3A_72 = arith.constant 0 : index
    %get3A_73 = arith.constant 0 : index
    %get3A_74 = vector.load %arg11[%get3A_72, %get3A_73] : memref<16x128xf32, #tpu.memory_space<vmem>>, vector<16x128xf32>
    %dot_general3A_75 = arith.constant dense<0.000000e+00> : vector<3200x128xf32>
    %dot_general3A_76 = tpu.matmul %select_n3A_71, %get3A_74, %dot_general3A_75 {dimension_numbers = #tpu.dot_dimension_numbers<[1], [0], [0], [1], [0, 0, 1, 1], [], []>, transpose_lhs_hint = false} : vector<3200x16xf32>, vector<16x128xf32>, vector<3200x128xf32> -> vector<3200x128xf32>
    %get3A_77 = arith.constant 0 : index
    %get3A_78 = arith.constant 0 : index
    %get3A_79 = vector.load %arg12[%get3A_77, %get3A_78] : memref<1x128xf32, #tpu.memory_space<vmem>>, vector<1x128xf32>
    %add3A_80 = vector.broadcast %get3A_79 : vector<1x128xf32> to vector<3200x128xf32>
    %add3A_81 = arith.addf %dot_general3A_76, %add3A_80 : vector<3200x128xf32>
    %swap3A = arith.constant 0 : index
    %swap3A_82 = arith.constant 0 : index
    %swap3A_83 = vector.load %arg13[%swap3A, %swap3A_82] : memref<3200x128xf32, #tpu.memory_space<vmem>>, vector<3200x128xf32>
    tpu.vector_store %arg13[%swap3A, %swap3A_82], %add3A_81 {strides = array<i32>} : memref<3200x128xf32, #tpu.memory_space<vmem>>, vector<3200x128xf32>,
    return
  }
  func.func @transform_0(%arg0: i32) -> (i32, i32) {
    %c0_i32 = arith.constant 0 : i32
    %c0_i32_0 = arith.constant 0 : i32
    return %arg0, %c0_i32 : i32, i32
  }
  func.func @transform_1(%arg0: i32) -> (i32, i32) {
    %add3A = arith.constant 0 : i32
    %add3A_0 = arith.addi %arg0, %add3A : i32
    %c0_i32 = arith.constant 0 : i32
    %c0_i32_1 = arith.constant 0 : i32
    return %c0_i32, %add3A_0 : i32, i32
  }
  func.func @transform_2(%arg0: i32) -> (i32, i32) {
    %add3A = arith.constant 0 : i32
    %add3A_0 = arith.addi %arg0, %add3A : i32
    %add3A_1 = arith.constant 25 : i32
    %add3A_2 = arith.addi %add3A_0, %add3A_1 : i32
    %c0_i32 = arith.constant 0 : i32
    %c0_i32_3 = arith.constant 0 : i32
    return %c0_i32, %add3A_2 : i32, i32
  }
  func.func @transform_3(%arg0: i32) -> (i32, i32) {
    %c0_i32 = arith.constant 0 : i32
    %c0_i32_0 = arith.constant 0 : i32
    %c0_i32_1 = arith.constant 0 : i32
    return %c0_i32, %c0_i32_0 : i32, i32
  }
  func.func @transform_4(%arg0: i32) -> (i32, i32) {
    %c0_i32 = arith.constant 0 : i32
    %c0_i32_0 = arith.constant 0 : i32
    %c0_i32_1 = arith.constant 0 : i32
    return %c0_i32, %c0_i32_0 : i32, i32
  }
  func.func @transform_5(%arg0: i32) -> (i32, i32) {
    %c0_i32 = arith.constant 0 : i32
    %c0_i32_0 = arith.constant 0 : i32
    %c0_i32_1 = arith.constant 0 : i32
    return %c0_i32, %c0_i32_0 : i32, i32
  }
  func.func @transform_6(%arg0: i32) -> (i32, i32) {
    %c0_i32 = arith.constant 0 : i32
    %c0_i32_0 = arith.constant 0 : i32
    %c0_i32_1 = arith.constant 0 : i32
    return %c0_i32, %c0_i32_0 : i32, i32
  }
  func.func @transform_7(%arg0: i32) -> (i32, i32) {
    %c0_i32 = arith.constant 0 : i32
    %c0_i32_0 = arith.constant 0 : i32
    %c0_i32_1 = arith.constant 0 : i32
    return %c0_i32, %c0_i32_0 : i32, i32
  }
  func.func @transform_8(%arg0: i32) -> (i32, i32) {
    %c0_i32 = arith.constant 0 : i32
    %c0_i32_0 = arith.constant 0 : i32
    %c0_i32_1 = arith.constant 0 : i32
    return %c0_i32, %c0_i32_0 : i32, i32
  }
  func.func @transform_9(%arg0: i32) -> (i32, i32) {
    %c0_i32 = arith.constant 0 : i32
    %c0_i32_0 = arith.constant 0 : i32
    %c0_i32_1 = arith.constant 0 : i32
    return %c0_i32, %c0_i32_0 : i32, i32
  }
  func.func @transform_10(%arg0: i32) -> (i32, i32) {
    %c0_i32 = arith.constant 0 : i32
    %c0_i32_0 = arith.constant 0 : i32
    %c0_i32_1 = arith.constant 0 : i32
    return %c0_i32, %c0_i32_0 : i32, i32
  }
  func.func @transform_11(%arg0: i32) -> (i32, i32) {
    %c0_i32 = arith.constant 0 : i32
    %c0_i32_0 = arith.constant 0 : i32
    %c0_i32_1 = arith.constant 0 : i32
    return %c0_i32, %c0_i32_0 : i32, i32
  }
  func.func @transform_12(%arg0: i32) -> (i32, i32) {
    %c0_i32 = arith.constant 0 : i32
    %c0_i32_0 = arith.constant 0 : i32
    return %arg0, %c0_i32 : i32, i32
  }
}

module attributes {stable_mosaic.version = 14 : i64} {
  func.func @_node2_body(%arg0: i32, %arg1: memref<1000x64xf32, #tpu.memory_space<vmem>>, %arg2: memref<1000x64xf32, #tpu.memory_space<vmem>>, %arg3: memref<1x1000x128xf32, #tpu.memory_space<vmem>>, %arg4: memref<1x1000x128xf32, #tpu.memory_space<vmem>>, %arg5: memref<1x1000x128xf32, #tpu.memory_space<vmem>>, %arg6: memref<1x1000x128xf32, #tpu.memory_space<vmem>>, %arg7: memref<1x1000x128xf32, #tpu.memory_space<vmem>>, %arg8: memref<1x1000x128xf32, #tpu.memory_space<vmem>>, %arg9: memref<2x64xf32, #tpu.memory_space<vmem>>, %arg10: memref<1x128xf32, #tpu.memory_space<vmem>>, %arg11: memref<128x64xf32, #tpu.memory_space<vmem>>, %arg12: memref<1x64xf32, #tpu.memory_space<vmem>>, %arg13: memref<64x32xf32, #tpu.memory_space<vmem>>, %arg14: memref<1x32xf32, #tpu.memory_space<vmem>>, %arg15: memref<32x16xf32, #tpu.memory_space<vmem>>, %arg16: memref<1x16xf32, #tpu.memory_space<vmem>>, %arg17: memref<16x4xf32, #tpu.memory_space<vmem>>, %arg18: memref<1x4xf32, #tpu.memory_space<vmem>>, %arg19: memref<1000x4xf32, #tpu.memory_space<vmem>>) attributes {dimension_semantics = [#tpu.dimension_semantics<arbitrary>], iteration_bounds = array<i64: 5>, scalar_prefetch = 0 : i64, scratch_operands = 0 : i64, tpu.core_type = #tpu.core_type<tc>, window_params = [{transform_indices = @transform_0, window_bounds = array<i64: 1000, 64>}, {transform_indices = @transform_1, window_bounds = array<i64: 1000, 64>}, {transform_indices = @transform_2, window_bounds = array<i64: 1, 1000, 128>}, {transform_indices = @transform_3, window_bounds = array<i64: 1, 1000, 128>}, {transform_indices = @transform_4, window_bounds = array<i64: 1, 1000, 128>}, {transform_indices = @transform_5, window_bounds = array<i64: 1, 1000, 128>}, {transform_indices = @transform_6, window_bounds = array<i64: 1, 1000, 128>}, {transform_indices = @transform_7, window_bounds = array<i64: 1, 1000, 128>}, {pipeline_mode = #tpu.pipeline_mode<synchronous>, transform_indices = @transform_8, window_bounds = array<i64: 2, 64>}, {pipeline_mode = #tpu.pipeline_mode<synchronous>, transform_indices = @transform_9, window_bounds = array<i64: 1, 128>}, {pipeline_mode = #tpu.pipeline_mode<synchronous>, transform_indices = @transform_10, window_bounds = array<i64: 128, 64>}, {pipeline_mode = #tpu.pipeline_mode<synchronous>, transform_indices = @transform_11, window_bounds = array<i64: 1, 64>}, {pipeline_mode = #tpu.pipeline_mode<synchronous>, transform_indices = @transform_12, window_bounds = array<i64: 64, 32>}, {pipeline_mode = #tpu.pipeline_mode<synchronous>, transform_indices = @transform_13, window_bounds = array<i64: 1, 32>}, {pipeline_mode = #tpu.pipeline_mode<synchronous>, transform_indices = @transform_14, window_bounds = array<i64: 32, 16>}, {pipeline_mode = #tpu.pipeline_mode<synchronous>, transform_indices = @transform_15, window_bounds = array<i64: 1, 16>}, {pipeline_mode = #tpu.pipeline_mode<synchronous>, transform_indices = @transform_16, window_bounds = array<i64: 16, 4>}, {pipeline_mode = #tpu.pipeline_mode<synchronous>, transform_indices = @transform_17, window_bounds = array<i64: 1, 4>}, {transform_indices = @transform_18, window_bounds = array<i64: 1000, 4>}]} {
    %get3A = arith.constant 0 : index
    %get3A_0 = arith.constant 0 : index
    %get3A_1 = arith.constant 0 : index
    %get3A_2 = vector.load %arg3[%get3A, %get3A_0, %get3A_1] : memref<1x1000x128xf32, #tpu.memory_space<vmem>>, vector<1x1000x128xf32>
    %get3A_3 = vector.shape_cast %get3A_2 : vector<1x1000x128xf32> to vector<1000x128xf32>
    %get3A_4 = arith.constant 0 : index
    %get3A_5 = arith.constant 0 : index
    %get3A_6 = arith.constant 0 : index
    %get3A_7 = vector.load %arg4[%get3A_4, %get3A_5, %get3A_6] : memref<1x1000x128xf32, #tpu.memory_space<vmem>>, vector<1x1000x128xf32>
    %get3A_8 = vector.shape_cast %get3A_7 : vector<1x1000x128xf32> to vector<1000x128xf32>
    %add3A = arith.addf %get3A_3, %get3A_8 : vector<1000x128xf32>
    %get3A_9 = arith.constant 0 : index
    %get3A_10 = arith.constant 0 : index
    %get3A_11 = arith.constant 0 : index
    %get3A_12 = vector.load %arg5[%get3A_9, %get3A_10, %get3A_11] : memref<1x1000x128xf32, #tpu.memory_space<vmem>>, vector<1x1000x128xf32>
    %get3A_13 = vector.shape_cast %get3A_12 : vector<1x1000x128xf32> to vector<1000x128xf32>
    %add3A_14 = arith.addf %add3A, %get3A_13 : vector<1000x128xf32>
    %get3A_15 = arith.constant 0 : index
    %get3A_16 = arith.constant 0 : index
    %get3A_17 = arith.constant 0 : index
    %get3A_18 = vector.load %arg6[%get3A_15, %get3A_16, %get3A_17] : memref<1x1000x128xf32, #tpu.memory_space<vmem>>, vector<1x1000x128xf32>
    %get3A_19 = vector.shape_cast %get3A_18 : vector<1x1000x128xf32> to vector<1000x128xf32>
    %add3A_20 = arith.addf %add3A_14, %get3A_19 : vector<1000x128xf32>
    %get3A_21 = arith.constant 0 : index
    %get3A_22 = arith.constant 0 : index
    %get3A_23 = arith.constant 0 : index
    %get3A_24 = vector.load %arg7[%get3A_21, %get3A_22, %get3A_23] : memref<1x1000x128xf32, #tpu.memory_space<vmem>>, vector<1x1000x128xf32>
    %get3A_25 = vector.shape_cast %get3A_24 : vector<1x1000x128xf32> to vector<1000x128xf32>
    %add3A_26 = arith.addf %add3A_20, %get3A_25 : vector<1000x128xf32>
    %get3A_27 = arith.constant 0 : index
    %get3A_28 = arith.constant 0 : index
    %get3A_29 = arith.constant 0 : index
    %get3A_30 = vector.load %arg8[%get3A_27, %get3A_28, %get3A_29] : memref<1x1000x128xf32, #tpu.memory_space<vmem>>, vector<1x1000x128xf32>
    %get3A_31 = vector.shape_cast %get3A_30 : vector<1x1000x128xf32> to vector<1000x128xf32>
    %add3A_32 = arith.addf %add3A_26, %get3A_31 : vector<1000x128xf32>
    %slice3A = vector.extract_strided_slice %add3A_32 {offsets = [0, 0], sizes = [1000, 2], strides = [1, 1]} : vector<1000x128xf32> to vector<1000x2xf32>
    %slice3A_33 = vector.extract_strided_slice %add3A_32 {offsets = [0, 2], sizes = [1000, 1], strides = [1, 1]} : vector<1000x128xf32> to vector<1000x1xf32>
    %max3A = arith.constant 1.000000e+00 : f32
    %max3A_34 = vector.broadcast %max3A : f32 to vector<1000x1xf32>
    %max3A_35 = arith.maximumf %slice3A_33, %max3A_34 : vector<1000x1xf32>
    %div3A = vector.broadcast %max3A_35 : vector<1000x1xf32> to vector<1000x2xf32>
    %div3A_36 = arith.divf %slice3A, %div3A : vector<1000x2xf32>
    %slice3A_37 = vector.extract_strided_slice %add3A_32 {offsets = [0, 64], sizes = [1000, 2], strides = [1, 1]} : vector<1000x128xf32> to vector<1000x2xf32>
    %slice3A_38 = vector.extract_strided_slice %add3A_32 {offsets = [0, 66], sizes = [1000, 1], strides = [1, 1]} : vector<1000x128xf32> to vector<1000x1xf32>
    %max3A_39 = arith.constant 1.000000e+00 : f32
    %max3A_40 = vector.broadcast %max3A_39 : f32 to vector<1000x1xf32>
    %max3A_41 = arith.maximumf %slice3A_38, %max3A_40 : vector<1000x1xf32>
    %div3A_42 = vector.broadcast %max3A_41 : vector<1000x1xf32> to vector<1000x2xf32>
    %div3A_43 = arith.divf %slice3A_37, %div3A_42 : vector<1000x2xf32>
    %get3A_44 = arith.constant 0 : index
    %get3A_45 = arith.constant 0 : index
    %get3A_46 = vector.load %arg9[%get3A_44, %get3A_45] : memref<2x64xf32, #tpu.memory_space<vmem>>, vector<2x64xf32>
    %dot_general3A = arith.constant dense<0.000000e+00> : vector<1000x64xf32>
    %dot_general3A_47 = tpu.matmul %div3A_36, %get3A_46, %dot_general3A {dimension_numbers = #tpu.dot_dimension_numbers<[1], [0], [0], [1], [0, 0, 1, 1], [], []>, transpose_lhs_hint = false} : vector<1000x2xf32>, vector<2x64xf32>, vector<1000x64xf32> -> vector<1000x64xf32>
    %dot_general3A_48 = arith.constant dense<0.000000e+00> : vector<1000x64xf32>
    %dot_general3A_49 = tpu.matmul %div3A_43, %get3A_46, %dot_general3A_48 {dimension_numbers = #tpu.dot_dimension_numbers<[1], [0], [0], [1], [0, 0, 1, 1], [], []>, transpose_lhs_hint = false} : vector<1000x2xf32>, vector<2x64xf32>, vector<1000x64xf32> -> vector<1000x64xf32>
    %concatenate3A = tpu.concatenate %dot_general3A_47, %dot_general3A_49 in 1 : vector<1000x64xf32>, vector<1000x64xf32> -> vector<1000x128xf32>
    %get3A_50 = arith.constant 0 : index
    %get3A_51 = arith.constant 0 : index
    %get3A_52 = vector.load %arg1[%get3A_50, %get3A_51] : memref<1000x64xf32, #tpu.memory_space<vmem>>, vector<1000x64xf32>
    %get3A_53 = arith.constant 0 : index
    %get3A_54 = arith.constant 0 : index
    %get3A_55 = vector.load %arg2[%get3A_53, %get3A_54] : memref<1000x64xf32, #tpu.memory_space<vmem>>, vector<1000x64xf32>
    %concatenate3A_56 = tpu.concatenate %get3A_52, %get3A_55 in 1 : vector<1000x64xf32>, vector<1000x64xf32> -> vector<1000x128xf32>
    %add3A_57 = arith.addf %concatenate3A_56, %concatenate3A : vector<1000x128xf32>
    %get3A_58 = arith.constant 0 : index
    %get3A_59 = arith.constant 0 : index
    %get3A_60 = vector.load %arg10[%get3A_58, %get3A_59] : memref<1x128xf32, #tpu.memory_space<vmem>>, vector<1x128xf32>
    %add3A_61 = vector.broadcast %get3A_60 : vector<1x128xf32> to vector<1000x128xf32>
    %add3A_62 = arith.addf %add3A_57, %add3A_61 : vector<1000x128xf32>
    %ge3A = arith.constant 0.000000e+00 : f32
    %ge3A_63 = vector.broadcast %ge3A : f32 to vector<1000x128xf32>
    %ge3A_64 = arith.cmpf oge, %add3A_62, %ge3A_63 : vector<1000x128xf32>
    %mul3A = arith.constant 1.000000e-01 : f32
    %mul3A_65 = vector.broadcast %mul3A : f32 to vector<1000x128xf32>
    %mul3A_66 = arith.mulf %mul3A_65, %add3A_62 : vector<1000x128xf32>
    %select_n3A = arith.select %ge3A_64, %add3A_62, %mul3A_66 : vector<1000x128xi1>, vector<1000x128xf32>
    %get3A_67 = arith.constant 0 : index
    %get3A_68 = arith.constant 0 : index
    %get3A_69 = vector.load %arg11[%get3A_67, %get3A_68] : memref<128x64xf32, #tpu.memory_space<vmem>>, vector<128x64xf32>
    %dot_general3A_70 = arith.constant dense<0.000000e+00> : vector<1000x64xf32>
    %dot_general3A_71 = tpu.matmul %select_n3A, %get3A_69, %dot_general3A_70 {dimension_numbers = #tpu.dot_dimension_numbers<[1], [0], [0], [1], [0, 0, 1, 1], [], []>, transpose_lhs_hint = false} : vector<1000x128xf32>, vector<128x64xf32>, vector<1000x64xf32> -> vector<1000x64xf32>
    %get3A_72 = arith.constant 0 : index
    %get3A_73 = arith.constant 0 : index
    %get3A_74 = vector.load %arg12[%get3A_72, %get3A_73] : memref<1x64xf32, #tpu.memory_space<vmem>>, vector<1x64xf32>
    %add3A_75 = vector.broadcast %get3A_74 : vector<1x64xf32> to vector<1000x64xf32>
    %add3A_76 = arith.addf %dot_general3A_71, %add3A_75 : vector<1000x64xf32>
    %ge3A_77 = arith.constant 0.000000e+00 : f32
    %ge3A_78 = vector.broadcast %ge3A_77 : f32 to vector<1000x64xf32>
    %ge3A_79 = arith.cmpf oge, %add3A_76, %ge3A_78 : vector<1000x64xf32>
    %mul3A_80 = arith.constant 1.000000e-01 : f32
    %mul3A_81 = vector.broadcast %mul3A_80 : f32 to vector<1000x64xf32>
    %mul3A_82 = arith.mulf %mul3A_81, %add3A_76 : vector<1000x64xf32>
    %select_n3A_83 = arith.select %ge3A_79, %add3A_76, %mul3A_82 : vector<1000x64xi1>, vector<1000x64xf32>
    %get3A_84 = arith.constant 0 : index
    %get3A_85 = arith.constant 0 : index
    %get3A_86 = vector.load %arg13[%get3A_84, %get3A_85] : memref<64x32xf32, #tpu.memory_space<vmem>>, vector<64x32xf32>
    %dot_general3A_87 = arith.constant dense<0.000000e+00> : vector<1000x32xf32>
    %dot_general3A_88 = tpu.matmul %select_n3A_83, %get3A_86, %dot_general3A_87 {dimension_numbers = #tpu.dot_dimension_numbers<[1], [0], [0], [1], [0, 0, 1, 1], [], []>, transpose_lhs_hint = false} : vector<1000x64xf32>, vector<64x32xf32>, vector<1000x32xf32> -> vector<1000x32xf32>
    %get3A_89 = arith.constant 0 : index
    %get3A_90 = arith.constant 0 : index
    %get3A_91 = vector.load %arg14[%get3A_89, %get3A_90] : memref<1x32xf32, #tpu.memory_space<vmem>>, vector<1x32xf32>
    %add3A_92 = vector.broadcast %get3A_91 : vector<1x32xf32> to vector<1000x32xf32>
    %add3A_93 = arith.addf %dot_general3A_88, %add3A_92 : vector<1000x32xf32>
    %ge3A_94 = arith.constant 0.000000e+00 : f32
    %ge3A_95 = vector.broadcast %ge3A_94 : f32 to vector<1000x32xf32>
    %ge3A_96 = arith.cmpf oge, %add3A_93, %ge3A_95 : vector<1000x32xf32>
    %mul3A_97 = arith.constant 1.000000e-01 : f32
    %mul3A_98 = vector.broadcast %mul3A_97 : f32 to vector<1000x32xf32>
    %mul3A_99 = arith.mulf %mul3A_98, %add3A_93 : vector<1000x32xf32>
    %select_n3A_100 = arith.select %ge3A_96, %add3A_93, %mul3A_99 : vector<1000x32xi1>, vector<1000x32xf32>
    %get3A_101 = arith.constant 0 : index
    %get3A_102 = arith.constant 0 : index
    %get3A_103 = vector.load %arg15[%get3A_101, %get3A_102] : memref<32x16xf32, #tpu.memory_space<vmem>>, vector<32x16xf32>
    %dot_general3A_104 = arith.constant dense<0.000000e+00> : vector<1000x16xf32>
    %dot_general3A_105 = tpu.matmul %select_n3A_100, %get3A_103, %dot_general3A_104 {dimension_numbers = #tpu.dot_dimension_numbers<[1], [0], [0], [1], [0, 0, 1, 1], [], []>, transpose_lhs_hint = false} : vector<1000x32xf32>, vector<32x16xf32>, vector<1000x16xf32> -> vector<1000x16xf32>
    %get3A_106 = arith.constant 0 : index
    %get3A_107 = arith.constant 0 : index
    %get3A_108 = vector.load %arg16[%get3A_106, %get3A_107] : memref<1x16xf32, #tpu.memory_space<vmem>>, vector<1x16xf32>
    %add3A_109 = vector.broadcast %get3A_108 : vector<1x16xf32> to vector<1000x16xf32>
    %add3A_110 = arith.addf %dot_general3A_105, %add3A_109 : vector<1000x16xf32>
    %ge3A_111 = arith.constant 0.000000e+00 : f32
    %ge3A_112 = vector.broadcast %ge3A_111 : f32 to vector<1000x16xf32>
    %ge3A_113 = arith.cmpf oge, %add3A_110, %ge3A_112 : vector<1000x16xf32>
    %mul3A_114 = arith.constant 1.000000e-01 : f32
    %mul3A_115 = vector.broadcast %mul3A_114 : f32 to vector<1000x16xf32>
    %mul3A_116 = arith.mulf %mul3A_115, %add3A_110 : vector<1000x16xf32>
    %select_n3A_117 = arith.select %ge3A_113, %add3A_110, %mul3A_116 : vector<1000x16xi1>, vector<1000x16xf32>
    %get3A_118 = arith.constant 0 : index
    %get3A_119 = arith.constant 0 : index
    %get3A_120 = vector.load %arg17[%get3A_118, %get3A_119] : memref<16x4xf32, #tpu.memory_space<vmem>>, vector<16x4xf32>
    %dot_general3A_121 = arith.constant dense<0.000000e+00> : vector<1000x4xf32>
    %dot_general3A_122 = tpu.matmul %select_n3A_117, %get3A_120, %dot_general3A_121 {dimension_numbers = #tpu.dot_dimension_numbers<[1], [0], [0], [1], [0, 0, 1, 1], [], []>, transpose_lhs_hint = false} : vector<1000x16xf32>, vector<16x4xf32>, vector<1000x4xf32> -> vector<1000x4xf32>
    %get3A_123 = arith.constant 0 : index
    %get3A_124 = arith.constant 0 : index
    %get3A_125 = vector.load %arg18[%get3A_123, %get3A_124] : memref<1x4xf32, #tpu.memory_space<vmem>>, vector<1x4xf32>
    %add3A_126 = vector.broadcast %get3A_125 : vector<1x4xf32> to vector<1000x4xf32>
    %add3A_127 = arith.addf %dot_general3A_122, %add3A_126 : vector<1000x4xf32>
    %swap3A = arith.constant 0 : index
    %swap3A_128 = arith.constant 0 : index
    %swap3A_129 = vector.load %arg19[%swap3A, %swap3A_128] : memref<1000x4xf32, #tpu.memory_space<vmem>>, vector<1000x4xf32>
    tpu.vector_store %arg19[%swap3A, %swap3A_128], %add3A_127 {strides = array<i32>} : memref<1000x4xf32, #tpu.memory_space<vmem>>, vector<1000x4xf32>,
    return
  }
  func.func @transform_0(%arg0: i32) -> (i32, i32) {
    %c0_i32 = arith.constant 0 : i32
    %c0_i32_0 = arith.constant 0 : i32
    return %arg0, %c0_i32 : i32, i32
  }
  func.func @transform_1(%arg0: i32) -> (i32, i32) {
    %add3A = arith.constant 5 : i32
    %add3A_0 = arith.addi %arg0, %add3A : i32
    %c0_i32 = arith.constant 0 : i32
    %c0_i32_1 = arith.constant 0 : i32
    return %add3A_0, %c0_i32 : i32, i32
  }
  func.func @transform_2(%arg0: i32) -> (i32, i32, i32) {
    %c0_i32 = arith.constant 0 : i32
    %c0_i32_0 = arith.constant 0 : i32
    %c0_i32_1 = arith.constant 0 : i32
    return %c0_i32, %arg0, %c0_i32_0 : i32, i32, i32
  }
  func.func @transform_3(%arg0: i32) -> (i32, i32, i32) {
    %c1_i32 = arith.constant 1 : i32
    %c0_i32 = arith.constant 0 : i32
    %c0_i32_0 = arith.constant 0 : i32
    return %c1_i32, %arg0, %c0_i32 : i32, i32, i32
  }
  func.func @transform_4(%arg0: i32) -> (i32, i32, i32) {
    %c0_i32 = arith.constant 0 : i32
    %c0_i32_0 = arith.constant 0 : i32
    %c0_i32_1 = arith.constant 0 : i32
    return %c0_i32, %arg0, %c0_i32_0 : i32, i32, i32
  }
  func.func @transform_5(%arg0: i32) -> (i32, i32, i32) {
    %c1_i32 = arith.constant 1 : i32
    %c0_i32 = arith.constant 0 : i32
    %c0_i32_0 = arith.constant 0 : i32
    return %c1_i32, %arg0, %c0_i32 : i32, i32, i32
  }
  func.func @transform_6(%arg0: i32) -> (i32, i32, i32) {
    %c0_i32 = arith.constant 0 : i32
    %c0_i32_0 = arith.constant 0 : i32
    %c0_i32_1 = arith.constant 0 : i32
    return %c0_i32, %arg0, %c0_i32_0 : i32, i32, i32
  }
  func.func @transform_7(%arg0: i32) -> (i32, i32, i32) {
    %c1_i32 = arith.constant 1 : i32
    %c0_i32 = arith.constant 0 : i32
    %c0_i32_0 = arith.constant 0 : i32
    return %c1_i32, %arg0, %c0_i32 : i32, i32, i32
  }
  func.func @transform_8(%arg0: i32) -> (i32, i32) {
    %c0_i32 = arith.constant 0 : i32
    %c0_i32_0 = arith.constant 0 : i32
    %c0_i32_1 = arith.constant 0 : i32
    return %c0_i32, %c0_i32_0 : i32, i32
  }
  func.func @transform_9(%arg0: i32) -> (i32, i32) {
    %c0_i32 = arith.constant 0 : i32
    %c0_i32_0 = arith.constant 0 : i32
    %c0_i32_1 = arith.constant 0 : i32
    return %c0_i32, %c0_i32_0 : i32, i32
  }
  func.func @transform_10(%arg0: i32) -> (i32, i32) {
    %c0_i32 = arith.constant 0 : i32
    %c0_i32_0 = arith.constant 0 : i32
    %c0_i32_1 = arith.constant 0 : i32
    return %c0_i32, %c0_i32_0 : i32, i32
  }
  func.func @transform_11(%arg0: i32) -> (i32, i32) {
    %c0_i32 = arith.constant 0 : i32
    %c0_i32_0 = arith.constant 0 : i32
    %c0_i32_1 = arith.constant 0 : i32
    return %c0_i32, %c0_i32_0 : i32, i32
  }
  func.func @transform_12(%arg0: i32) -> (i32, i32) {
    %c0_i32 = arith.constant 0 : i32
    %c0_i32_0 = arith.constant 0 : i32
    %c0_i32_1 = arith.constant 0 : i32
    return %c0_i32, %c0_i32_0 : i32, i32
  }
  func.func @transform_13(%arg0: i32) -> (i32, i32) {
    %c0_i32 = arith.constant 0 : i32
    %c0_i32_0 = arith.constant 0 : i32
    %c0_i32_1 = arith.constant 0 : i32
    return %c0_i32, %c0_i32_0 : i32, i32
  }
  func.func @transform_14(%arg0: i32) -> (i32, i32) {
    %c0_i32 = arith.constant 0 : i32
    %c0_i32_0 = arith.constant 0 : i32
    %c0_i32_1 = arith.constant 0 : i32
    return %c0_i32, %c0_i32_0 : i32, i32
  }
  func.func @transform_15(%arg0: i32) -> (i32, i32) {
    %c0_i32 = arith.constant 0 : i32
    %c0_i32_0 = arith.constant 0 : i32
    %c0_i32_1 = arith.constant 0 : i32
    return %c0_i32, %c0_i32_0 : i32, i32
  }
  func.func @transform_16(%arg0: i32) -> (i32, i32) {
    %c0_i32 = arith.constant 0 : i32
    %c0_i32_0 = arith.constant 0 : i32
    %c0_i32_1 = arith.constant 0 : i32
    return %c0_i32, %c0_i32_0 : i32, i32
  }
  func.func @transform_17(%arg0: i32) -> (i32, i32) {
    %c0_i32 = arith.constant 0 : i32
    %c0_i32_0 = arith.constant 0 : i32
    %c0_i32_1 = arith.constant 0 : i32
    return %c0_i32, %c0_i32_0 : i32, i32
  }
  func.func @transform_18(%arg0: i32) -> (i32, i32) {
    %c0_i32 = arith.constant 0 : i32
    %c0_i32_0 = arith.constant 0 : i32
    return %arg0, %c0_i32 : i32, i32
  }
}

</mosaic_0001>

<sc_bundles>
// kernel: kernel.13.cloned.1.call-start
scs
__scs_entry_jumppad:
0x0: {  	(pc) =	sbr.rel $0x88, $3  }
0x1: {  	(tag) =	ssettag $0x0;
	lr =	simm.s32 $0x1  }
0x2: {  	[smem:$0x3F8A] =	sst lr;
	_ =	strace $0xD0000000  }
0x3: {  	_ = 	snop  }
0x4: {  	_ = 	snop  }
0x5: {  	_ = 	snop  }
0x6: {  	_ = 	snop  }
0x7: {  	_ = 	snop  }
__scs_overlays_trampoline_lowered:
0x8: {  	[smem:$0x3F99] =	sst s0  }
0x9: {  	[smem:$0x3F9A] =	sst s1  }
0xa: {  	[smem:$0x3F9B] =	sst s2  }
0xb: {  	[smem:$0x3F9C] =	sst s3  }
0xc: {  	[smem:$0x3F9D] =	sst s4  }
0xd: {  	[smem:$0x3F9E] =	sst s5  }
0xe: {  	[smem:$0x3F9F] =	sst s6  }
0xf: {  	[smem:$0x3FA0] =	sst s7  }
0x10: {  	[smem:$0x3FA1] =	sst s8  }
0x11: {  	[smem:$0x3FA2] =	sst s9;
	s0 =	simm.s32 @!p0 $0x0  }
0x12: {  	s1 =	sld [smem:$0x3F88];
	s0 =	simm.s32 @p0 $0x1  }
0x13: {  	[smem:$0x3FA3] =	sst s0;
	s0 =	simm.s32 @!p1 $0x0  }
0x14: {  	s2 =	sld [smem:$0x3F87];
	s0 =	simm.s32 @p1 $0x1  }
0x15: {  	[smem:$0x3FA4] =	sst s0;
	s0 =	simm.s32 @!p2 $0x0  }
0x16: {  	s3 =	sld [smem:$0x3FDB];
	s0 =	simm.s32 @p2 $0x1  }
0x17: {  	s4 =	simm.s32 $0x1BF5;
	[smem:$0x3FA6] =	sst s0  }
0x18: {  	s0 =	sld [smem:$0x3F89];
	_ =	swait.ge [sflag:s4], $0x0  }
0x19: {  	s7 =	sld [smem:$0x3F8A]  }
0x1a: {  	s8 =	sadd.s32 $0xFFFFE003, lr  }
0x1b: {  	s9 =	sadd.s32 $0xFFFFFEF7, lr;
	s5 =	simm.s32 $0xFFFFFFFF;
	p2 =	slt.u32 s8, $0xFFFFF086  }
0x1c: {  	p1 =	slt.u32 s9, $0xF7A;
	s5 =	simm.s32 @!p2 $0x0  }
0x1d: {  	s5 =	simm.s32 @p1 $0x1;
	p0 =	seq.s32 s7, s2  }
0x1e: {  	s7 =	smul.u32 @!p0 $0xF7A, s2;
	p2 =	seq.s32 @!p0 s5, $0x0  }
0x1f: {  	s9 =	smul.u32 $0xF7A, s1;
	s8 =	simm.s32 @!p0 $0x1BF5;
	p2 =	por !p2, p0  }
0x20: {  	[sflag:s8] =	ssyncset.s32 @!p0 $0xFFFFF086;
	s6 =	sadd.s32 @!p0 s3, s7;
	s7 =	simm.s32 @!p0 $0x108  }
0x21: {  	s3 =	sadd.s32 s3, s9;
	s6 =	sadd.s32 @!p0 $0x88, s6;
	s7 =	simm.s32 @p2 $0x1082  }
0x22: {  	[simem:s7], [sflag:s8] =	dma.local @!p0 [hbm:s6], $0xF7A  }
0x23: {  	s9 =	sor.u32 $0xD0000000, s2;
	s6 =	simm.s32 $0x108;
	_ =	swait.ge @!p0 [sflag:s8], $0x0  }
0x24: {  	s3 =	sadd.s32 $0x88, s3;
	s6 =	simm.s32 @!p1 $0x1082;
	[sflag:s4] =	ssyncset.s32 $0xFFFFF086  }
0x25: {  	[simem:s6], [sflag:s4] =	dma.local [hbm:s3], $0xF7A  }
0x26: {  	[smem:$0x3F8A] =	sst s1;
	(tag) =	ssettag s2;
	_ =	strace s9  }
0x27: {  	s1 =	sld [smem:$0x3F9A]  }
0x28: {  	s2 =	sld [smem:$0x3F9B]  }
0x29: {  	s4 =	sld [smem:$0x3F9D]  }
0x2a: {  	p0 =	seq.s32 s5, $0x0;
	s5 =	sld [smem:$0x3F9E]  }
0x2b: {  	s6 =	sld [smem:$0x3F9F]  }
0x2c: {  	s7 =	sld [smem:$0x3FA0]  }
0x2d: {  	s3 =	simm.s32 $0x108;
	s8 =	sld [smem:$0x3FA1]  }
0x2e: {  	s3 =	simm.s32 @!p0 $0x1082;
	s9 =	sld [smem:$0x3FA2]  }
0x2f: {  	lr =	sadd.s32 s0, s3;
	s0 =	sld [smem:$0x3F99]  }
0x30: {  	s3 =	sld [smem:$0x3F9C]  }
0x31: {  	[smem:$0x3FA5] =	sst s10  }
0x32: {  	s10 =	sld [smem:$0x3FA3];
	_ =	sdelay $0x3  }
0x33: {  	p0 =	seq.s32 s10, $0x1;
	s10 =	sld [smem:$0x3FA5];
	_ =	sdelay $0x3  }
0x34: {  	[smem:$0x3FA5] =	sst s10  }
0x35: {  	s10 =	sld [smem:$0x3FA4];
	_ =	sdelay $0x3  }
0x36: {  	p1 =	seq.s32 s10, $0x1;
	s10 =	sld [smem:$0x3FA5];
	_ =	sdelay $0x3  }
0x37: {  	[smem:$0x3FA5] =	sst s10  }
0x38: {  	s10 =	sld [smem:$0x3FA6]  }
0x39: {  	_ = 	snop;
	(pc) =	sbr.ind lr, $3  }
0x3a: {  	_ = 	snop  }
0x3b: {  	_ = 	snop  }
0x3c: {  	p2 =	seq.s32 s10, $0x1;
	s10 =	sld [smem:$0x3FA5]  }
0x3d: {  	_ =	shalt  }
0x3e: {  	_ =	shalt  }
0x3f: {  	_ =	shalt  }
0x40: {  	_ =	shalt  }
0x41: {  	_ =	shalt  }
0x42: {  	_ =	shalt  }
0x43: {  	_ =	shalt  }
0x44: {  	_ =	shalt  }
0x45: {  	_ =	shalt  }
0x46: {  	_ =	shalt  }
0x47: {  	_ =	shalt  }
0x48: {  	_ =	shalt  }
0x49: {  	_ =	shalt  }
0x4a: {  	_ =	shalt  }
0x4b: {  	_ =	shalt  }
0x4c: {  	_ =	shalt  }
0x4d: {  	_ =	shalt  }
0x4e: {  	_ =	shalt  }
0x4f: {  	_ =	shalt  }
0x50: {  	_ =	shalt  }
0x51: {  	_ =	shalt  }
0x52: {  	_ =	shalt  }
0x53: {  	_ =	shalt  }
0x54: {  	_ =	shalt  }
0x55: {  	_ =	shalt  }
0x56: {  	_ =	shalt  }
0x57: {  	_ =	shalt  }
0x58: {  	_ =	shalt  }
0x59: {  	_ =	shalt  }
0x5a: {  	_ =	shalt  }
0x5b: {  	_ =	shalt  }
0x5c: {  	_ =	shalt  }
0x5d: {  	_ =	shalt  }
0x5e: {  	_ =	shalt  }
0x5f: {  	_ =	shalt  }
0x60: {  	_ =	shalt  }
0x61: {  	_ =	shalt  }
0x62: {  	_ =	shalt  }
0x63: {  	_ =	shalt  }
0x64: {  	_ =	shalt  }
0x65: {  	_ =	shalt  }
0x66: {  	_ =	shalt  }
0x67: {  	_ =	shalt  }
0x68: {  	_ =	shalt  }
0x69: {  	_ =	shalt  }
0x6a: {  	_ =	shalt  }
0x6b: {  	_ =	shalt  }
0x6c: {  	_ =	shalt  }
0x6d: {  	_ =	shalt  }
0x6e: {  	_ =	shalt  }
0x6f: {  	_ =	shalt  }
0x70: {  	_ =	shalt  }
0x71: {  	_ =	shalt  }
0x72: {  	_ =	shalt  }
0x73: {  	_ =	shalt  }
0x74: {  	_ =	shalt  }
0x75: {  	_ =	shalt  }
0x76: {  	_ =	shalt  }
0x77: {  	_ =	shalt  }
0x78: {  	_ =	shalt  }
0x79: {  	_ =	shalt  }
0x7a: {  	_ =	shalt  }
0x7b: {  	_ =	shalt  }
0x7c: {  	_ =	shalt  }
0x7d: {  	_ =	shalt  }
0x7e: {  	_ =	shalt  }
0x7f: {  	_ =	shalt  }
0x80: {  	_ =	shalt  }
0x81: {  	_ =	shalt  }
0x82: {  	_ =	shalt  }
0x83: {  	_ =	shalt  }
0x84: {  	_ =	shalt  }
0x85: {  	_ =	shalt  }
0x86: {  	_ =	shalt  }
0x87: {  	_ =	shalt  }
.Lfunc_end0:
.L_simem_size_0:
called_computation_lowered:
.L_overlay_start_0:
0x88: {  	s2 =	sld [smem:$0x3FD9]  }
0x89: {  	s3 =	sld [smem:$0x3FFE];
	_ =	sdelay $0x1  }
0x8a: {  	s1 =	srdreg.scid  }
0x8b: {  	s0 =	sand.u32 $0x1, s1  }
0x8c: {  	s17 =	sshll.u32 s0, $0xA;
	s2 =	sadd.s32 s3, s2  }
0x8d: {  	s2 =	sadd.s32 s2, s17  }
0x8e: {  	[smem:$0x3FB1] =	sst s2  }
0x8f: {  	_ = 	snop  }
0x90: {  	(tm) =	ssettm $0x1  }
0x91: {  	s18 =	sld [smem:$0x3FFB];
	_ =	sdelay $0x3  }
0x92: {  	_ =	strace s18  }
0x93: {  	s2 =	sld [smem:$0x3FFC];
	_ =	sdelay $0x3  }
0x94: {  	_ =	strace s2  }
0x95: {  	s2 =	sld [smem:$0x3FFD];
	_ =	sdelay $0x3  }
0x96: {  	_ =	strace s2  }
0x97: {  	_ =	strace $0x8FFFFFFF  }
0x98: {  	s19 =	sld [smem:$0x3FDB];
	_ =	sdelay $0x1  }
0x99: {  	s20 =	simm.s32 $_scs_section_size  }
0x9a: {  	s4 =	simm.s32 $_size__tile_overlayer_lowered;
	s5 =	simm.s32 $_tile_overlayer_lowered  }
0x9b: {  	s6 =	simm.s32 $0x1BFF;
	s21 =	sshll.u32 s5, $0x1;
	s3 =	sadd.s32 s20, s19  }
0x9c: {  	s22 =	simm.s32 $0x0;
	s4 =	sshll.u32 s4, $0x1;
	s5 =	sadd.s32 s21, s3  }
0x9d: {  	[timem:s22], [sflag:s6] =	dma.local [hbm:s5], s4  }
0x9e: {  	_ =	swait.ge [sflag:s6], s4  }
0x9f: {  	s4 =	ssub.s32 $0x0, s4;
	[sflag:s6] =	ssyncset.done $0x0  }
0xa0: {  	[sflag:s6] =	ssyncadd.s32 s4;
	_ =	sdelay $0x1  }
0xa1: {  	s23 =	simm.s32 $0x1B8B  }
0xa2: {  	_ =	swait.ge [sflag:s23], $0x1  }
0xa3: {  	[sflag:s23] =	ssyncset.done $0x0  }
0xa4: {  	[sflag:s23] =	ssyncadd.s32 $0xFFFFFFFF  }
0xa5: {  	s4 =	sld [smem:$0x0]  }
0xa6: {  	s5 =	sand.u32 $0xFFFFFFFE, s1  }
0xa7: {  	p0 =	sne.s32 s1, s5  }
0xa8: {  	s5 =	sshll.u32 @p0 s5, $0xE  }
0xa9: {  	s5 =	sadd.s32 @p0 $0x11B8D, s5;
	s6 =	sshll.u32 @p0 s4, $0x11  }
0xaa: {  	s5 =	sor.u32 @p0 s6, s5  }
0xab: {  	[sflag:s5] =	ssyncadd.remote.s32 @p0 $0x1;
	_ =	sdelay $0x1  }
0xac: {  	s5 =	simm.s32 @p0 $0x1B8D  }
0xad: {  	_ =	swait.eq @p0 [sflag:s5], $0x1  }
0xae: {  	[sflag:s5] =	ssyncadd.s32 @p0 $0xFFFFFFFF  }
0xaf: {  	s6 =	sshll.u32 @!p0 s1, $0xE  }
0xb0: {  	s6 =	sor.u32 @!p0 $0x4000, s6;
	s5 =	simm.s32 @!p0 $0x1B8D  }
0xb1: {  	s4 =	sshll.u32 @!p0 s4, $0x11;
	s6 =	sadd.s32 @!p0 $0x11B8D, s6;
	_ =	swait.eq @!p0 [sflag:s5], $0x1  }
0xb2: {  	s4 =	sor.u32 @!p0 s4, s6;
	[sflag:s5] =	ssyncadd.s32 @!p0 $0xFFFFFFFF  }
0xb3: {  	s25 =	simm.s32 $0x1B8E;
	s24 =	sld [smem:$0x3FFE];
	[sflag:s4] =	ssyncadd.remote.s32 @!p0 $0x1  }
0xb4: {  	s26 =	simm.s32 $execute0_lowered;
	[smem:$0x3FD2] =	sst s25  }
0xb5: {  	s5 =	sshll.u32 s26, $0x1;
	_ =	strace $0x8000004C;
	[dreg:$0x1] =	wrdreg $0xFFFFFFFF  }
0xb6: {  	s28 =	simm.s32 $_size_execute0_lowered;
	s3 =	sadd.s32 s3, s5;
	[dreg:$0x0] =	wrdreg $0x0  }
0xb7: {  	s5 =	sshll.u32 s28, $0x1;
	[dreg:$0x2] =	wrdreg s3  }
0xb8: {  	[dreg:$0x3] =	wrdreg s5  }
0xb9: {  	[dreg:$0x4] =	wrdreg $0xC0  }
0xba: {  	_ =	task [dreg:s22], $0x5FFFF  }
0xbb: {  	[dreg:$0x1] =	wrdreg $0xFFFFFFFF  }
0xbc: {  	[dreg:$0x0] =	wrdreg $0x60  }
0xbd: {  	[dreg:$0x2] =	wrdreg s24  }
0xbe: {  	[dreg:$0x3] =	wrdreg $0x9  }
0xbf: {  	_ =	task.clear_ibuf [dreg:s22], $0x4FFFF;
	_ =	strace $0x9000004C  }
0xc0: {  	s29 =	simm.s32 $0x9;
	_ =	strace $0x8000004E  }
0xc1: {  	_ =	swait.ge [sflag:s29], $0x1  }
0xc2: {  	[sflag:s29] =	ssyncadd.s32 $0xFFFFFFFF  }
0xc3: {  	_ =	strace $0x9000004E  }
0xc4: {  	_ =	sfence  }
0xc5: {  	s30 =	sld [smem:$0x0];
	_ =	sdelay $0x2  }
0xc6: {  	s31 =	sshll.u32 s1, $0xD;
	s1 =	sshrl.u32 s1, $0x2  }
0xc7: {  	s4 =	sand.u32 $0x4000, s31;
	s1 =	sadd.s32 s1, s30  }
0xc8: {  	s0 =	sor.u32 s4, s0;
	s1 =	sshll.u32 s1, $0x11  }
0xc9: {  	s0 =	sor.u32 s1, s0  }
0xca: {  	s0 =	sadd.s32 $0x8F2B, s0  }
0xcb: {  	[sflag:s0] =	ssyncadd.remote.s32 $0x1  }
0xcc: {  	_ =	sfence.sel $0xFFFF  }
0xcd: {  	[dreg:$0x0] =	wrdreg $0xFFFFFFFF;
	(pc) =	sbr.abs _section_cstart, $3  }
0xce: {  	[dreg:$0x1] =	wrdreg $0xFFFFFFFF  }
0xcf: {  	_ =	task.clear_ibuf [dreg:s22], $0x2FFFF;
	_ =	strace $0x9FFFFFFF  }
0xd0: {  	(tm) =	ssettm $0x7FFFFFFF  }
0xd1: {  	_ =	shalt  }
tec
execute0_lowered:
.L_overlay_start_1:
0x0: {  	(tag) =	ssettag $0x1  }
0x1: {  	s0 =	stileid.u32  }
0x2: {  	s1 =	srdreg.scid;
	s2 =	sshll.u32 s0, $0x1  }
0x3: {  	s23 =	sand.u32 $0x1, s1;
	s19 =	sshrl.u32 s0, $0x3;
	s31 =	sand.u32 $0xE, s2  }
0x4: {  	s18 =	smul.u32 $0x13880, s19;
	s6 =	sor.u32 s23, s31  }
0x5: {  	s14 =	smul.u32 $0x640, s6  }
0x6: {  	s7 =	rddreg [dreg:$0x0];
	s4 =	simm.s32 $0x3  }
0x7: {  	s1 =	rddreg [dreg:$0x1];
	s2 =	simm.s32 $0x0;
	s3 =	sadd.s32 s18, s14  }
0x8: {  	s20 =	sadd.s32 $0x6000, s7;
	[smem:$0x7FF] =	sst s2;
	s3 =	sshrl.u32 s3, $0x3  }
0x9: {  	s21 =	sadd.s32 $0x11F200, s7;
	_ =	strace $0x8000004D;
	s3 =	sadd.s32 s20, s3  }
0xa: {  	[tilespmem:s2], [sflag:$0x3] =	stream.linear.gather [hbm4b:s3+s2], $0x320, $0x38;
	[tilespmem:$0xCB20] =	vst v63  }
0xb: {  	s5 =	sadd.s32 $0x37000, s7;
	s24 =	sadd.s32 $0x11F208, s7;
	_ =	swait.ge [sflag:s4], $0x320  }
0xc: {  	s7 =	simm.s32 $0x1;
	p0 =	sne.s32 s19, $0x0;
	[sflag:s4] =	ssyncset.done $0x0  }
0xd: {  	s13 =	smul.u32 $0x6400, s6;
	s6 =	simm.s32 $0x320;
	[sflag:s4] =	ssyncadd.s32 $0xFFFFFCE0  }
0xe: {  	[tilespmem:s6], [sflag:$0x1] =	stream.indirect.gather [hbm4b:s5+s6], $0x40, s2, s6, $0xb8;
	[tilespmem:$0xCB20] =	vst v63  }
0xf: {  	s9 =	simm.s32 @p0 $0x320;
	_ =	swait.ge [sflag:s7], $0xC800  }
0x10: {  	s10 =	simm.s32 @p0 $0x2;
	s11 =	simm.s32 @p0 $0x40;
	[sflag:s7] =	ssyncset.done $0x0  }
0x11: {  	s12 =	simm.s32 @p0 $0x80;
	s8 =	sadd.s32 s13, s24;
	[sflag:s7] =	ssyncadd.s32 $0xFFFF3800  }
0x12: {  	[hbm4b:s8+s11] =	stream.strided.scatter @p0 [tilespmem:s9], [sflag:$0x2], $0xC800, s12, s11, $0x38;
	[tilespmem:$0xCB20] =	vst v63  }
0x13: {  	s15 =	simm.s32 @!p0 $0x3;
	s16 =	simm.s32 @!p0 $0x40;
	_ =	swait.ge @p0 [sflag:s10], $0xC800  }
0x14: {  	s17 =	simm.s32 @!p0 $0x80;
	s13 =	sadd.s32 s21, s13;
	[sflag:s10] =	ssyncset.done @p0 $0x0  }
0x15: {  	s22 =	sadd.s32 $0x320, s14;
	s14 =	simm.s32 @!p0 $0x320;
	[sflag:s10] =	ssyncadd.s32 @p0 $0xFFFF3800  }
0x16: {  	[hbm4b:s13+s16] =	stream.strided.scatter @!p0 [tilespmem:s14], [sflag:$0x3], $0xC800, s17, s16, $0x38;
	[tilespmem:$0xCB20] =	vst v63  }
0x17: {  	s18 =	sadd.s32 s18, s22;
	_ =	swait.ge @!p0 [sflag:s15], $0xC800  }
0x18: {  	s18 =	sshrl.u32 s18, $0x3;
	[sflag:s15] =	ssyncset.done @!p0 $0x0  }
0x19: {  	s26 =	ssub.s32 $0x2, s23;
	s18 =	sadd.s32 s20, s18;
	[sflag:s15] =	ssyncadd.s32 @!p0 $0xFFFF3800  }
0x1a: {  	[tilespmem:s2], [sflag:$0x3] =	stream.linear.gather [hbm4b:s18+s2], $0x320, $0x38;
	[tilespmem:$0xCB20] =	vst v63  }
0x1b: {  	p1 =	seq.s32 s19, $0x0;
	s28 =	sshrl.u32 s26, $0x1;
	_ =	swait.ge [sflag:s4], $0x320  }
0x1c: {  	s23 =	simm.s32 @p1 $0x3;
	s26 =	ssub.s32 s26, s28;
	[sflag:s4] =	ssyncset.done $0x0  }
0x1d: {  	s29 =	simm.s32 @!p1 $0x80;
	s26 =	smax.u32 s26, $0x1;
	[sflag:s4] =	ssyncadd.s32 $0xFFFFFCE0  }
0x1e: {  	[tilespmem:s6], [sflag:$0x1] =	stream.indirect.gather [hbm4b:s5+s6], $0x40, s2, s6, $0xb8;
	[tilespmem:$0xCB20] =	vst v63  }
0x1f: {  	s30 =	sadd.s32 $0xFFFFFFFF, s26;
	s25 =	sshll.u32 s22, $0x4;
	_ =	swait.ge [sflag:s7], $0xC800  }
0x20: {  	s22 =	simm.s32 @p1 $0x80;
	s19 =	sadd.s32 s21, s25;
	[sflag:s7] =	ssyncset.done $0x0  }
0x21: {  	s21 =	simm.s32 @p1 $0x40;
	s20 =	simm.s32 @p1 $0x320;
	[sflag:s7] =	ssyncadd.s32 $0xFFFF3800  }
0x22: {  	[hbm4b:s19+s21] =	stream.strided.scatter @p1 [tilespmem:s20], [sflag:$0x3], $0xC800, s22, s21, $0x38;
	[tilespmem:$0xCB20] =	vst v63  }
0x23: {  	s28 =	simm.s32 @!p1 $0x40;
	p2 =	sne.s32 s30, $0x0;
	_ =	swait.ge @p1 [sflag:s23], $0xC800  }
.Ltmp0:
0x24: {  	s26 =	simm.s32 @!p1 $0x2;
	[sflag:s23] =	ssyncset.done @p1 $0x0;
	(pc) =	sbr.rel @!p2 .LBB2_2-.Ltmp0, $4  }
0x25: {  	s24 =	sadd.s32 s25, s24;
	s25 =	simm.s32 @!p1 $0x320;
	[sflag:s23] =	ssyncadd.s32 @p1 $0xFFFF3800  }
0x26: {  	[hbm4b:s24+s28] =	stream.strided.scatter @!p1 [tilespmem:s25], [sflag:$0x2], $0xC800, s29, s28, $0x38;
	[tilespmem:$0xCB20] =	vst v63  }
0x27: {  	_ =	swait.ge @!p1 [sflag:s26], $0xC800  }
0x28: {  	[sflag:s26] =	ssyncset.done @!p1 $0x0  }
.LBB2_1:
0x29: {  	s30 =	sadd.s32 $0xFFFFFFFF, s30;
	[sflag:s26] =	ssyncadd.s32 @!p1 $0xFFFF3800  }
0x2a: {  	[tilespmem:s2], [sflag:$0x3] =	stream.linear.gather [hbm4b:s3+s2], $0x320, $0x38;
	[tilespmem:$0xCB20] =	vst v63  }
0x2b: {  	p2 =	sne.s32 s30, $0x0;
	_ =	swait.ge [sflag:s4], $0x320  }
0x2c: {  	[sflag:s4] =	ssyncset.done $0x0  }
0x2d: {  	[sflag:s4] =	ssyncadd.s32 $0xFFFFFCE0  }
0x2e: {  	[tilespmem:s6], [sflag:$0x1] =	stream.indirect.gather [hbm4b:s5+s6], $0x40, s2, s6, $0xb8;
	[tilespmem:$0xCB20] =	vst v63  }
0x2f: {  	_ =	swait.ge [sflag:s7], $0xC800  }
0x30: {  	[sflag:s7] =	ssyncset.done $0x0  }
0x31: {  	[sflag:s7] =	ssyncadd.s32 $0xFFFF3800  }
0x32: {  	[hbm4b:s8+s11] =	stream.strided.scatter @p0 [tilespmem:s9], [sflag:$0x2], $0xC800, s12, s11, $0x38;
	[tilespmem:$0xCB20] =	vst v63  }
0x33: {  	_ =	swait.ge @p0 [sflag:s10], $0xC800  }
0x34: {  	[sflag:s10] =	ssyncset.done @p0 $0x0  }
0x35: {  	[sflag:s10] =	ssyncadd.s32 @p0 $0xFFFF3800  }
0x36: {  	[hbm4b:s13+s16] =	stream.strided.scatter @!p0 [tilespmem:s14], [sflag:$0x3], $0xC800, s17, s16, $0x38;
	[tilespmem:$0xCB20] =	vst v63  }
0x37: {  	_ =	swait.ge @!p0 [sflag:s15], $0xC800  }
0x38: {  	[sflag:s15] =	ssyncset.done @!p0 $0x0  }
0x39: {  	[sflag:s15] =	ssyncadd.s32 @!p0 $0xFFFF3800  }
0x3a: {  	[tilespmem:s2], [sflag:$0x3] =	stream.linear.gather [hbm4b:s18+s2], $0x320, $0x38;
	[tilespmem:$0xCB20] =	vst v63  }
0x3b: {  	_ =	swait.ge [sflag:s4], $0x320  }
0x3c: {  	[sflag:s4] =	ssyncset.done $0x0  }
0x3d: {  	[sflag:s4] =	ssyncadd.s32 $0xFFFFFCE0  }
0x3e: {  	[tilespmem:s6], [sflag:$0x1] =	stream.indirect.gather [hbm4b:s5+s6], $0x40, s2, s6, $0xb8;
	[tilespmem:$0xCB20] =	vst v63  }
0x3f: {  	_ =	swait.ge [sflag:s7], $0xC800  }
0x40: {  	[sflag:s7] =	ssyncset.done $0x0  }
0x41: {  	[sflag:s7] =	ssyncadd.s32 $0xFFFF3800  }
0x42: {  	[hbm4b:s19+s21] =	stream.strided.scatter @p1 [tilespmem:s20], [sflag:$0x3], $0xC800, s22, s21, $0x38;
	[tilespmem:$0xCB20] =	vst v63  }
0x43: {  	_ =	swait.ge @p1 [sflag:s23], $0xC800  }
.Ltmp1:
0x44: {  	[sflag:s23] =	ssyncset.done @p1 $0x0;
	(pc) =	sbr.rel @p2 .LBB2_1-.Ltmp1, $4  }
0x45: {  	[sflag:s23] =	ssyncadd.s32 @p1 $0xFFFF3800  }
0x46: {  	[hbm4b:s24+s28] =	stream.strided.scatter @!p1 [tilespmem:s25], [sflag:$0x2], $0xC800, s29, s28, $0x38;
	[tilespmem:$0xCB20] =	vst v63  }
0x47: {  	_ =	swait.ge @!p1 [sflag:s26], $0xC800  }
0x48: {  	[sflag:s26] =	ssyncset.done @!p1 $0x0  }
.LBB2_2:
0x49: {  	[sflag:s26] =	ssyncadd.s32 @!p1 $0xFFFF3800  }
0x4a: {  	_ =	sfence.sel $0x180000  }
0x4b: {  	[bflag:$0x0] =	sbarrier.arrive $0xFFFF  }
0x4c: {  	p0 =	sne.s32 s0, $0x0;
	_ =	strace $0x9000004D  }
0x4d: {  	s0 =	sadd.s32 @!p0 $0x100000, s1;
	[bflag:$0x2] =	sbarrier.arrive $0xFFFF  }
0x4e: {  	[sflag:s0] =	ssyncadd.tile.s32 @!p0 $0x1;
	_ =	shalt  }
.Lfunc_end2:
_tile_overlayer_lowered:
.L_overlay_start_2:
0x4f: {  	(tag) =	ssettag $0x2  }
0x50: {  	s0 =	rddreg [dreg:$0x0];
	s2 =	stileid.u32  }
0x51: {  	s1 =	rddreg [dreg:$0x1];
	p0 =	sne.s32 s2, $0x0  }
0x52: {  	s3 =	rddreg [dreg:$0x2];
	[bflag:$0x3] =	sbarrier.arrive $0xFFFF;
	s2 =	simm.s32 @!p0 $0x1C02  }
0x53: {  	[timem:s3], [sflag:s2] =	dma.local @!p0 [hbm:s0], s1  }
0x54: {  	s0 =	simm.s32 @!p0 $0x2  }
0x55: {  	_ =	swait.ge @!p0 [sflag:s0], s1  }
0x56: {  	s1 =	ssub.s32 @!p0 $0x0, s1;
	[sflag:s0] =	ssyncset.done @!p0 $0x0  }
0x57: {  	[sflag:s0] =	ssyncadd.s32 @!p0 s1  }
0x58: {  	[bflag:$0x3] =	sbarrier.arrive $0xFFFF  }
0x59: {  	_ =	shalt  }

// kernel: kernel.16.cloned.1.call-start
scs
__scs_entry_jumppad:
0x0: {  	(pc) =	sbr.rel $0x88, $3  }
0x1: {  	(tag) =	ssettag $0x0;
	lr =	simm.s32 $0x1  }
0x2: {  	[smem:$0x3F8A] =	sst lr;
	_ =	strace $0xD0000000  }
0x3: {  	_ = 	snop  }
0x4: {  	_ = 	snop  }
0x5: {  	_ = 	snop  }
0x6: {  	_ = 	snop  }
0x7: {  	_ = 	snop  }
__scs_overlays_trampoline_lowered:
0x8: {  	[smem:$0x3F99] =	sst s0  }
0x9: {  	[smem:$0x3F9A] =	sst s1  }
0xa: {  	[smem:$0x3F9B] =	sst s2  }
0xb: {  	[smem:$0x3F9C] =	sst s3  }
0xc: {  	[smem:$0x3F9D] =	sst s4  }
0xd: {  	[smem:$0x3F9E] =	sst s5  }
0xe: {  	[smem:$0x3F9F] =	sst s6  }
0xf: {  	[smem:$0x3FA0] =	sst s7  }
0x10: {  	[smem:$0x3FA1] =	sst s8  }
0x11: {  	[smem:$0x3FA2] =	sst s9;
	s0 =	simm.s32 @!p0 $0x0  }
0x12: {  	s1 =	sld [smem:$0x3F88];
	s0 =	simm.s32 @p0 $0x1  }
0x13: {  	[smem:$0x3FA3] =	sst s0;
	s0 =	simm.s32 @!p1 $0x0  }
0x14: {  	s2 =	sld [smem:$0x3F87];
	s0 =	simm.s32 @p1 $0x1  }
0x15: {  	[smem:$0x3FA4] =	sst s0;
	s0 =	simm.s32 @!p2 $0x0  }
0x16: {  	s3 =	sld [smem:$0x3FDB];
	s0 =	simm.s32 @p2 $0x1  }
0x17: {  	s4 =	simm.s32 $0x1BF5;
	[smem:$0x3FA6] =	sst s0  }
0x18: {  	s0 =	sld [smem:$0x3F89];
	_ =	swait.ge [sflag:s4], $0x0  }
0x19: {  	s7 =	sld [smem:$0x3F8A]  }
0x1a: {  	s8 =	sadd.s32 $0xFFFFE003, lr  }
0x1b: {  	s9 =	sadd.s32 $0xFFFFFEF7, lr;
	s5 =	simm.s32 $0xFFFFFFFF;
	p2 =	slt.u32 s8, $0xFFFFF086  }
0x1c: {  	p1 =	slt.u32 s9, $0xF7A;
	s5 =	simm.s32 @!p2 $0x0  }
0x1d: {  	s5 =	simm.s32 @p1 $0x1;
	p0 =	seq.s32 s7, s2  }
0x1e: {  	s7 =	smul.u32 @!p0 $0xF7A, s2;
	p2 =	seq.s32 @!p0 s5, $0x0  }
0x1f: {  	s9 =	smul.u32 $0xF7A, s1;
	s8 =	simm.s32 @!p0 $0x1BF5;
	p2 =	por !p2, p0  }
0x20: {  	[sflag:s8] =	ssyncset.s32 @!p0 $0xFFFFF086;
	s6 =	sadd.s32 @!p0 s3, s7;
	s7 =	simm.s32 @!p0 $0x108  }
0x21: {  	s3 =	sadd.s32 s3, s9;
	s6 =	sadd.s32 @!p0 $0x88, s6;
	s7 =	simm.s32 @p2 $0x1082  }
0x22: {  	[simem:s7], [sflag:s8] =	dma.local @!p0 [hbm:s6], $0xF7A  }
0x23: {  	s9 =	sor.u32 $0xD0000000, s2;
	s6 =	simm.s32 $0x108;
	_ =	swait.ge @!p0 [sflag:s8], $0x0  }
0x24: {  	s3 =	sadd.s32 $0x88, s3;
	s6 =	simm.s32 @!p1 $0x1082;
	[sflag:s4] =	ssyncset.s32 $0xFFFFF086  }
0x25: {  	[simem:s6], [sflag:s4] =	dma.local [hbm:s3], $0xF7A  }
0x26: {  	[smem:$0x3F8A] =	sst s1;
	(tag) =	ssettag s2;
	_ =	strace s9  }
0x27: {  	s1 =	sld [smem:$0x3F9A]  }
0x28: {  	s2 =	sld [smem:$0x3F9B]  }
0x29: {  	s4 =	sld [smem:$0x3F9D]  }
0x2a: {  	p0 =	seq.s32 s5, $0x0;
	s5 =	sld [smem:$0x3F9E]  }
0x2b: {  	s6 =	sld [smem:$0x3F9F]  }
0x2c: {  	s7 =	sld [smem:$0x3FA0]  }
0x2d: {  	s3 =	simm.s32 $0x108;
	s8 =	sld [smem:$0x3FA1]  }
0x2e: {  	s3 =	simm.s32 @!p0 $0x1082;
	s9 =	sld [smem:$0x3FA2]  }
0x2f: {  	lr =	sadd.s32 s0, s3;
	s0 =	sld [smem:$0x3F99]  }
0x30: {  	s3 =	sld [smem:$0x3F9C]  }
0x31: {  	[smem:$0x3FA5] =	sst s10  }
0x32: {  	s10 =	sld [smem:$0x3FA3];
	_ =	sdelay $0x3  }
0x33: {  	p0 =	seq.s32 s10, $0x1;
	s10 =	sld [smem:$0x3FA5];
	_ =	sdelay $0x3  }
0x34: {  	[smem:$0x3FA5] =	sst s10  }
0x35: {  	s10 =	sld [smem:$0x3FA4];
	_ =	sdelay $0x3  }
0x36: {  	p1 =	seq.s32 s10, $0x1;
	s10 =	sld [smem:$0x3FA5];
	_ =	sdelay $0x3  }
0x37: {  	[smem:$0x3FA5] =	sst s10  }
0x38: {  	s10 =	sld [smem:$0x3FA6]  }
0x39: {  	_ = 	snop;
	(pc) =	sbr.ind lr, $3  }
0x3a: {  	_ = 	snop  }
0x3b: {  	_ = 	snop  }
0x3c: {  	p2 =	seq.s32 s10, $0x1;
	s10 =	sld [smem:$0x3FA5]  }
0x3d: {  	_ =	shalt  }
0x3e: {  	_ =	shalt  }
0x3f: {  	_ =	shalt  }
0x40: {  	_ =	shalt  }
0x41: {  	_ =	shalt  }
0x42: {  	_ =	shalt  }
0x43: {  	_ =	shalt  }
0x44: {  	_ =	shalt  }
0x45: {  	_ =	shalt  }
0x46: {  	_ =	shalt  }
0x47: {  	_ =	shalt  }
0x48: {  	_ =	shalt  }
0x49: {  	_ =	shalt  }
0x4a: {  	_ =	shalt  }
0x4b: {  	_ =	shalt  }
0x4c: {  	_ =	shalt  }
0x4d: {  	_ =	shalt  }
0x4e: {  	_ =	shalt  }
0x4f: {  	_ =	shalt  }
0x50: {  	_ =	shalt  }
0x51: {  	_ =	shalt  }
0x52: {  	_ =	shalt  }
0x53: {  	_ =	shalt  }
0x54: {  	_ =	shalt  }
0x55: {  	_ =	shalt  }
0x56: {  	_ =	shalt  }
0x57: {  	_ =	shalt  }
0x58: {  	_ =	shalt  }
0x59: {  	_ =	shalt  }
0x5a: {  	_ =	shalt  }
0x5b: {  	_ =	shalt  }
0x5c: {  	_ =	shalt  }
0x5d: {  	_ =	shalt  }
0x5e: {  	_ =	shalt  }
0x5f: {  	_ =	shalt  }
0x60: {  	_ =	shalt  }
0x61: {  	_ =	shalt  }
0x62: {  	_ =	shalt  }
0x63: {  	_ =	shalt  }
0x64: {  	_ =	shalt  }
0x65: {  	_ =	shalt  }
0x66: {  	_ =	shalt  }
0x67: {  	_ =	shalt  }
0x68: {  	_ =	shalt  }
0x69: {  	_ =	shalt  }
0x6a: {  	_ =	shalt  }
0x6b: {  	_ =	shalt  }
0x6c: {  	_ =	shalt  }
0x6d: {  	_ =	shalt  }
0x6e: {  	_ =	shalt  }
0x6f: {  	_ =	shalt  }
0x70: {  	_ =	shalt  }
0x71: {  	_ =	shalt  }
0x72: {  	_ =	shalt  }
0x73: {  	_ =	shalt  }
0x74: {  	_ =	shalt  }
0x75: {  	_ =	shalt  }
0x76: {  	_ =	shalt  }
0x77: {  	_ =	shalt  }
0x78: {  	_ =	shalt  }
0x79: {  	_ =	shalt  }
0x7a: {  	_ =	shalt  }
0x7b: {  	_ =	shalt  }
0x7c: {  	_ =	shalt  }
0x7d: {  	_ =	shalt  }
0x7e: {  	_ =	shalt  }
0x7f: {  	_ =	shalt  }
0x80: {  	_ =	shalt  }
0x81: {  	_ =	shalt  }
0x82: {  	_ =	shalt  }
0x83: {  	_ =	shalt  }
0x84: {  	_ =	shalt  }
0x85: {  	_ =	shalt  }
0x86: {  	_ =	shalt  }
0x87: {  	_ =	shalt  }
.Lfunc_end0:
.L_simem_size_0:
called_computation.1_lowered:
.L_overlay_start_0:
0x88: {  	s2 =	sld [smem:$0x3FD9]  }
0x89: {  	s3 =	sld [smem:$0x3FFE];
	_ =	sdelay $0x1  }
0x8a: {  	s1 =	srdreg.scid  }
0x8b: {  	s0 =	sand.u32 $0x1, s1  }
0x8c: {  	s17 =	sshll.u32 s0, $0xA;
	s2 =	sadd.s32 s3, s2  }
0x8d: {  	s2 =	sadd.s32 s2, s17  }
0x8e: {  	[smem:$0x3FB1] =	sst s2  }
0x8f: {  	_ = 	snop  }
0x90: {  	(tm) =	ssettm $0x1  }
0x91: {  	s18 =	sld [smem:$0x3FFB];
	_ =	sdelay $0x3  }
0x92: {  	_ =	strace s18  }
0x93: {  	s2 =	sld [smem:$0x3FFC];
	_ =	sdelay $0x3  }
0x94: {  	_ =	strace s2  }
0x95: {  	s2 =	sld [smem:$0x3FFD];
	_ =	sdelay $0x3  }
0x96: {  	_ =	strace s2  }
0x97: {  	_ =	strace $0x8FFFFFFF  }
0x98: {  	s19 =	sld [smem:$0x3FDB];
	_ =	sdelay $0x1  }
0x99: {  	s20 =	simm.s32 $_scs_section_size  }
0x9a: {  	s4 =	simm.s32 $_size__tile_overlayer_lowered;
	s5 =	simm.s32 $_tile_overlayer_lowered  }
0x9b: {  	s6 =	simm.s32 $0x1BFF;
	s21 =	sshll.u32 s5, $0x1;
	s3 =	sadd.s32 s20, s19  }
0x9c: {  	s22 =	simm.s32 $0x0;
	s4 =	sshll.u32 s4, $0x1;
	s5 =	sadd.s32 s21, s3  }
0x9d: {  	[timem:s22], [sflag:s6] =	dma.local [hbm:s5], s4  }
0x9e: {  	_ =	swait.ge [sflag:s6], s4  }
0x9f: {  	s4 =	ssub.s32 $0x0, s4;
	[sflag:s6] =	ssyncset.done $0x0  }
0xa0: {  	[sflag:s6] =	ssyncadd.s32 s4;
	_ =	sdelay $0x1  }
0xa1: {  	s23 =	simm.s32 $0x1B8B  }
0xa2: {  	_ =	swait.ge [sflag:s23], $0x1  }
0xa3: {  	[sflag:s23] =	ssyncset.done $0x0  }
0xa4: {  	[sflag:s23] =	ssyncadd.s32 $0xFFFFFFFF  }
0xa5: {  	s4 =	sld [smem:$0x0]  }
0xa6: {  	s5 =	sand.u32 $0xFFFFFFFE, s1  }
0xa7: {  	p0 =	sne.s32 s1, s5  }
0xa8: {  	s5 =	sshll.u32 @p0 s5, $0xE  }
0xa9: {  	s5 =	sadd.s32 @p0 $0x11B8D, s5;
	s6 =	sshll.u32 @p0 s4, $0x11  }
0xaa: {  	s5 =	sor.u32 @p0 s6, s5  }
0xab: {  	[sflag:s5] =	ssyncadd.remote.s32 @p0 $0x1;
	_ =	sdelay $0x1  }
0xac: {  	s5 =	simm.s32 @p0 $0x1B8D  }
0xad: {  	_ =	swait.eq @p0 [sflag:s5], $0x1  }
0xae: {  	[sflag:s5] =	ssyncadd.s32 @p0 $0xFFFFFFFF  }
0xaf: {  	s6 =	sshll.u32 @!p0 s1, $0xE  }
0xb0: {  	s6 =	sor.u32 @!p0 $0x4000, s6;
	s5 =	simm.s32 @!p0 $0x1B8D  }
0xb1: {  	s4 =	sshll.u32 @!p0 s4, $0x11;
	s6 =	sadd.s32 @!p0 $0x11B8D, s6;
	_ =	swait.eq @!p0 [sflag:s5], $0x1  }
0xb2: {  	s4 =	sor.u32 @!p0 s4, s6;
	[sflag:s5] =	ssyncadd.s32 @!p0 $0xFFFFFFFF  }
0xb3: {  	s25 =	simm.s32 $0x1B8E;
	s24 =	sld [smem:$0x3FFE];
	[sflag:s4] =	ssyncadd.remote.s32 @!p0 $0x1  }
0xb4: {  	s26 =	simm.s32 $execute0_lowered;
	[smem:$0x3FD2] =	sst s25  }
0xb5: {  	s5 =	sshll.u32 s26, $0x1;
	_ =	strace $0x80000055;
	[dreg:$0x1] =	wrdreg $0xFFFFFFFF  }
0xb6: {  	s28 =	simm.s32 $_size_execute0_lowered;
	s3 =	sadd.s32 s3, s5;
	[dreg:$0x0] =	wrdreg $0x0  }
0xb7: {  	s5 =	sshll.u32 s28, $0x1;
	[dreg:$0x2] =	wrdreg s3  }
0xb8: {  	[dreg:$0x3] =	wrdreg s5  }
0xb9: {  	[dreg:$0x4] =	wrdreg $0xC0  }
0xba: {  	_ =	task [dreg:s22], $0x5FFFF  }
0xbb: {  	[dreg:$0x1] =	wrdreg $0xFFFFFFFF  }
0xbc: {  	[dreg:$0x0] =	wrdreg $0x60  }
0xbd: {  	[dreg:$0x2] =	wrdreg s24  }
0xbe: {  	[dreg:$0x3] =	wrdreg $0xCB200  }
0xbf: {  	[dreg:$0x4] =	wrdreg $0x9  }
0xc0: {  	_ =	task.clear_ibuf [dreg:s22], $0x5FFFF;
	_ =	strace $0x90000055  }
0xc1: {  	s29 =	simm.s32 $0x9;
	_ =	strace $0x80000057  }
0xc2: {  	_ =	swait.ge [sflag:s29], $0x1  }
0xc3: {  	[sflag:s29] =	ssyncadd.s32 $0xFFFFFFFF  }
0xc4: {  	_ =	strace $0x90000057  }
0xc5: {  	_ =	sfence  }
0xc6: {  	s30 =	sld [smem:$0x0];
	_ =	sdelay $0x2  }
0xc7: {  	s31 =	sshll.u32 s1, $0xD;
	s1 =	sshrl.u32 s1, $0x2  }
0xc8: {  	s4 =	sand.u32 $0x4000, s31;
	s1 =	sadd.s32 s1, s30  }
0xc9: {  	s0 =	sor.u32 s4, s0;
	s1 =	sshll.u32 s1, $0x11  }
0xca: {  	s0 =	sor.u32 s1, s0  }
0xcb: {  	s0 =	sadd.s32 $0x8F2B, s0  }
0xcc: {  	[sflag:s0] =	ssyncadd.remote.s32 $0x1  }
0xcd: {  	_ =	sfence.sel $0xFFFF  }
0xce: {  	[dreg:$0x0] =	wrdreg $0xFFFFFFFF;
	(pc) =	sbr.abs _section_cstart, $3  }
0xcf: {  	[dreg:$0x1] =	wrdreg $0xFFFFFFFF  }
0xd0: {  	_ =	task.clear_ibuf [dreg:s22], $0x2FFFF;
	_ =	strace $0x9FFFFFFF  }
0xd1: {  	(tm) =	ssettm $0x7FFFFFFF  }
tec
execute0_lowered:
.L_overlay_start_1:
0x0: {  	(tag) =	ssettag $0x1  }
0x1: {  	s9 =	rddreg [dreg:$0x0]  }
0x2: {  	s1 =	rddreg [dreg:$0x1]  }
0x3: {  	s0 =	rddreg [dreg:$0x2];
	s2 =	simm.s32 $0x0;
	s3 =	srdreg.scid  }
0x4: {  	s16 =	stileid.u32;
	s14 =	simm.s32 $0x80;
	s15 =	simm.s32 $0x320  }
0x5: {  	s18 =	simm.s32 $0x8;
	s19 =	simm.s32 $0x1C41;
	s20 =	simm.s32 $0x1C01  }
0x6: {  	[smem:$0x7FF] =	sst s2;
	s8 =	sadd.s32 $0x6000, s9;
	s4 =	sand.u32 $0x1, s3  }
0x7: {  	s3 =	sadd.s32 $0x4AA00, s9;
	s6 =	sshll.u32 s16, $0x1;
	s10 =	sshrl.u32 s16, $0x3  }
0x8: {  	s17 =	sadd.s32 $0x4E200, s1;
	p1 =	seq.s32 s16, $0x1;
	_ =	strace $0x80000056  }
0x9: {  	s5 =	smul.u32 $0x13880, s4;
	s7 =	ssub.s32 $0x2, s4;
	s6 =	sand.u32 $0xE, s6  }
0xa: {  	s22 =	smul.u32 $0x13880, s10;
	s10 =	sand.u32 $0x1, s10;
	s11 =	sshrl.u32 s7, $0x1  }
0xb: {  	s12 =	sor.u32 s4, s6;
	p0 =	seq.s32 s10, $0x1;
	s5 =	sadd.s32 s5, s9  }
0xc: {  	s23 =	ssub.s32 s7, s11;
	s24 =	smul.u32 $0x640, s12;
	s25 =	sadd.s32 $0x27100, s22  }
0xd: {  	s11 =	simm.s32 $0xAC808;
	s12 =	smul.u32 $0x6400, s12;
	s4 =	sadd.s32 $0x110808, s5  }
0xe: {  	s5 =	sadd.s32 $0x110800, s5;
	s6 =	smax.u32 s23, $0x1;
	s11 =	simm.s32 @!p0 $0xAC800  }
0xf: {  	p0 =	sne.s32 s16, $0x0;
	s16 =	sshrl.u32 s17, $0x3;
	s17 =	simm.s32 $0x10  }
.Ltmp0:
0x10: {  	s26 =	sadd.s32 s24, s25;
	s13 =	sadd.s32 $0x320, s24;
	(pc) =	sbr.rel .LBB2_1-.Ltmp0, $4  }
0x11: {  	s30 =	sadd.s32 s11, s9;
	s11 =	sshrl.u32 @!p0 s1, $0x3;
	s28 =	sshrl.u32 s26, $0x3  }
0x12: {  	s29 =	sadd.s32 s13, s25;
	s31 =	sshll.u32 s13, $0x4;
	s9 =	sadd.s32 s12, s30  }
0x13: {  	s12 =	simm.s32 $0x1;
	s13 =	simm.s32 $0x40;
	s10 =	sshrl.u32 s29, $0x3  }
0x14: {  	s7 =	sadd.s32 s8, s28;
	s8 =	sadd.s32 s8, s10;
	s10 =	sadd.s32 s31, s30  }
.LBB2_4:
0x15: {  	[hbm:s4@s17], [sflag:s19] =	dma.strided [spmem:s16@s18], $0x9C40, s12, $0x8   }
.LBB2_5:
0x16: {  	_ =	swait.ge [sflag:s12], $0x9C40  }
0x17: {  	[sflag:s12] =	ssyncset.done $0x0  }
0x18: {  	[sflag:s12] =	ssyncadd.s32 $0xFFFF63C0  }
.LBB2_6:
0x19: {  	s6 =	sadd.s32 $0xFFFFFFFF, s6  }
0x1a: {  	p2 =	sne.s32 s6, $0x0  }
.Ltmp1:
0x1b: {  	_ = 	snop;
	(pc) =	sbr.rel @!p2 .LBB2_7-.Ltmp1, $1  }
0x1c: {  	_ =	sdelay $0x3  }
.LBB2_1:
0x1d: {  	s21 =	simm.s32 @!p0 $0x1C01  }
0x1e: {  	[spmem:s11], [sflag:s21] =	dma.local @!p0 [hbm:s3], $0x13880  }
0x1f: {  	s21 =	simm.s32 @!p0 $0x1  }
0x20: {  	_ =	swait.ge @!p0 [sflag:s21], $0x13880  }
0x21: {  	[sflag:s21] =	ssyncset.done @!p0 $0x0  }
0x22: {  	[sflag:s21] =	ssyncadd.s32 @!p0 $0xFFFEC780  }
0x23: {  	[bflag:$0x0] =	sbarrier.arrive $0xFFFF  }
0x24: {  	[tilespmem:s2], [sflag:$0x1] =	stream.linear.gather [hbm4b:s7+s2], $0x320, $0x38;
	[tilespmem:$0x16760] =	vst v63  }
0x25: {  	_ =	swait.ge [sflag:s12], $0x320  }
0x26: {  	[sflag:s12] =	ssyncset.done $0x0  }
0x27: {  	[sflag:s12] =	ssyncadd.s32 $0xFFFFFCE0  }
0x28: {  	[tilespmem:s15], [sflag:$0x1] =	stream.strided.gather [hbm4b:s9+s13], $0xC800, s14, s13, $0x38;
	[tilespmem:$0x16760] =	vst v63  }
0x29: {  	_ =	swait.ge [sflag:s12], $0xC800  }
0x2a: {  	[sflag:s12] =	ssyncset.done $0x0  }
0x2b: {  	[sflag:s12] =	ssyncadd.s32 $0xFFFF3800  }
0x2c: {  	[spmem:s1] =	stream.indirect.scatter.add.f32 [tilespmem:s15], [sflag:$0x1], $0x40, s2, s15, $0xb8;
	[tilespmem:$0x16760] =	vst v63  }
0x2d: {  	_ =	swait.ge [sflag:s12], $0xC800  }
0x2e: {  	[sflag:s12] =	ssyncset.done $0x0  }
0x2f: {  	[sflag:s12] =	ssyncadd.s32 $0xFFFF3800  }
0x30: {  	[tilespmem:s2], [sflag:$0x1] =	stream.linear.gather [hbm4b:s8+s2], $0x320, $0x38;
	[tilespmem:$0x16760] =	vst v63  }
0x31: {  	_ =	swait.ge [sflag:s12], $0x320  }
0x32: {  	[sflag:s12] =	ssyncset.done $0x0  }
0x33: {  	[sflag:s12] =	ssyncadd.s32 $0xFFFFFCE0  }
0x34: {  	[tilespmem:s15], [sflag:$0x1] =	stream.strided.gather [hbm4b:s10+s13], $0xC800, s14, s13, $0x38;
	[tilespmem:$0x16760] =	vst v63  }
0x35: {  	_ =	swait.ge [sflag:s12], $0xC800  }
0x36: {  	[sflag:s12] =	ssyncset.done $0x0  }
0x37: {  	[sflag:s12] =	ssyncadd.s32 $0xFFFF3800  }
0x38: {  	[spmem:s1] =	stream.indirect.scatter.add.f32 [tilespmem:s15], [sflag:$0x1], $0x40, s2, s15, $0xb8;
	[tilespmem:$0x16760] =	vst v63  }
.Ltmp2:
0x39: {  	_ =	swait.ge [sflag:s12], $0xC800;
	(pc) =	sbr.rel @p1 .LBB2_4-.Ltmp2, $3  }
0x3a: {  	[sflag:s12] =	ssyncset.done $0x0  }
0x3b: {  	[sflag:s12] =	ssyncadd.s32 $0xFFFF3800  }
0x3c: {  	[bflag:$0x0] =	sbarrier.arrive $0xFFFF;
	_ =	sdelay $0x1  }
.Ltmp3:
0x3d: {  	(pc) =	sbr.rel @p0 .LBB2_6-.Ltmp3, $1  }
0x3e: {  	_ =	sdelay $0x3  }
.Ltmp4:
0x3f: {  	(pc) =	sbr.rel .LBB2_5-.Ltmp4, $3  }
0x40: {  	_ =	sdelay $0x1  }
0x41: {  	s21 =	sshrl.u32 s1, $0x3  }
0x42: {  	[hbm:s5@s17], [sflag:s20] =	dma.strided [spmem:s21@s18], $0x9C40, s12, $0x8   }
.LBB2_7:
0x43: {  	_ =	sfence.sel $0x180000  }
0x44: {  	[bflag:$0x0] =	sbarrier.arrive $0xFFFF  }
0x45: {  	_ =	strace $0x90000056  }
0x46: {  	s0 =	sadd.s32 @!p0 $0x100000, s0;
	[bflag:$0x2] =	sbarrier.arrive $0xFFFF  }
0x47: {  	[sflag:s0] =	ssyncadd.tile.s32 @!p0 $0x1;
	_ =	shalt  }
.Lfunc_end2:
_tile_overlayer_lowered:
.L_overlay_start_2:
0x48: {  	(tag) =	ssettag $0x2  }
0x49: {  	s0 =	rddreg [dreg:$0x0];
	s2 =	stileid.u32  }
0x4a: {  	s1 =	rddreg [dreg:$0x1];
	p0 =	sne.s32 s2, $0x0  }
0x4b: {  	s3 =	rddreg [dreg:$0x2];
	[bflag:$0x3] =	sbarrier.arrive $0xFFFF;
	s2 =	simm.s32 @!p0 $0x1C01  }
0x4c: {  	[timem:s3], [sflag:s2] =	dma.local @!p0 [hbm:s0], s1  }
0x4d: {  	s0 =	simm.s32 @!p0 $0x1  }
0x4e: {  	_ =	swait.ge @!p0 [sflag:s0], s1  }
0x4f: {  	s1 =	ssub.s32 @!p0 $0x0, s1;
	[sflag:s0] =	ssyncset.done @!p0 $0x0  }
0x50: {  	[sflag:s0] =	ssyncadd.s32 @!p0 s1  }
0x51: {  	[bflag:$0x3] =	sbarrier.arrive $0xFFFF  }
0x52: {  	_ =	shalt  }

// kernel: kernel.19.cloned.1.call-start
scs
__scs_entry_jumppad:
0x0: {  	(pc) =	sbr.rel $0x88, $3  }
0x1: {  	(tag) =	ssettag $0x0;
	lr =	simm.s32 $0x1  }
0x2: {  	[smem:$0x3F8A] =	sst lr;
	_ =	strace $0xD0000000  }
0x3: {  	_ = 	snop  }
0x4: {  	_ = 	snop  }
0x5: {  	_ = 	snop  }
0x6: {  	_ = 	snop  }
0x7: {  	_ = 	snop  }
__scs_overlays_trampoline_lowered:
0x8: {  	[smem:$0x3F99] =	sst s0  }
0x9: {  	[smem:$0x3F9A] =	sst s1  }
0xa: {  	[smem:$0x3F9B] =	sst s2  }
0xb: {  	[smem:$0x3F9C] =	sst s3  }
0xc: {  	[smem:$0x3F9D] =	sst s4  }
0xd: {  	[smem:$0x3F9E] =	sst s5  }
0xe: {  	[smem:$0x3F9F] =	sst s6  }
0xf: {  	[smem:$0x3FA0] =	sst s7  }
0x10: {  	[smem:$0x3FA1] =	sst s8  }
0x11: {  	[smem:$0x3FA2] =	sst s9;
	s0 =	simm.s32 @!p0 $0x0  }
0x12: {  	s1 =	sld [smem:$0x3F88];
	s0 =	simm.s32 @p0 $0x1  }
0x13: {  	[smem:$0x3FA3] =	sst s0;
	s0 =	simm.s32 @!p1 $0x0  }
0x14: {  	s2 =	sld [smem:$0x3F87];
	s0 =	simm.s32 @p1 $0x1  }
0x15: {  	[smem:$0x3FA4] =	sst s0;
	s0 =	simm.s32 @!p2 $0x0  }
0x16: {  	s3 =	sld [smem:$0x3FDB];
	s0 =	simm.s32 @p2 $0x1  }
0x17: {  	s4 =	simm.s32 $0x1BF5;
	[smem:$0x3FA6] =	sst s0  }
0x18: {  	s0 =	sld [smem:$0x3F89];
	_ =	swait.ge [sflag:s4], $0x0  }
0x19: {  	s7 =	sld [smem:$0x3F8A]  }
0x1a: {  	s8 =	sadd.s32 $0xFFFFE003, lr  }
0x1b: {  	s9 =	sadd.s32 $0xFFFFFEF7, lr;
	s5 =	simm.s32 $0xFFFFFFFF;
	p2 =	slt.u32 s8, $0xFFFFF086  }
0x1c: {  	p1 =	slt.u32 s9, $0xF7A;
	s5 =	simm.s32 @!p2 $0x0  }
0x1d: {  	s5 =	simm.s32 @p1 $0x1;
	p0 =	seq.s32 s7, s2  }
0x1e: {  	s7 =	smul.u32 @!p0 $0xF7A, s2;
	p2 =	seq.s32 @!p0 s5, $0x0  }
0x1f: {  	s9 =	smul.u32 $0xF7A, s1;
	s8 =	simm.s32 @!p0 $0x1BF5;
	p2 =	por !p2, p0  }
0x20: {  	[sflag:s8] =	ssyncset.s32 @!p0 $0xFFFFF086;
	s6 =	sadd.s32 @!p0 s3, s7;
	s7 =	simm.s32 @!p0 $0x108  }
0x21: {  	s3 =	sadd.s32 s3, s9;
	s6 =	sadd.s32 @!p0 $0x88, s6;
	s7 =	simm.s32 @p2 $0x1082  }
0x22: {  	[simem:s7], [sflag:s8] =	dma.local @!p0 [hbm:s6], $0xF7A  }
0x23: {  	s9 =	sor.u32 $0xD0000000, s2;
	s6 =	simm.s32 $0x108;
	_ =	swait.ge @!p0 [sflag:s8], $0x0  }
0x24: {  	s3 =	sadd.s32 $0x88, s3;
	s6 =	simm.s32 @!p1 $0x1082;
	[sflag:s4] =	ssyncset.s32 $0xFFFFF086  }
0x25: {  	[simem:s6], [sflag:s4] =	dma.local [hbm:s3], $0xF7A  }
0x26: {  	[smem:$0x3F8A] =	sst s1;
	(tag) =	ssettag s2;
	_ =	strace s9  }
0x27: {  	s1 =	sld [smem:$0x3F9A]  }
0x28: {  	s2 =	sld [smem:$0x3F9B]  }
0x29: {  	s4 =	sld [smem:$0x3F9D]  }
0x2a: {  	p0 =	seq.s32 s5, $0x0;
	s5 =	sld [smem:$0x3F9E]  }
0x2b: {  	s6 =	sld [smem:$0x3F9F]  }
0x2c: {  	s7 =	sld [smem:$0x3FA0]  }
0x2d: {  	s3 =	simm.s32 $0x108;
	s8 =	sld [smem:$0x3FA1]  }
0x2e: {  	s3 =	simm.s32 @!p0 $0x1082;
	s9 =	sld [smem:$0x3FA2]  }
0x2f: {  	lr =	sadd.s32 s0, s3;
	s0 =	sld [smem:$0x3F99]  }
0x30: {  	s3 =	sld [smem:$0x3F9C]  }
0x31: {  	[smem:$0x3FA5] =	sst s10  }
0x32: {  	s10 =	sld [smem:$0x3FA3];
	_ =	sdelay $0x3  }
0x33: {  	p0 =	seq.s32 s10, $0x1;
	s10 =	sld [smem:$0x3FA5];
	_ =	sdelay $0x3  }
0x34: {  	[smem:$0x3FA5] =	sst s10  }
0x35: {  	s10 =	sld [smem:$0x3FA4];
	_ =	sdelay $0x3  }
0x36: {  	p1 =	seq.s32 s10, $0x1;
	s10 =	sld [smem:$0x3FA5];
	_ =	sdelay $0x3  }
0x37: {  	[smem:$0x3FA5] =	sst s10  }
0x38: {  	s10 =	sld [smem:$0x3FA6]  }
0x39: {  	_ = 	snop;
	(pc) =	sbr.ind lr, $3  }
0x3a: {  	_ = 	snop  }
0x3b: {  	_ = 	snop  }
0x3c: {  	p2 =	seq.s32 s10, $0x1;
	s10 =	sld [smem:$0x3FA5]  }
0x3d: {  	_ =	shalt  }
0x3e: {  	_ =	shalt  }
0x3f: {  	_ =	shalt  }
0x40: {  	_ =	shalt  }
0x41: {  	_ =	shalt  }
0x42: {  	_ =	shalt  }
0x43: {  	_ =	shalt  }
0x44: {  	_ =	shalt  }
0x45: {  	_ =	shalt  }
0x46: {  	_ =	shalt  }
0x47: {  	_ =	shalt  }
0x48: {  	_ =	shalt  }
0x49: {  	_ =	shalt  }
0x4a: {  	_ =	shalt  }
0x4b: {  	_ =	shalt  }
0x4c: {  	_ =	shalt  }
0x4d: {  	_ =	shalt  }
0x4e: {  	_ =	shalt  }
0x4f: {  	_ =	shalt  }
0x50: {  	_ =	shalt  }
0x51: {  	_ =	shalt  }
0x52: {  	_ =	shalt  }
0x53: {  	_ =	shalt  }
0x54: {  	_ =	shalt  }
0x55: {  	_ =	shalt  }
0x56: {  	_ =	shalt  }
0x57: {  	_ =	shalt  }
0x58: {  	_ =	shalt  }
0x59: {  	_ =	shalt  }
0x5a: {  	_ =	shalt  }
0x5b: {  	_ =	shalt  }
0x5c: {  	_ =	shalt  }
0x5d: {  	_ =	shalt  }
0x5e: {  	_ =	shalt  }
0x5f: {  	_ =	shalt  }
0x60: {  	_ =	shalt  }
0x61: {  	_ =	shalt  }
0x62: {  	_ =	shalt  }
0x63: {  	_ =	shalt  }
0x64: {  	_ =	shalt  }
0x65: {  	_ =	shalt  }
0x66: {  	_ =	shalt  }
0x67: {  	_ =	shalt  }
0x68: {  	_ =	shalt  }
0x69: {  	_ =	shalt  }
0x6a: {  	_ =	shalt  }
0x6b: {  	_ =	shalt  }
0x6c: {  	_ =	shalt  }
0x6d: {  	_ =	shalt  }
0x6e: {  	_ =	shalt  }
0x6f: {  	_ =	shalt  }
0x70: {  	_ =	shalt  }
0x71: {  	_ =	shalt  }
0x72: {  	_ =	shalt  }
0x73: {  	_ =	shalt  }
0x74: {  	_ =	shalt  }
0x75: {  	_ =	shalt  }
0x76: {  	_ =	shalt  }
0x77: {  	_ =	shalt  }
0x78: {  	_ =	shalt  }
0x79: {  	_ =	shalt  }
0x7a: {  	_ =	shalt  }
0x7b: {  	_ =	shalt  }
0x7c: {  	_ =	shalt  }
0x7d: {  	_ =	shalt  }
0x7e: {  	_ =	shalt  }
0x7f: {  	_ =	shalt  }
0x80: {  	_ =	shalt  }
0x81: {  	_ =	shalt  }
0x82: {  	_ =	shalt  }
0x83: {  	_ =	shalt  }
0x84: {  	_ =	shalt  }
0x85: {  	_ =	shalt  }
0x86: {  	_ =	shalt  }
0x87: {  	_ =	shalt  }
.Lfunc_end0:
.L_simem_size_0:
called_computation.2_lowered:
.L_overlay_start_0:
0x88: {  	s2 =	sld [smem:$0x3FD9]  }
0x89: {  	s3 =	sld [smem:$0x3FFE];
	_ =	sdelay $0x1  }
0x8a: {  	s1 =	srdreg.scid  }
0x8b: {  	s0 =	sand.u32 $0x1, s1  }
0x8c: {  	s17 =	sshll.u32 s0, $0xA;
	s2 =	sadd.s32 s3, s2  }
0x8d: {  	s2 =	sadd.s32 s2, s17  }
0x8e: {  	[smem:$0x3FB1] =	sst s2  }
0x8f: {  	_ = 	snop  }
0x90: {  	(tm) =	ssettm $0x1  }
0x91: {  	s18 =	sld [smem:$0x3FFB];
	_ =	sdelay $0x3  }
0x92: {  	_ =	strace s18  }
0x93: {  	s2 =	sld [smem:$0x3FFC];
	_ =	sdelay $0x3  }
0x94: {  	_ =	strace s2  }
0x95: {  	s2 =	sld [smem:$0x3FFD];
	_ =	sdelay $0x3  }
0x96: {  	_ =	strace s2  }
0x97: {  	_ =	strace $0x8FFFFFFF  }
0x98: {  	s19 =	sld [smem:$0x3FDB];
	_ =	sdelay $0x1  }
0x99: {  	s20 =	simm.s32 $_scs_section_size  }
0x9a: {  	s4 =	simm.s32 $_size__tile_overlayer_lowered;
	s5 =	simm.s32 $_tile_overlayer_lowered  }
0x9b: {  	s6 =	simm.s32 $0x1BFF;
	s21 =	sshll.u32 s5, $0x1;
	s3 =	sadd.s32 s20, s19  }
0x9c: {  	s22 =	simm.s32 $0x0;
	s4 =	sshll.u32 s4, $0x1;
	s5 =	sadd.s32 s21, s3  }
0x9d: {  	[timem:s22], [sflag:s6] =	dma.local [hbm:s5], s4  }
0x9e: {  	_ =	swait.ge [sflag:s6], s4  }
0x9f: {  	s4 =	ssub.s32 $0x0, s4;
	[sflag:s6] =	ssyncset.done $0x0  }
0xa0: {  	[sflag:s6] =	ssyncadd.s32 s4;
	_ =	sdelay $0x1  }
0xa1: {  	s23 =	simm.s32 $0x1B8B  }
0xa2: {  	_ =	swait.ge [sflag:s23], $0x1  }
0xa3: {  	[sflag:s23] =	ssyncset.done $0x0  }
0xa4: {  	[sflag:s23] =	ssyncadd.s32 $0xFFFFFFFF  }
0xa5: {  	s4 =	sld [smem:$0x0]  }
0xa6: {  	s5 =	sand.u32 $0xFFFFFFFE, s1  }
0xa7: {  	p0 =	sne.s32 s1, s5  }
0xa8: {  	s5 =	sshll.u32 @p0 s5, $0xE  }
0xa9: {  	s5 =	sadd.s32 @p0 $0x11B8D, s5;
	s6 =	sshll.u32 @p0 s4, $0x11  }
0xaa: {  	s5 =	sor.u32 @p0 s6, s5  }
0xab: {  	[sflag:s5] =	ssyncadd.remote.s32 @p0 $0x1;
	_ =	sdelay $0x1  }
0xac: {  	s5 =	simm.s32 @p0 $0x1B8D  }
0xad: {  	_ =	swait.eq @p0 [sflag:s5], $0x1  }
0xae: {  	[sflag:s5] =	ssyncadd.s32 @p0 $0xFFFFFFFF  }
0xaf: {  	s6 =	sshll.u32 @!p0 s1, $0xE  }
0xb0: {  	s6 =	sor.u32 @!p0 $0x4000, s6;
	s5 =	simm.s32 @!p0 $0x1B8D  }
0xb1: {  	s4 =	sshll.u32 @!p0 s4, $0x11;
	s6 =	sadd.s32 @!p0 $0x11B8D, s6;
	_ =	swait.eq @!p0 [sflag:s5], $0x1  }
0xb2: {  	s4 =	sor.u32 @!p0 s4, s6;
	[sflag:s5] =	ssyncadd.s32 @!p0 $0xFFFFFFFF  }
0xb3: {  	s25 =	simm.s32 $0x1B8E;
	s24 =	sld [smem:$0x3FFE];
	[sflag:s4] =	ssyncadd.remote.s32 @!p0 $0x1  }
0xb4: {  	s26 =	simm.s32 $execute0_lowered;
	[smem:$0x3FD2] =	sst s25  }
0xb5: {  	s5 =	sshll.u32 s26, $0x1;
	_ =	strace $0x80000049;
	[dreg:$0x1] =	wrdreg $0xFFFFFFFF  }
0xb6: {  	s28 =	simm.s32 $_size_execute0_lowered;
	s3 =	sadd.s32 s3, s5;
	[dreg:$0x0] =	wrdreg $0x0  }
0xb7: {  	s5 =	sshll.u32 s28, $0x1;
	[dreg:$0x2] =	wrdreg s3  }
0xb8: {  	[dreg:$0x3] =	wrdreg s5  }
0xb9: {  	[dreg:$0x4] =	wrdreg $0xC0  }
0xba: {  	_ =	task [dreg:s22], $0x5FFFF  }
0xbb: {  	[dreg:$0x1] =	wrdreg $0xFFFFFFFF  }
0xbc: {  	[dreg:$0x0] =	wrdreg $0x60  }
0xbd: {  	[dreg:$0x2] =	wrdreg s24  }
0xbe: {  	[dreg:$0x3] =	wrdreg $0xB  }
0xbf: {  	_ =	task.clear_ibuf [dreg:s22], $0x4FFFF;
	_ =	strace $0x90000049  }
0xc0: {  	s29 =	simm.s32 $0xB;
	_ =	strace $0x8000004B  }
0xc1: {  	_ =	swait.ge [sflag:s29], $0x1  }
0xc2: {  	[sflag:s29] =	ssyncadd.s32 $0xFFFFFFFF  }
0xc3: {  	_ =	strace $0x9000004B  }
0xc4: {  	_ =	sfence  }
0xc5: {  	s30 =	sld [smem:$0x0];
	_ =	sdelay $0x2  }
0xc6: {  	s31 =	sshll.u32 s1, $0xD;
	s1 =	sshrl.u32 s1, $0x2  }
0xc7: {  	s4 =	sand.u32 $0x4000, s31;
	s1 =	sadd.s32 s1, s30  }
0xc8: {  	s0 =	sor.u32 s4, s0;
	s1 =	sshll.u32 s1, $0x11  }
0xc9: {  	s0 =	sor.u32 s1, s0  }
0xca: {  	s0 =	sadd.s32 $0x8F2B, s0  }
0xcb: {  	[sflag:s0] =	ssyncadd.remote.s32 $0x1  }
0xcc: {  	_ =	sfence.sel $0xFFFF  }
0xcd: {  	[dreg:$0x0] =	wrdreg $0xFFFFFFFF;
	(pc) =	sbr.abs _section_cstart, $3  }
0xce: {  	[dreg:$0x1] =	wrdreg $0xFFFFFFFF  }
0xcf: {  	_ =	task.clear_ibuf [dreg:s22], $0x2FFFF;
	_ =	strace $0x9FFFFFFF  }
0xd0: {  	(tm) =	ssettm $0x7FFFFFFF  }
0xd1: {  	_ =	shalt  }
tec
execute0_lowered:
.L_overlay_start_1:
0x0: {  	(tag) =	ssettag $0x1  }
0x1: {  	s0 =	stileid.u32  }
0x2: {  	s1 =	srdreg.scid;
	s2 =	sshll.u32 s0, $0x1  }
0x3: {  	s23 =	sand.u32 $0x1, s1;
	s19 =	sshrl.u32 s0, $0x3;
	s26 =	sand.u32 $0xE, s2  }
0x4: {  	s31 =	smul.u32 $0x13880, s19;
	s6 =	sor.u32 s23, s26  }
0x5: {  	s14 =	smul.u32 $0x640, s6  }
0x6: {  	s7 =	rddreg [dreg:$0x0];
	s4 =	simm.s32 $0x3;
	s18 =	sadd.s32 $0x6400, s31  }
0x7: {  	s1 =	rddreg [dreg:$0x1];
	s2 =	simm.s32 $0x0;
	s3 =	sadd.s32 s14, s18  }
0x8: {  	s20 =	sadd.s32 $0x6000, s7;
	[smem:$0x7FF] =	sst s2;
	s3 =	sshrl.u32 s3, $0x3  }
0x9: {  	s5 =	sadd.s32 $0x37000, s7;
	_ =	strace $0x8000004A;
	s3 =	sadd.s32 s20, s3  }
0xa: {  	[tilespmem:s2], [sflag:$0x3] =	stream.linear.gather [hbm4b:s3+s2], $0x320, $0x38;
	[tilespmem:$0xCB20] =	vst v63  }
0xb: {  	s21 =	sadd.s32 $0xBB200, s7;
	s24 =	sadd.s32 $0xBB208, s7;
	_ =	swait.ge [sflag:s4], $0x320  }
0xc: {  	s7 =	simm.s32 $0x1;
	p0 =	sne.s32 s19, $0x0;
	[sflag:s4] =	ssyncset.done $0x0  }
0xd: {  	s13 =	smul.u32 $0x6400, s6;
	s6 =	simm.s32 $0x320;
	[sflag:s4] =	ssyncadd.s32 $0xFFFFFCE0  }
0xe: {  	[tilespmem:s6], [sflag:$0x1] =	stream.indirect.gather [hbm4b:s5+s6], $0x40, s2, s6, $0xb8;
	[tilespmem:$0xCB20] =	vst v63  }
0xf: {  	s9 =	simm.s32 @p0 $0x320;
	_ =	swait.ge [sflag:s7], $0xC800  }
0x10: {  	s10 =	simm.s32 @p0 $0x2;
	s11 =	simm.s32 @p0 $0x40;
	[sflag:s7] =	ssyncset.done $0x0  }
0x11: {  	s12 =	simm.s32 @p0 $0x80;
	s8 =	sadd.s32 s13, s24;
	[sflag:s7] =	ssyncadd.s32 $0xFFFF3800  }
0x12: {  	[hbm4b:s8+s11] =	stream.strided.scatter @p0 [tilespmem:s9], [sflag:$0x2], $0xC800, s12, s11, $0x38;
	[tilespmem:$0xCB20] =	vst v63  }
0x13: {  	s15 =	simm.s32 @!p0 $0x3;
	s16 =	simm.s32 @!p0 $0x40;
	_ =	swait.ge @p0 [sflag:s10], $0xC800  }
0x14: {  	s17 =	simm.s32 @!p0 $0x80;
	s13 =	sadd.s32 s21, s13;
	[sflag:s10] =	ssyncset.done @p0 $0x0  }
0x15: {  	s22 =	sadd.s32 $0x320, s14;
	s14 =	simm.s32 @!p0 $0x320;
	[sflag:s10] =	ssyncadd.s32 @p0 $0xFFFF3800  }
0x16: {  	[hbm4b:s13+s16] =	stream.strided.scatter @!p0 [tilespmem:s14], [sflag:$0x3], $0xC800, s17, s16, $0x38;
	[tilespmem:$0xCB20] =	vst v63  }
0x17: {  	s18 =	sadd.s32 s22, s18;
	_ =	swait.ge @!p0 [sflag:s15], $0xC800  }
0x18: {  	s18 =	sshrl.u32 s18, $0x3;
	[sflag:s15] =	ssyncset.done @!p0 $0x0  }
0x19: {  	s26 =	ssub.s32 $0x2, s23;
	s18 =	sadd.s32 s20, s18;
	[sflag:s15] =	ssyncadd.s32 @!p0 $0xFFFF3800  }
0x1a: {  	[tilespmem:s2], [sflag:$0x3] =	stream.linear.gather [hbm4b:s18+s2], $0x320, $0x38;
	[tilespmem:$0xCB20] =	vst v63  }
0x1b: {  	p1 =	seq.s32 s19, $0x0;
	s28 =	sshrl.u32 s26, $0x1;
	_ =	swait.ge [sflag:s4], $0x320  }
0x1c: {  	s23 =	simm.s32 @p1 $0x3;
	s26 =	ssub.s32 s26, s28;
	[sflag:s4] =	ssyncset.done $0x0  }
0x1d: {  	s29 =	simm.s32 @!p1 $0x80;
	s26 =	smax.u32 s26, $0x1;
	[sflag:s4] =	ssyncadd.s32 $0xFFFFFCE0  }
0x1e: {  	[tilespmem:s6], [sflag:$0x1] =	stream.indirect.gather [hbm4b:s5+s6], $0x40, s2, s6, $0xb8;
	[tilespmem:$0xCB20] =	vst v63  }
0x1f: {  	s25 =	sshll.u32 s22, $0x4;
	s22 =	simm.s32 @p1 $0x80;
	_ =	swait.ge [sflag:s7], $0xC800  }
0x20: {  	s30 =	sadd.s32 $0xFFFFFFFF, s26;
	s19 =	sadd.s32 s21, s25;
	[sflag:s7] =	ssyncset.done $0x0  }
0x21: {  	s21 =	simm.s32 @p1 $0x40;
	s20 =	simm.s32 @p1 $0x320;
	[sflag:s7] =	ssyncadd.s32 $0xFFFF3800  }
0x22: {  	[hbm4b:s19+s21] =	stream.strided.scatter @p1 [tilespmem:s20], [sflag:$0x3], $0xC800, s22, s21, $0x38;
	[tilespmem:$0xCB20] =	vst v63  }
0x23: {  	s28 =	simm.s32 @!p1 $0x40;
	p2 =	sne.s32 s30, $0x0;
	_ =	swait.ge @p1 [sflag:s23], $0xC800  }
.Ltmp0:
0x24: {  	s26 =	simm.s32 @!p1 $0x2;
	[sflag:s23] =	ssyncset.done @p1 $0x0;
	(pc) =	sbr.rel @!p2 .LBB2_2-.Ltmp0, $4  }
0x25: {  	s24 =	sadd.s32 s25, s24;
	s25 =	simm.s32 @!p1 $0x320;
	[sflag:s23] =	ssyncadd.s32 @p1 $0xFFFF3800  }
0x26: {  	[hbm4b:s24+s28] =	stream.strided.scatter @!p1 [tilespmem:s25], [sflag:$0x2], $0xC800, s29, s28, $0x38;
	[tilespmem:$0xCB20] =	vst v63  }
0x27: {  	_ =	swait.ge @!p1 [sflag:s26], $0xC800  }
0x28: {  	[sflag:s26] =	ssyncset.done @!p1 $0x0  }
.LBB2_1:
0x29: {  	s30 =	sadd.s32 $0xFFFFFFFF, s30;
	[sflag:s26] =	ssyncadd.s32 @!p1 $0xFFFF3800  }
0x2a: {  	[tilespmem:s2], [sflag:$0x3] =	stream.linear.gather [hbm4b:s3+s2], $0x320, $0x38;
	[tilespmem:$0xCB20] =	vst v63  }
0x2b: {  	p2 =	sne.s32 s30, $0x0;
	_ =	swait.ge [sflag:s4], $0x320  }
0x2c: {  	[sflag:s4] =	ssyncset.done $0x0  }
0x2d: {  	[sflag:s4] =	ssyncadd.s32 $0xFFFFFCE0  }
0x2e: {  	[tilespmem:s6], [sflag:$0x1] =	stream.indirect.gather [hbm4b:s5+s6], $0x40, s2, s6, $0xb8;
	[tilespmem:$0xCB20] =	vst v63  }
0x2f: {  	_ =	swait.ge [sflag:s7], $0xC800  }
0x30: {  	[sflag:s7] =	ssyncset.done $0x0  }
0x31: {  	[sflag:s7] =	ssyncadd.s32 $0xFFFF3800  }
0x32: {  	[hbm4b:s8+s11] =	stream.strided.scatter @p0 [tilespmem:s9], [sflag:$0x2], $0xC800, s12, s11, $0x38;
	[tilespmem:$0xCB20] =	vst v63  }
0x33: {  	_ =	swait.ge @p0 [sflag:s10], $0xC800  }
0x34: {  	[sflag:s10] =	ssyncset.done @p0 $0x0  }
0x35: {  	[sflag:s10] =	ssyncadd.s32 @p0 $0xFFFF3800  }
0x36: {  	[hbm4b:s13+s16] =	stream.strided.scatter @!p0 [tilespmem:s14], [sflag:$0x3], $0xC800, s17, s16, $0x38;
	[tilespmem:$0xCB20] =	vst v63  }
0x37: {  	_ =	swait.ge @!p0 [sflag:s15], $0xC800  }
0x38: {  	[sflag:s15] =	ssyncset.done @!p0 $0x0  }
0x39: {  	[sflag:s15] =	ssyncadd.s32 @!p0 $0xFFFF3800  }
0x3a: {  	[tilespmem:s2], [sflag:$0x3] =	stream.linear.gather [hbm4b:s18+s2], $0x320, $0x38;
	[tilespmem:$0xCB20] =	vst v63  }
0x3b: {  	_ =	swait.ge [sflag:s4], $0x320  }
0x3c: {  	[sflag:s4] =	ssyncset.done $0x0  }
0x3d: {  	[sflag:s4] =	ssyncadd.s32 $0xFFFFFCE0  }
0x3e: {  	[tilespmem:s6], [sflag:$0x1] =	stream.indirect.gather [hbm4b:s5+s6], $0x40, s2, s6, $0xb8;
	[tilespmem:$0xCB20] =	vst v63  }
0x3f: {  	_ =	swait.ge [sflag:s7], $0xC800  }
0x40: {  	[sflag:s7] =	ssyncset.done $0x0  }
0x41: {  	[sflag:s7] =	ssyncadd.s32 $0xFFFF3800  }
0x42: {  	[hbm4b:s19+s21] =	stream.strided.scatter @p1 [tilespmem:s20], [sflag:$0x3], $0xC800, s22, s21, $0x38;
	[tilespmem:$0xCB20] =	vst v63  }
0x43: {  	_ =	swait.ge @p1 [sflag:s23], $0xC800  }
.Ltmp1:
0x44: {  	[sflag:s23] =	ssyncset.done @p1 $0x0;
	(pc) =	sbr.rel @p2 .LBB2_1-.Ltmp1, $4  }
0x45: {  	[sflag:s23] =	ssyncadd.s32 @p1 $0xFFFF3800  }
0x46: {  	[hbm4b:s24+s28] =	stream.strided.scatter @!p1 [tilespmem:s25], [sflag:$0x2], $0xC800, s29, s28, $0x38;
	[tilespmem:$0xCB20] =	vst v63  }
0x47: {  	_ =	swait.ge @!p1 [sflag:s26], $0xC800  }
0x48: {  	[sflag:s26] =	ssyncset.done @!p1 $0x0  }
.LBB2_2:
0x49: {  	[sflag:s26] =	ssyncadd.s32 @!p1 $0xFFFF3800  }
0x4a: {  	_ =	sfence.sel $0x180000  }
0x4b: {  	[bflag:$0x0] =	sbarrier.arrive $0xFFFF  }
0x4c: {  	p0 =	sne.s32 s0, $0x0;
	_ =	strace $0x9000004A  }
0x4d: {  	s0 =	sadd.s32 @!p0 $0x100000, s1;
	[bflag:$0x2] =	sbarrier.arrive $0xFFFF  }
0x4e: {  	[sflag:s0] =	ssyncadd.tile.s32 @!p0 $0x1;
	_ =	shalt  }
.Lfunc_end2:
_tile_overlayer_lowered:
.L_overlay_start_2:
0x4f: {  	(tag) =	ssettag $0x2  }
0x50: {  	s0 =	rddreg [dreg:$0x0];
	s2 =	stileid.u32  }
0x51: {  	s1 =	rddreg [dreg:$0x1];
	p0 =	sne.s32 s2, $0x0  }
0x52: {  	s3 =	rddreg [dreg:$0x2];
	[bflag:$0x3] =	sbarrier.arrive $0xFFFF;
	s2 =	simm.s32 @!p0 $0x1C02  }
0x53: {  	[timem:s3], [sflag:s2] =	dma.local @!p0 [hbm:s0], s1  }
0x54: {  	s0 =	simm.s32 @!p0 $0x2  }
0x55: {  	_ =	swait.ge @!p0 [sflag:s0], s1  }
0x56: {  	s1 =	ssub.s32 @!p0 $0x0, s1;
	[sflag:s0] =	ssyncset.done @!p0 $0x0  }
0x57: {  	[sflag:s0] =	ssyncadd.s32 @!p0 s1  }
0x58: {  	[bflag:$0x3] =	sbarrier.arrive $0xFFFF  }
0x59: {  	_ =	shalt  }

// kernel: kernel.22.cloned.1.call-start
scs
__scs_entry_jumppad:
0x0: {  	(pc) =	sbr.rel $0x88, $3  }
0x1: {  	(tag) =	ssettag $0x0;
	lr =	simm.s32 $0x1  }
0x2: {  	[smem:$0x3F8A] =	sst lr;
	_ =	strace $0xD0000000  }
0x3: {  	_ = 	snop  }
0x4: {  	_ = 	snop  }
0x5: {  	_ = 	snop  }
0x6: {  	_ = 	snop  }
0x7: {  	_ = 	snop  }
__scs_overlays_trampoline_lowered:
0x8: {  	[smem:$0x3F99] =	sst s0  }
0x9: {  	[smem:$0x3F9A] =	sst s1  }
0xa: {  	[smem:$0x3F9B] =	sst s2  }
0xb: {  	[smem:$0x3F9C] =	sst s3  }
0xc: {  	[smem:$0x3F9D] =	sst s4  }
0xd: {  	[smem:$0x3F9E] =	sst s5  }
0xe: {  	[smem:$0x3F9F] =	sst s6  }
0xf: {  	[smem:$0x3FA0] =	sst s7  }
0x10: {  	[smem:$0x3FA1] =	sst s8  }
0x11: {  	[smem:$0x3FA2] =	sst s9;
	s0 =	simm.s32 @!p0 $0x0  }
0x12: {  	s1 =	sld [smem:$0x3F88];
	s0 =	simm.s32 @p0 $0x1  }
0x13: {  	[smem:$0x3FA3] =	sst s0;
	s0 =	simm.s32 @!p1 $0x0  }
0x14: {  	s2 =	sld [smem:$0x3F87];
	s0 =	simm.s32 @p1 $0x1  }
0x15: {  	[smem:$0x3FA4] =	sst s0;
	s0 =	simm.s32 @!p2 $0x0  }
0x16: {  	s3 =	sld [smem:$0x3FDB];
	s0 =	simm.s32 @p2 $0x1  }
0x17: {  	s4 =	simm.s32 $0x1BF5;
	[smem:$0x3FA6] =	sst s0  }
0x18: {  	s0 =	sld [smem:$0x3F89];
	_ =	swait.ge [sflag:s4], $0x0  }
0x19: {  	s7 =	sld [smem:$0x3F8A]  }
0x1a: {  	s8 =	sadd.s32 $0xFFFFE003, lr  }
0x1b: {  	s9 =	sadd.s32 $0xFFFFFEF7, lr;
	s5 =	simm.s32 $0xFFFFFFFF;
	p2 =	slt.u32 s8, $0xFFFFF086  }
0x1c: {  	p1 =	slt.u32 s9, $0xF7A;
	s5 =	simm.s32 @!p2 $0x0  }
0x1d: {  	s5 =	simm.s32 @p1 $0x1;
	p0 =	seq.s32 s7, s2  }
0x1e: {  	s7 =	smul.u32 @!p0 $0xF7A, s2;
	p2 =	seq.s32 @!p0 s5, $0x0  }
0x1f: {  	s9 =	smul.u32 $0xF7A, s1;
	s8 =	simm.s32 @!p0 $0x1BF5;
	p2 =	por !p2, p0  }
0x20: {  	[sflag:s8] =	ssyncset.s32 @!p0 $0xFFFFF086;
	s6 =	sadd.s32 @!p0 s3, s7;
	s7 =	simm.s32 @!p0 $0x108  }
0x21: {  	s3 =	sadd.s32 s3, s9;
	s6 =	sadd.s32 @!p0 $0x88, s6;
	s7 =	simm.s32 @p2 $0x1082  }
0x22: {  	[simem:s7], [sflag:s8] =	dma.local @!p0 [hbm:s6], $0xF7A  }
0x23: {  	s9 =	sor.u32 $0xD0000000, s2;
	s6 =	simm.s32 $0x108;
	_ =	swait.ge @!p0 [sflag:s8], $0x0  }
0x24: {  	s3 =	sadd.s32 $0x88, s3;
	s6 =	simm.s32 @!p1 $0x1082;
	[sflag:s4] =	ssyncset.s32 $0xFFFFF086  }
0x25: {  	[simem:s6], [sflag:s4] =	dma.local [hbm:s3], $0xF7A  }
0x26: {  	[smem:$0x3F8A] =	sst s1;
	(tag) =	ssettag s2;
	_ =	strace s9  }
0x27: {  	s1 =	sld [smem:$0x3F9A]  }
0x28: {  	s2 =	sld [smem:$0x3F9B]  }
0x29: {  	s4 =	sld [smem:$0x3F9D]  }
0x2a: {  	p0 =	seq.s32 s5, $0x0;
	s5 =	sld [smem:$0x3F9E]  }
0x2b: {  	s6 =	sld [smem:$0x3F9F]  }
0x2c: {  	s7 =	sld [smem:$0x3FA0]  }
0x2d: {  	s3 =	simm.s32 $0x108;
	s8 =	sld [smem:$0x3FA1]  }
0x2e: {  	s3 =	simm.s32 @!p0 $0x1082;
	s9 =	sld [smem:$0x3FA2]  }
0x2f: {  	lr =	sadd.s32 s0, s3;
	s0 =	sld [smem:$0x3F99]  }
0x30: {  	s3 =	sld [smem:$0x3F9C]  }
0x31: {  	[smem:$0x3FA5] =	sst s10  }
0x32: {  	s10 =	sld [smem:$0x3FA3];
	_ =	sdelay $0x3  }
0x33: {  	p0 =	seq.s32 s10, $0x1;
	s10 =	sld [smem:$0x3FA5];
	_ =	sdelay $0x3  }
0x34: {  	[smem:$0x3FA5] =	sst s10  }
0x35: {  	s10 =	sld [smem:$0x3FA4];
	_ =	sdelay $0x3  }
0x36: {  	p1 =	seq.s32 s10, $0x1;
	s10 =	sld [smem:$0x3FA5];
	_ =	sdelay $0x3  }
0x37: {  	[smem:$0x3FA5] =	sst s10  }
0x38: {  	s10 =	sld [smem:$0x3FA6]  }
0x39: {  	_ = 	snop;
	(pc) =	sbr.ind lr, $3  }
0x3a: {  	_ = 	snop  }
0x3b: {  	_ = 	snop  }
0x3c: {  	p2 =	seq.s32 s10, $0x1;
	s10 =	sld [smem:$0x3FA5]  }
0x3d: {  	_ =	shalt  }
0x3e: {  	_ =	shalt  }
0x3f: {  	_ =	shalt  }
0x40: {  	_ =	shalt  }
0x41: {  	_ =	shalt  }
0x42: {  	_ =	shalt  }
0x43: {  	_ =	shalt  }
0x44: {  	_ =	shalt  }
0x45: {  	_ =	shalt  }
0x46: {  	_ =	shalt  }
0x47: {  	_ =	shalt  }
0x48: {  	_ =	shalt  }
0x49: {  	_ =	shalt  }
0x4a: {  	_ =	shalt  }
0x4b: {  	_ =	shalt  }
0x4c: {  	_ =	shalt  }
0x4d: {  	_ =	shalt  }
0x4e: {  	_ =	shalt  }
0x4f: {  	_ =	shalt  }
0x50: {  	_ =	shalt  }
0x51: {  	_ =	shalt  }
0x52: {  	_ =	shalt  }
0x53: {  	_ =	shalt  }
0x54: {  	_ =	shalt  }
0x55: {  	_ =	shalt  }
0x56: {  	_ =	shalt  }
0x57: {  	_ =	shalt  }
0x58: {  	_ =	shalt  }
0x59: {  	_ =	shalt  }
0x5a: {  	_ =	shalt  }
0x5b: {  	_ =	shalt  }
0x5c: {  	_ =	shalt  }
0x5d: {  	_ =	shalt  }
0x5e: {  	_ =	shalt  }
0x5f: {  	_ =	shalt  }
0x60: {  	_ =	shalt  }
0x61: {  	_ =	shalt  }
0x62: {  	_ =	shalt  }
0x63: {  	_ =	shalt  }
0x64: {  	_ =	shalt  }
0x65: {  	_ =	shalt  }
0x66: {  	_ =	shalt  }
0x67: {  	_ =	shalt  }
0x68: {  	_ =	shalt  }
0x69: {  	_ =	shalt  }
0x6a: {  	_ =	shalt  }
0x6b: {  	_ =	shalt  }
0x6c: {  	_ =	shalt  }
0x6d: {  	_ =	shalt  }
0x6e: {  	_ =	shalt  }
0x6f: {  	_ =	shalt  }
0x70: {  	_ =	shalt  }
0x71: {  	_ =	shalt  }
0x72: {  	_ =	shalt  }
0x73: {  	_ =	shalt  }
0x74: {  	_ =	shalt  }
0x75: {  	_ =	shalt  }
0x76: {  	_ =	shalt  }
0x77: {  	_ =	shalt  }
0x78: {  	_ =	shalt  }
0x79: {  	_ =	shalt  }
0x7a: {  	_ =	shalt  }
0x7b: {  	_ =	shalt  }
0x7c: {  	_ =	shalt  }
0x7d: {  	_ =	shalt  }
0x7e: {  	_ =	shalt  }
0x7f: {  	_ =	shalt  }
0x80: {  	_ =	shalt  }
0x81: {  	_ =	shalt  }
0x82: {  	_ =	shalt  }
0x83: {  	_ =	shalt  }
0x84: {  	_ =	shalt  }
0x85: {  	_ =	shalt  }
0x86: {  	_ =	shalt  }
0x87: {  	_ =	shalt  }
.Lfunc_end0:
.L_simem_size_0:
called_computation.3_lowered:
.L_overlay_start_0:
0x88: {  	s2 =	sld [smem:$0x3FD9]  }
0x89: {  	s3 =	sld [smem:$0x3FFE];
	_ =	sdelay $0x1  }
0x8a: {  	s1 =	srdreg.scid  }
0x8b: {  	s0 =	sand.u32 $0x1, s1  }
0x8c: {  	s17 =	sshll.u32 s0, $0xA;
	s2 =	sadd.s32 s3, s2  }
0x8d: {  	s2 =	sadd.s32 s2, s17  }
0x8e: {  	[smem:$0x3FB1] =	sst s2  }
0x8f: {  	_ = 	snop  }
0x90: {  	(tm) =	ssettm $0x1  }
0x91: {  	s18 =	sld [smem:$0x3FFB];
	_ =	sdelay $0x3  }
0x92: {  	_ =	strace s18  }
0x93: {  	s2 =	sld [smem:$0x3FFC];
	_ =	sdelay $0x3  }
0x94: {  	_ =	strace s2  }
0x95: {  	s2 =	sld [smem:$0x3FFD];
	_ =	sdelay $0x3  }
0x96: {  	_ =	strace s2  }
0x97: {  	_ =	strace $0x8FFFFFFF  }
0x98: {  	s19 =	sld [smem:$0x3FDB];
	_ =	sdelay $0x1  }
0x99: {  	s20 =	simm.s32 $_scs_section_size  }
0x9a: {  	s4 =	simm.s32 $_size__tile_overlayer_lowered;
	s5 =	simm.s32 $_tile_overlayer_lowered  }
0x9b: {  	s6 =	simm.s32 $0x1BFF;
	s21 =	sshll.u32 s5, $0x1;
	s3 =	sadd.s32 s20, s19  }
0x9c: {  	s22 =	simm.s32 $0x0;
	s4 =	sshll.u32 s4, $0x1;
	s5 =	sadd.s32 s21, s3  }
0x9d: {  	[timem:s22], [sflag:s6] =	dma.local [hbm:s5], s4  }
0x9e: {  	_ =	swait.ge [sflag:s6], s4  }
0x9f: {  	s4 =	ssub.s32 $0x0, s4;
	[sflag:s6] =	ssyncset.done $0x0  }
0xa0: {  	[sflag:s6] =	ssyncadd.s32 s4;
	_ =	sdelay $0x1  }
0xa1: {  	s23 =	simm.s32 $0x1B8B  }
0xa2: {  	_ =	swait.ge [sflag:s23], $0x1  }
0xa3: {  	[sflag:s23] =	ssyncset.done $0x0  }
0xa4: {  	[sflag:s23] =	ssyncadd.s32 $0xFFFFFFFF  }
0xa5: {  	s4 =	sld [smem:$0x0]  }
0xa6: {  	s5 =	sand.u32 $0xFFFFFFFE, s1  }
0xa7: {  	p0 =	sne.s32 s1, s5  }
0xa8: {  	s5 =	sshll.u32 @p0 s5, $0xE  }
0xa9: {  	s5 =	sadd.s32 @p0 $0x11B8D, s5;
	s6 =	sshll.u32 @p0 s4, $0x11  }
0xaa: {  	s5 =	sor.u32 @p0 s6, s5  }
0xab: {  	[sflag:s5] =	ssyncadd.remote.s32 @p0 $0x1;
	_ =	sdelay $0x1  }
0xac: {  	s5 =	simm.s32 @p0 $0x1B8D  }
0xad: {  	_ =	swait.eq @p0 [sflag:s5], $0x1  }
0xae: {  	[sflag:s5] =	ssyncadd.s32 @p0 $0xFFFFFFFF  }
0xaf: {  	s6 =	sshll.u32 @!p0 s1, $0xE  }
0xb0: {  	s6 =	sor.u32 @!p0 $0x4000, s6;
	s5 =	simm.s32 @!p0 $0x1B8D  }
0xb1: {  	s4 =	sshll.u32 @!p0 s4, $0x11;
	s6 =	sadd.s32 @!p0 $0x11B8D, s6;
	_ =	swait.eq @!p0 [sflag:s5], $0x1  }
0xb2: {  	s4 =	sor.u32 @!p0 s4, s6;
	[sflag:s5] =	ssyncadd.s32 @!p0 $0xFFFFFFFF  }
0xb3: {  	s25 =	simm.s32 $0x1B8E;
	s24 =	sld [smem:$0x3FFE];
	[sflag:s4] =	ssyncadd.remote.s32 @!p0 $0x1  }
0xb4: {  	s26 =	simm.s32 $execute0_lowered;
	[smem:$0x3FD2] =	sst s25  }
0xb5: {  	s5 =	sshll.u32 s26, $0x1;
	_ =	strace $0x80000052;
	[dreg:$0x1] =	wrdreg $0xFFFFFFFF  }
0xb6: {  	s28 =	simm.s32 $_size_execute0_lowered;
	s3 =	sadd.s32 s3, s5;
	[dreg:$0x0] =	wrdreg $0x0  }
0xb7: {  	s5 =	sshll.u32 s28, $0x1;
	[dreg:$0x2] =	wrdreg s3  }
0xb8: {  	[dreg:$0x3] =	wrdreg s5  }
0xb9: {  	[dreg:$0x4] =	wrdreg $0xC0  }
0xba: {  	_ =	task [dreg:s22], $0x5FFFF  }
0xbb: {  	[dreg:$0x1] =	wrdreg $0xFFFFFFFF  }
0xbc: {  	[dreg:$0x0] =	wrdreg $0x60  }
0xbd: {  	[dreg:$0x2] =	wrdreg s24  }
0xbe: {  	[dreg:$0x3] =	wrdreg $0xCB200  }
0xbf: {  	[dreg:$0x4] =	wrdreg $0xB  }
0xc0: {  	_ =	task.clear_ibuf [dreg:s22], $0x5FFFF;
	_ =	strace $0x90000052  }
0xc1: {  	s29 =	simm.s32 $0xB;
	_ =	strace $0x80000054  }
0xc2: {  	_ =	swait.ge [sflag:s29], $0x1  }
0xc3: {  	[sflag:s29] =	ssyncadd.s32 $0xFFFFFFFF  }
0xc4: {  	_ =	strace $0x90000054  }
0xc5: {  	_ =	sfence  }
0xc6: {  	s30 =	sld [smem:$0x0];
	_ =	sdelay $0x2  }
0xc7: {  	s31 =	sshll.u32 s1, $0xD;
	s1 =	sshrl.u32 s1, $0x2  }
0xc8: {  	s4 =	sand.u32 $0x4000, s31;
	s1 =	sadd.s32 s1, s30  }
0xc9: {  	s0 =	sor.u32 s4, s0;
	s1 =	sshll.u32 s1, $0x11  }
0xca: {  	s0 =	sor.u32 s1, s0  }
0xcb: {  	s0 =	sadd.s32 $0x8F2B, s0  }
0xcc: {  	[sflag:s0] =	ssyncadd.remote.s32 $0x1  }
0xcd: {  	_ =	sfence.sel $0xFFFF  }
0xce: {  	[dreg:$0x0] =	wrdreg $0xFFFFFFFF;
	(pc) =	sbr.abs _section_cstart, $3  }
0xcf: {  	[dreg:$0x1] =	wrdreg $0xFFFFFFFF  }
0xd0: {  	_ =	task.clear_ibuf [dreg:s22], $0x2FFFF;
	_ =	strace $0x9FFFFFFF  }
0xd1: {  	(tm) =	ssettm $0x7FFFFFFF  }
tec
execute0_lowered:
.L_overlay_start_1:
0x0: {  	(tag) =	ssettag $0x1  }
0x1: {  	s9 =	rddreg [dreg:$0x0]  }
0x2: {  	s1 =	rddreg [dreg:$0x1]  }
0x3: {  	s3 =	srdreg.scid;
	s0 =	rddreg [dreg:$0x2];
	s2 =	simm.s32 $0x0  }
0x4: {  	s16 =	stileid.u32;
	s13 =	simm.s32 $0x1F3A08;
	s15 =	simm.s32 $0x320  }
0x5: {  	s18 =	simm.s32 $0x8;
	s19 =	simm.s32 $0x1C41;
	s20 =	simm.s32 $0x1C01  }
0x6: {  	s4 =	sand.u32 $0x1, s3;
	[smem:$0x7FF] =	sst s2;
	s8 =	sadd.s32 $0x6000, s9  }
0x7: {  	s3 =	sadd.s32 $0x4AA00, s9;
	s7 =	sshll.u32 s16, $0x1;
	s10 =	sshrl.u32 s16, $0x3  }
0x8: {  	s17 =	sadd.s32 $0x4E200, s1;
	p1 =	seq.s32 s16, $0x1;
	s5 =	smul.u32 $0x13880, s4  }
0x9: {  	_ =	strace $0x80000053;
	s6 =	ssub.s32 $0x2, s4;
	s7 =	sand.u32 $0xE, s7  }
0xa: {  	s12 =	smul.u32 $0x13880, s10;
	s28 =	sand.u32 $0x1, s10;
	s11 =	sshrl.u32 s6, $0x1  }
0xb: {  	s7 =	sor.u32 s4, s7;
	p0 =	seq.s32 s28, $0x1;
	s5 =	sadd.s32 s5, s9  }
0xc: {  	s6 =	ssub.s32 s6, s11;
	s29 =	smul.u32 $0x640, s7;
	s30 =	sadd.s32 $0x2D500, s12  }
0xd: {  	s14 =	smul.u32 $0x6400, s7;
	s13 =	simm.s32 @!p0 $0x1F3A00;
	p0 =	sne.s32 s16, $0x0  }
0xe: {  	s16 =	sshrl.u32 s17, $0x3;
	s17 =	simm.s32 $0x10;
	s4 =	sadd.s32 $0x85608, s5  }
0xf: {  	s5 =	sadd.s32 $0x85600, s5;
	s6 =	smax.u32 s6, $0x1;
	s31 =	sadd.s32 s13, s9  }
.Ltmp0:
0x10: {  	s13 =	simm.s32 $0x40;
	s12 =	sadd.s32 s29, s30;
	(pc) =	sbr.rel .LBB2_1-.Ltmp0, $4  }
0x11: {  	s10 =	sadd.s32 $0x320, s29;
	s9 =	sadd.s32 s14, s31;
	s14 =	simm.s32 $0x80  }
0x12: {  	s12 =	sshrl.u32 s12, $0x3;
	s11 =	sadd.s32 s10, s30;
	s10 =	sshll.u32 s10, $0x4  }
0x13: {  	s11 =	sshrl.u32 s11, $0x3;
	s7 =	sadd.s32 s8, s12;
	s10 =	sadd.s32 s10, s31  }
0x14: {  	s12 =	simm.s32 $0x1;
	s8 =	sadd.s32 s8, s11;
	s11 =	sshrl.u32 @!p0 s1, $0x3  }
.LBB2_4:
0x15: {  	[hbm:s4@s17], [sflag:s19] =	dma.strided [spmem:s16@s18], $0x9C40, s12, $0x8   }
.LBB2_5:
0x16: {  	_ =	swait.ge [sflag:s12], $0x9C40  }
0x17: {  	[sflag:s12] =	ssyncset.done $0x0  }
0x18: {  	[sflag:s12] =	ssyncadd.s32 $0xFFFF63C0  }
.LBB2_6:
0x19: {  	s6 =	sadd.s32 $0xFFFFFFFF, s6  }
0x1a: {  	p2 =	sne.s32 s6, $0x0  }
.Ltmp1:
0x1b: {  	_ = 	snop;
	(pc) =	sbr.rel @!p2 .LBB2_7-.Ltmp1, $1  }
0x1c: {  	_ =	sdelay $0x3  }
.LBB2_1:
0x1d: {  	s21 =	simm.s32 @!p0 $0x1C01  }
0x1e: {  	[spmem:s11], [sflag:s21] =	dma.local @!p0 [hbm:s3], $0x13880  }
0x1f: {  	s21 =	simm.s32 @!p0 $0x1  }
0x20: {  	_ =	swait.ge @!p0 [sflag:s21], $0x13880  }
0x21: {  	[sflag:s21] =	ssyncset.done @!p0 $0x0  }
0x22: {  	[sflag:s21] =	ssyncadd.s32 @!p0 $0xFFFEC780  }
0x23: {  	[bflag:$0x0] =	sbarrier.arrive $0xFFFF  }
0x24: {  	[tilespmem:s2], [sflag:$0x1] =	stream.linear.gather [hbm4b:s7+s2], $0x320, $0x38;
	[tilespmem:$0x16760] =	vst v63  }
0x25: {  	_ =	swait.ge [sflag:s12], $0x320  }
0x26: {  	[sflag:s12] =	ssyncset.done $0x0  }
0x27: {  	[sflag:s12] =	ssyncadd.s32 $0xFFFFFCE0  }
0x28: {  	[tilespmem:s15], [sflag:$0x1] =	stream.strided.gather [hbm4b:s9+s13], $0xC800, s14, s13, $0x38;
	[tilespmem:$0x16760] =	vst v63  }
0x29: {  	_ =	swait.ge [sflag:s12], $0xC800  }
0x2a: {  	[sflag:s12] =	ssyncset.done $0x0  }
0x2b: {  	[sflag:s12] =	ssyncadd.s32 $0xFFFF3800  }
0x2c: {  	[spmem:s1] =	stream.indirect.scatter.add.f32 [tilespmem:s15], [sflag:$0x1], $0x40, s2, s15, $0xb8;
	[tilespmem:$0x16760] =	vst v63  }
0x2d: {  	_ =	swait.ge [sflag:s12], $0xC800  }
0x2e: {  	[sflag:s12] =	ssyncset.done $0x0  }
0x2f: {  	[sflag:s12] =	ssyncadd.s32 $0xFFFF3800  }
0x30: {  	[tilespmem:s2], [sflag:$0x1] =	stream.linear.gather [hbm4b:s8+s2], $0x320, $0x38;
	[tilespmem:$0x16760] =	vst v63  }
0x31: {  	_ =	swait.ge [sflag:s12], $0x320  }
0x32: {  	[sflag:s12] =	ssyncset.done $0x0  }
0x33: {  	[sflag:s12] =	ssyncadd.s32 $0xFFFFFCE0  }
0x34: {  	[tilespmem:s15], [sflag:$0x1] =	stream.strided.gather [hbm4b:s10+s13], $0xC800, s14, s13, $0x38;
	[tilespmem:$0x16760] =	vst v63  }
0x35: {  	_ =	swait.ge [sflag:s12], $0xC800  }
0x36: {  	[sflag:s12] =	ssyncset.done $0x0  }
0x37: {  	[sflag:s12] =	ssyncadd.s32 $0xFFFF3800  }
0x38: {  	[spmem:s1] =	stream.indirect.scatter.add.f32 [tilespmem:s15], [sflag:$0x1], $0x40, s2, s15, $0xb8;
	[tilespmem:$0x16760] =	vst v63  }
.Ltmp2:
0x39: {  	_ =	swait.ge [sflag:s12], $0xC800;
	(pc) =	sbr.rel @p1 .LBB2_4-.Ltmp2, $3  }
0x3a: {  	[sflag:s12] =	ssyncset.done $0x0  }
0x3b: {  	[sflag:s12] =	ssyncadd.s32 $0xFFFF3800  }
0x3c: {  	[bflag:$0x0] =	sbarrier.arrive $0xFFFF;
	_ =	sdelay $0x1  }
.Ltmp3:
0x3d: {  	(pc) =	sbr.rel @p0 .LBB2_6-.Ltmp3, $1  }
0x3e: {  	_ =	sdelay $0x3  }
.Ltmp4:
0x3f: {  	(pc) =	sbr.rel .LBB2_5-.Ltmp4, $3  }
0x40: {  	_ =	sdelay $0x1  }
0x41: {  	s21 =	sshrl.u32 s1, $0x3  }
0x42: {  	[hbm:s5@s17], [sflag:s20] =	dma.strided [spmem:s21@s18], $0x9C40, s12, $0x8   }
.LBB2_7:
0x43: {  	_ =	sfence.sel $0x180000  }
0x44: {  	[bflag:$0x0] =	sbarrier.arrive $0xFFFF  }
0x45: {  	_ =	strace $0x90000053  }
0x46: {  	s0 =	sadd.s32 @!p0 $0x100000, s0;
	[bflag:$0x2] =	sbarrier.arrive $0xFFFF  }
0x47: {  	[sflag:s0] =	ssyncadd.tile.s32 @!p0 $0x1;
	_ =	shalt  }
.Lfunc_end2:
_tile_overlayer_lowered:
.L_overlay_start_2:
0x48: {  	(tag) =	ssettag $0x2  }
0x49: {  	s0 =	rddreg [dreg:$0x0];
	s2 =	stileid.u32  }
0x4a: {  	s1 =	rddreg [dreg:$0x1];
	p0 =	sne.s32 s2, $0x0  }
0x4b: {  	s3 =	rddreg [dreg:$0x2];
	[bflag:$0x3] =	sbarrier.arrive $0xFFFF;
	s2 =	simm.s32 @!p0 $0x1C01  }
0x4c: {  	[timem:s3], [sflag:s2] =	dma.local @!p0 [hbm:s0], s1  }
0x4d: {  	s0 =	simm.s32 @!p0 $0x1  }
0x4e: {  	_ =	swait.ge @!p0 [sflag:s0], s1  }
0x4f: {  	s1 =	ssub.s32 @!p0 $0x0, s1;
	[sflag:s0] =	ssyncset.done @!p0 $0x0  }
0x50: {  	[sflag:s0] =	ssyncadd.s32 @!p0 s1  }
0x51: {  	[bflag:$0x3] =	sbarrier.arrive $0xFFFF  }
0x52: {  	_ =	shalt  }

// kernel: kernel.25.cloned.1.call-start
scs
__scs_entry_jumppad:
0x0: {  	(pc) =	sbr.rel $0x88, $3  }
0x1: {  	(tag) =	ssettag $0x0;
	lr =	simm.s32 $0x1  }
0x2: {  	[smem:$0x3F8A] =	sst lr;
	_ =	strace $0xD0000000  }
0x3: {  	_ = 	snop  }
0x4: {  	_ = 	snop  }
0x5: {  	_ = 	snop  }
0x6: {  	_ = 	snop  }
0x7: {  	_ = 	snop  }
__scs_overlays_trampoline_lowered:
0x8: {  	[smem:$0x3F99] =	sst s0  }
0x9: {  	[smem:$0x3F9A] =	sst s1  }
0xa: {  	[smem:$0x3F9B] =	sst s2  }
0xb: {  	[smem:$0x3F9C] =	sst s3  }
0xc: {  	[smem:$0x3F9D] =	sst s4  }
0xd: {  	[smem:$0x3F9E] =	sst s5  }
0xe: {  	[smem:$0x3F9F] =	sst s6  }
0xf: {  	[smem:$0x3FA0] =	sst s7  }
0x10: {  	[smem:$0x3FA1] =	sst s8  }
0x11: {  	[smem:$0x3FA2] =	sst s9;
	s0 =	simm.s32 @!p0 $0x0  }
0x12: {  	s1 =	sld [smem:$0x3F88];
	s0 =	simm.s32 @p0 $0x1  }
0x13: {  	[smem:$0x3FA3] =	sst s0;
	s0 =	simm.s32 @!p1 $0x0  }
0x14: {  	s2 =	sld [smem:$0x3F87];
	s0 =	simm.s32 @p1 $0x1  }
0x15: {  	[smem:$0x3FA4] =	sst s0;
	s0 =	simm.s32 @!p2 $0x0  }
0x16: {  	s3 =	sld [smem:$0x3FDB];
	s0 =	simm.s32 @p2 $0x1  }
0x17: {  	s4 =	simm.s32 $0x1BF5;
	[smem:$0x3FA6] =	sst s0  }
0x18: {  	s0 =	sld [smem:$0x3F89];
	_ =	swait.ge [sflag:s4], $0x0  }
0x19: {  	s7 =	sld [smem:$0x3F8A]  }
0x1a: {  	s8 =	sadd.s32 $0xFFFFE003, lr  }
0x1b: {  	s9 =	sadd.s32 $0xFFFFFEF7, lr;
	s5 =	simm.s32 $0xFFFFFFFF;
	p2 =	slt.u32 s8, $0xFFFFF086  }
0x1c: {  	p1 =	slt.u32 s9, $0xF7A;
	s5 =	simm.s32 @!p2 $0x0  }
0x1d: {  	s5 =	simm.s32 @p1 $0x1;
	p0 =	seq.s32 s7, s2  }
0x1e: {  	s7 =	smul.u32 @!p0 $0xF7A, s2;
	p2 =	seq.s32 @!p0 s5, $0x0  }
0x1f: {  	s9 =	smul.u32 $0xF7A, s1;
	s8 =	simm.s32 @!p0 $0x1BF5;
	p2 =	por !p2, p0  }
0x20: {  	[sflag:s8] =	ssyncset.s32 @!p0 $0xFFFFF086;
	s6 =	sadd.s32 @!p0 s3, s7;
	s7 =	simm.s32 @!p0 $0x108  }
0x21: {  	s3 =	sadd.s32 s3, s9;
	s6 =	sadd.s32 @!p0 $0x88, s6;
	s7 =	simm.s32 @p2 $0x1082  }
0x22: {  	[simem:s7], [sflag:s8] =	dma.local @!p0 [hbm:s6], $0xF7A  }
0x23: {  	s9 =	sor.u32 $0xD0000000, s2;
	s6 =	simm.s32 $0x108;
	_ =	swait.ge @!p0 [sflag:s8], $0x0  }
0x24: {  	s3 =	sadd.s32 $0x88, s3;
	s6 =	simm.s32 @!p1 $0x1082;
	[sflag:s4] =	ssyncset.s32 $0xFFFFF086  }
0x25: {  	[simem:s6], [sflag:s4] =	dma.local [hbm:s3], $0xF7A  }
0x26: {  	[smem:$0x3F8A] =	sst s1;
	(tag) =	ssettag s2;
	_ =	strace s9  }
0x27: {  	s1 =	sld [smem:$0x3F9A]  }
0x28: {  	s2 =	sld [smem:$0x3F9B]  }
0x29: {  	s4 =	sld [smem:$0x3F9D]  }
0x2a: {  	p0 =	seq.s32 s5, $0x0;
	s5 =	sld [smem:$0x3F9E]  }
0x2b: {  	s6 =	sld [smem:$0x3F9F]  }
0x2c: {  	s7 =	sld [smem:$0x3FA0]  }
0x2d: {  	s3 =	simm.s32 $0x108;
	s8 =	sld [smem:$0x3FA1]  }
0x2e: {  	s3 =	simm.s32 @!p0 $0x1082;
	s9 =	sld [smem:$0x3FA2]  }
0x2f: {  	lr =	sadd.s32 s0, s3;
	s0 =	sld [smem:$0x3F99]  }
0x30: {  	s3 =	sld [smem:$0x3F9C]  }
0x31: {  	[smem:$0x3FA5] =	sst s10  }
0x32: {  	s10 =	sld [smem:$0x3FA3];
	_ =	sdelay $0x3  }
0x33: {  	p0 =	seq.s32 s10, $0x1;
	s10 =	sld [smem:$0x3FA5];
	_ =	sdelay $0x3  }
0x34: {  	[smem:$0x3FA5] =	sst s10  }
0x35: {  	s10 =	sld [smem:$0x3FA4];
	_ =	sdelay $0x3  }
0x36: {  	p1 =	seq.s32 s10, $0x1;
	s10 =	sld [smem:$0x3FA5];
	_ =	sdelay $0x3  }
0x37: {  	[smem:$0x3FA5] =	sst s10  }
0x38: {  	s10 =	sld [smem:$0x3FA6]  }
0x39: {  	_ = 	snop;
	(pc) =	sbr.ind lr, $3  }
0x3a: {  	_ = 	snop  }
0x3b: {  	_ = 	snop  }
0x3c: {  	p2 =	seq.s32 s10, $0x1;
	s10 =	sld [smem:$0x3FA5]  }
0x3d: {  	_ =	shalt  }
0x3e: {  	_ =	shalt  }
0x3f: {  	_ =	shalt  }
0x40: {  	_ =	shalt  }
0x41: {  	_ =	shalt  }
0x42: {  	_ =	shalt  }
0x43: {  	_ =	shalt  }
0x44: {  	_ =	shalt  }
0x45: {  	_ =	shalt  }
0x46: {  	_ =	shalt  }
0x47: {  	_ =	shalt  }
0x48: {  	_ =	shalt  }
0x49: {  	_ =	shalt  }
0x4a: {  	_ =	shalt  }
0x4b: {  	_ =	shalt  }
0x4c: {  	_ =	shalt  }
0x4d: {  	_ =	shalt  }
0x4e: {  	_ =	shalt  }
0x4f: {  	_ =	shalt  }
0x50: {  	_ =	shalt  }
0x51: {  	_ =	shalt  }
0x52: {  	_ =	shalt  }
0x53: {  	_ =	shalt  }
0x54: {  	_ =	shalt  }
0x55: {  	_ =	shalt  }
0x56: {  	_ =	shalt  }
0x57: {  	_ =	shalt  }
0x58: {  	_ =	shalt  }
0x59: {  	_ =	shalt  }
0x5a: {  	_ =	shalt  }
0x5b: {  	_ =	shalt  }
0x5c: {  	_ =	shalt  }
0x5d: {  	_ =	shalt  }
0x5e: {  	_ =	shalt  }
0x5f: {  	_ =	shalt  }
0x60: {  	_ =	shalt  }
0x61: {  	_ =	shalt  }
0x62: {  	_ =	shalt  }
0x63: {  	_ =	shalt  }
0x64: {  	_ =	shalt  }
0x65: {  	_ =	shalt  }
0x66: {  	_ =	shalt  }
0x67: {  	_ =	shalt  }
0x68: {  	_ =	shalt  }
0x69: {  	_ =	shalt  }
0x6a: {  	_ =	shalt  }
0x6b: {  	_ =	shalt  }
0x6c: {  	_ =	shalt  }
0x6d: {  	_ =	shalt  }
0x6e: {  	_ =	shalt  }
0x6f: {  	_ =	shalt  }
0x70: {  	_ =	shalt  }
0x71: {  	_ =	shalt  }
0x72: {  	_ =	shalt  }
0x73: {  	_ =	shalt  }
0x74: {  	_ =	shalt  }
0x75: {  	_ =	shalt  }
0x76: {  	_ =	shalt  }
0x77: {  	_ =	shalt  }
0x78: {  	_ =	shalt  }
0x79: {  	_ =	shalt  }
0x7a: {  	_ =	shalt  }
0x7b: {  	_ =	shalt  }
0x7c: {  	_ =	shalt  }
0x7d: {  	_ =	shalt  }
0x7e: {  	_ =	shalt  }
0x7f: {  	_ =	shalt  }
0x80: {  	_ =	shalt  }
0x81: {  	_ =	shalt  }
0x82: {  	_ =	shalt  }
0x83: {  	_ =	shalt  }
0x84: {  	_ =	shalt  }
0x85: {  	_ =	shalt  }
0x86: {  	_ =	shalt  }
0x87: {  	_ =	shalt  }
.Lfunc_end0:
.L_simem_size_0:
called_computation.4_lowered:
.L_overlay_start_0:
0x88: {  	s2 =	sld [smem:$0x3FD9]  }
0x89: {  	s3 =	sld [smem:$0x3FFE];
	_ =	sdelay $0x1  }
0x8a: {  	s1 =	srdreg.scid  }
0x8b: {  	s0 =	sand.u32 $0x1, s1  }
0x8c: {  	s16 =	sshll.u32 s0, $0xA;
	s2 =	sadd.s32 s3, s2  }
0x8d: {  	s2 =	sadd.s32 s2, s16  }
0x8e: {  	[smem:$0x3FB1] =	sst s2  }
0x8f: {  	_ = 	snop  }
0x90: {  	(tm) =	ssettm $0x1  }
0x91: {  	s17 =	sld [smem:$0x3FFB];
	_ =	sdelay $0x3  }
0x92: {  	_ =	strace s17  }
0x93: {  	s2 =	sld [smem:$0x3FFC];
	_ =	sdelay $0x3  }
0x94: {  	_ =	strace s2  }
0x95: {  	s2 =	sld [smem:$0x3FFD];
	_ =	sdelay $0x3  }
0x96: {  	_ =	strace s2  }
0x97: {  	_ =	strace $0x8FFFFFFF  }
0x98: {  	s18 =	sld [smem:$0x3FDB];
	_ =	sdelay $0x1  }
0x99: {  	s19 =	simm.s32 $_scs_section_size  }
0x9a: {  	s4 =	simm.s32 $_size__tile_overlayer_lowered;
	s5 =	simm.s32 $_tile_overlayer_lowered  }
0x9b: {  	s22 =	simm.s32 $0x1BFF;
	s21 =	sshll.u32 s5, $0x1;
	s2 =	sadd.s32 s19, s18  }
0x9c: {  	s6 =	simm.s32 $0x0;
	s20 =	sshll.u32 s4, $0x1;
	s4 =	sadd.s32 s21, s2  }
0x9d: {  	[timem:s6], [sflag:s22] =	dma.local [hbm:s4], s20  }
0x9e: {  	_ =	swait.ge [sflag:s22], s20  }
0x9f: {  	s3 =	ssub.s32 $0x0, s20;
	[sflag:s22] =	ssyncset.done $0x0  }
0xa0: {  	[sflag:s22] =	ssyncadd.s32 s3;
	_ =	sdelay $0x1  }
0xa1: {  	s23 =	simm.s32 $0x1B8B  }
0xa2: {  	_ =	swait.ge [sflag:s23], $0x1  }
0xa3: {  	[sflag:s23] =	ssyncset.done $0x0  }
0xa4: {  	s25 =	simm.s32 $0x1B8E;
	s24 =	sld [smem:$0x3FFE];
	[sflag:s23] =	ssyncadd.s32 $0xFFFFFFFF  }
0xa5: {  	s26 =	simm.s32 $execute0_lowered;
	[smem:$0x3FD2] =	sst s25  }
0xa6: {  	s4 =	sshll.u32 s26, $0x1;
	_ =	strace $0x80000046;
	[dreg:$0x1] =	wrdreg $0xFFFFFFFF  }
0xa7: {  	s28 =	simm.s32 $_size_execute0_lowered;
	s2 =	sadd.s32 s2, s4;
	[dreg:$0x0] =	wrdreg $0x0  }
0xa8: {  	s4 =	sshll.u32 s28, $0x1;
	[dreg:$0x2] =	wrdreg s2  }
0xa9: {  	[dreg:$0x3] =	wrdreg s4  }
0xaa: {  	[dreg:$0x4] =	wrdreg $0xC0  }
0xab: {  	_ =	task [dreg:s6], $0x5FFFF  }
0xac: {  	[dreg:$0x1] =	wrdreg $0xFFFFFFFF  }
0xad: {  	[dreg:$0x0] =	wrdreg $0x60  }
0xae: {  	[dreg:$0x2] =	wrdreg s24  }
0xaf: {  	[dreg:$0x3] =	wrdreg $0xA  }
0xb0: {  	_ =	task.clear_ibuf [dreg:s6], $0x4FFFF;
	_ =	strace $0x90000046  }
0xb1: {  	s29 =	simm.s32 $0xA;
	_ =	strace $0x80000048  }
0xb2: {  	_ =	swait.ge [sflag:s29], $0x1  }
0xb3: {  	[sflag:s29] =	ssyncadd.s32 $0xFFFFFFFF  }
0xb4: {  	_ =	strace $0x90000048  }
0xb5: {  	_ =	sfence  }
0xb6: {  	s30 =	sld [smem:$0x0];
	_ =	sdelay $0x2  }
0xb7: {  	s31 =	sshll.u32 s1, $0xD;
	s1 =	sshrl.u32 s1, $0x2  }
0xb8: {  	s3 =	sand.u32 $0x4000, s31;
	s1 =	sadd.s32 s1, s30  }
0xb9: {  	s0 =	sor.u32 s3, s0;
	s1 =	sshll.u32 s1, $0x11  }
0xba: {  	s0 =	sor.u32 s1, s0  }
0xbb: {  	s0 =	sadd.s32 $0x8F2B, s0  }
0xbc: {  	[sflag:s0] =	ssyncadd.remote.s32 $0x1  }
0xbd: {  	_ =	sfence.sel $0xFFFF  }
0xbe: {  	[dreg:$0x0] =	wrdreg $0xFFFFFFFF;
	(pc) =	sbr.abs _section_cstart, $3  }
0xbf: {  	[dreg:$0x1] =	wrdreg $0xFFFFFFFF  }
0xc0: {  	_ =	task.clear_ibuf [dreg:s6], $0x2FFFF;
	_ =	strace $0x9FFFFFFF  }
0xc1: {  	(tm) =	ssettm $0x7FFFFFFF  }
tec
execute0_lowered:
.L_overlay_start_1:
0x0: {  	(tag) =	ssettag $0x1  }
0x1: {  	s2 =	stileid.u32  }
0x2: {  	s0 =	srdreg.scid;
	s1 =	sshll.u32 s2, $0x1  }
0x3: {  	s3 =	sand.u32 $0x1, s0;
	s19 =	sshrl.u32 s2, $0x3;
	s18 =	sand.u32 $0xE, s1  }
0x4: {  	s20 =	smul.u32 $0x13880, s19;
	s6 =	sor.u32 s3, s18  }
0x5: {  	s21 =	rddreg [dreg:$0x0];
	s4 =	simm.s32 $0x3;
	s26 =	smul.u32 $0x708, s6  }
0x6: {  	s7 =	simm.s32 $0x1;
	s2 =	simm.s32 $0x0;
	s31 =	sadd.s32 $0xC800, s20  }
0x7: {  	s30 =	sadd.s32 $0x6000, s21;
	[dreg:$0x2] =	wrdreg s3;
	s22 =	sadd.s32 s26, s31  }
0x8: {  	s5 =	sadd.s32 $0x37000, s21;
	[smem:$0x7FF] =	sst s2;
	s3 =	sshrl.u32 s22, $0x3  }
0x9: {  	s14 =	sadd.s32 $0x4AA00, s21;
	_ =	strace $0x80000047;
	s3 =	sadd.s32 s30, s3  }
0xa: {  	[tilespmem:s2], [sflag:$0x3] =	stream.linear.gather [hbm4b:s3+s2], $0x258, $0x38;
	[tilespmem:$0x9858] =	vst v63  }
0xb: {  	s25 =	sadd.s32 $0x4AA08, s21;
	p0 =	sne.s32 s19, $0x0;
	_ =	swait.ge [sflag:s4], $0x258  }
0xc: {  	s23 =	smov.u32 s14;
	s13 =	smul.u32 $0x7080, s6;
	[sflag:s4] =	ssyncset.done $0x0  }
0xd: {  	s6 =	simm.s32 $0x258;
	[dreg:$0x3] =	wrdreg s25;
	[sflag:s4] =	ssyncadd.s32 $0xFFFFFDA8  }
0xe: {  	[tilespmem:s6], [sflag:$0x1] =	stream.indirect.gather [hbm4b:s5+s6], $0x40, s2, s6, $0xb8;
	[tilespmem:$0x9858] =	vst v63  }
0xf: {  	s9 =	simm.s32 @p0 $0x258;
	s10 =	simm.s32 @p0 $0x2;
	_ =	swait.ge [sflag:s7], $0x9600  }
0x10: {  	s11 =	simm.s32 @p0 $0x40;
	s12 =	simm.s32 @p0 $0x80;
	[sflag:s7] =	ssyncset.done $0x0  }
0x11: {  	s8 =	sadd.s32 s13, s25;
	[dreg:$0x4] =	wrdreg s23;
	[sflag:s7] =	ssyncadd.s32 $0xFFFF6A00  }
0x12: {  	[hbm4b:s8+s11] =	stream.strided.scatter @p0 [tilespmem:s9], [sflag:$0x2], $0x9600, s12, s11, $0x38;
	[tilespmem:$0x9858] =	vst v63  }
0x13: {  	s15 =	simm.s32 @!p0 $0x3;
	s16 =	simm.s32 @!p0 $0x40;
	_ =	swait.ge @p0 [sflag:s10], $0x9600  }
0x14: {  	s17 =	simm.s32 @!p0 $0x80;
	s13 =	sadd.s32 s14, s13;
	[sflag:s10] =	ssyncset.done @p0 $0x0  }
0x15: {  	s20 =	sadd.s32 $0x258, s26;
	s14 =	simm.s32 @!p0 $0x258;
	[sflag:s10] =	ssyncadd.s32 @p0 $0xFFFF6A00  }
0x16: {  	[hbm4b:s13+s16] =	stream.strided.scatter @!p0 [tilespmem:s14], [sflag:$0x3], $0x9600, s17, s16, $0x38;
	[tilespmem:$0x9858] =	vst v63  }
0x17: {  	s18 =	sadd.s32 s20, s31;
	_ =	swait.ge @!p0 [sflag:s15], $0x9600  }
0x18: {  	s18 =	sshrl.u32 s18, $0x3;
	[sflag:s15] =	ssyncset.done @!p0 $0x0  }
0x19: {  	s18 =	sadd.s32 s30, s18;
	[sflag:s15] =	ssyncadd.s32 @!p0 $0xFFFF6A00  }
0x1a: {  	[tilespmem:s2], [sflag:$0x3] =	stream.linear.gather [hbm4b:s18+s2], $0x258, $0x38;
	[tilespmem:$0x9858] =	vst v63  }
0x1b: {  	_ =	swait.ge [sflag:s4], $0x258  }
0x1c: {  	[sflag:s4] =	ssyncset.done $0x0  }
0x1d: {  	p1 =	seq.s32 s19, $0x0;
	[sflag:s4] =	ssyncadd.s32 $0xFFFFFDA8  }
0x1e: {  	[tilespmem:s6], [sflag:$0x1] =	stream.indirect.gather [hbm4b:s5+s6], $0x40, s2, s6, $0xb8;
	[tilespmem:$0x9858] =	vst v63  }
0x1f: {  	s21 =	simm.s32 @p1 $0x40;
	s24 =	sshll.u32 s20, $0x4;
	_ =	swait.ge [sflag:s7], $0x9600  }
0x20: {  	s20 =	simm.s32 @p1 $0x258;
	s22 =	simm.s32 @p1 $0x80;
	[sflag:s7] =	ssyncset.done $0x0  }
0x21: {  	s19 =	sadd.s32 s23, s24;
	s23 =	simm.s32 @p1 $0x3;
	[sflag:s7] =	ssyncadd.s32 $0xFFFF6A00  }
0x22: {  	[hbm4b:s19+s21] =	stream.strided.scatter @p1 [tilespmem:s20], [sflag:$0x3], $0x9600, s22, s21, $0x38;
	[tilespmem:$0x9858] =	vst v63  }
0x23: {  	s28 =	simm.s32 @!p1 $0x40;
	s29 =	simm.s32 @!p1 $0x80;
	_ =	swait.ge @p1 [sflag:s23], $0x9600  }
0x24: {  	s1 =	sadd.s32 $0x4B0, s26;
	s26 =	simm.s32 @!p1 $0x2;
	[sflag:s23] =	ssyncset.done @p1 $0x0  }
0x25: {  	s24 =	sadd.s32 s24, s25;
	s25 =	simm.s32 @!p1 $0x258;
	[sflag:s23] =	ssyncadd.s32 @p1 $0xFFFF6A00  }
0x26: {  	[hbm4b:s24+s28] =	stream.strided.scatter @!p1 [tilespmem:s25], [sflag:$0x2], $0x9600, s29, s28, $0x38;
	[tilespmem:$0x9858] =	vst v63  }
0x27: {  	s31 =	sadd.s32 s1, s31;
	_ =	swait.ge @!p1 [sflag:s26], $0x9600  }
0x28: {  	s31 =	sshrl.u32 s31, $0x3;
	[sflag:s26] =	ssyncset.done @!p1 $0x0  }
0x29: {  	s30 =	sadd.s32 s30, s31;
	[sflag:s26] =	ssyncadd.s32 @!p1 $0xFFFF6A00  }
0x2a: {  	[tilespmem:s2], [sflag:$0x3] =	stream.linear.gather [hbm4b:s30+s2], $0x258, $0x38;
	[tilespmem:$0x9858] =	vst v63  }
0x2b: {  	_ =	swait.ge [sflag:s4], $0x258  }
0x2c: {  	[sflag:s4] =	ssyncset.done $0x0  }
0x2d: {  	[sflag:s4] =	ssyncadd.s32 $0xFFFFFDA8  }
0x2e: {  	[tilespmem:s6], [sflag:$0x1] =	stream.indirect.gather [hbm4b:s5+s6], $0x40, s2, s6, $0xb8;
	[tilespmem:$0x9858] =	vst v63  }
0x2f: {  	_ =	swait.ge [sflag:s7], $0x9600  }
0x30: {  	s0 =	rddreg [dreg:$0x2]  }
0x31: {  	s1 =	sshll.u32 s1, $0x4;
	[sflag:s7] =	ssyncset.done $0x0;
	s31 =	rddreg [dreg:$0x4]  }
0x32: {  	s0 =	ssub.s32 $0x2, s0;
	s31 =	sadd.s32 s31, s1;
	[sflag:s7] =	ssyncadd.s32 $0xFFFF6A00  }
0x33: {  	[hbm4b:s31+s21] =	stream.strided.scatter @p1 [tilespmem:s20], [sflag:$0x3], $0x9600, s22, s21, $0x38;
	[tilespmem:$0x9858] =	vst v63  }
0x34: {  	[dreg:$0x5] =	wrdreg s1;
	s1 =	sshrl.u32 s0, $0x1  }
0x35: {  	s0 =	ssub.s32 s0, s1;
	_ =	swait.ge @p1 [sflag:s23], $0x9600  }
0x36: {  	s0 =	smax.u32 s0, $0x1;
	s1 =	rddreg [dreg:$0x3]  }
0x37: {  	[dreg:$0x6] =	wrdreg s0  }
0x38: {  	s0 =	rddreg [dreg:$0x5]  }
0x39: {  	s1 =	sadd.s32 s0, s1;
	s0 =	rddreg [dreg:$0x6]  }
0x3a: {  	s0 =	sadd.s32 $0xFFFFFFFF, s0  }
0x3b: {  	p2 =	sne.s32 s0, $0x0  }
.Ltmp0:
0x3c: {  	[sflag:s23] =	ssyncset.done @p1 $0x0;
	(pc) =	sbr.rel @!p2 .LBB2_2-.Ltmp0, $4  }
0x3d: {  	[sflag:s23] =	ssyncadd.s32 @p1 $0xFFFF6A00  }
0x3e: {  	[hbm4b:s1+s28] =	stream.strided.scatter @!p1 [tilespmem:s25], [sflag:$0x2], $0x9600, s29, s28, $0x38;
	[tilespmem:$0x9858] =	vst v63  }
0x3f: {  	_ =	swait.ge @!p1 [sflag:s26], $0x9600  }
0x40: {  	[sflag:s26] =	ssyncset.done @!p1 $0x0  }
.LBB2_1:
0x41: {  	s0 =	sadd.s32 $0xFFFFFFFF, s0;
	[sflag:s26] =	ssyncadd.s32 @!p1 $0xFFFF6A00  }
0x42: {  	[tilespmem:s2], [sflag:$0x3] =	stream.linear.gather [hbm4b:s3+s2], $0x258, $0x38;
	[tilespmem:$0x9858] =	vst v63  }
0x43: {  	p2 =	sne.s32 s0, $0x0;
	_ =	swait.ge [sflag:s4], $0x258  }
0x44: {  	[sflag:s4] =	ssyncset.done $0x0  }
0x45: {  	[sflag:s4] =	ssyncadd.s32 $0xFFFFFDA8  }
0x46: {  	[tilespmem:s6], [sflag:$0x1] =	stream.indirect.gather [hbm4b:s5+s6], $0x40, s2, s6, $0xb8;
	[tilespmem:$0x9858] =	vst v63  }
0x47: {  	_ =	swait.ge [sflag:s7], $0x9600  }
0x48: {  	[sflag:s7] =	ssyncset.done $0x0  }
0x49: {  	[sflag:s7] =	ssyncadd.s32 $0xFFFF6A00  }
0x4a: {  	[hbm4b:s8+s11] =	stream.strided.scatter @p0 [tilespmem:s9], [sflag:$0x2], $0x9600, s12, s11, $0x38;
	[tilespmem:$0x9858] =	vst v63  }
0x4b: {  	_ =	swait.ge @p0 [sflag:s10], $0x9600  }
0x4c: {  	[sflag:s10] =	ssyncset.done @p0 $0x0  }
0x4d: {  	[sflag:s10] =	ssyncadd.s32 @p0 $0xFFFF6A00  }
0x4e: {  	[hbm4b:s13+s16] =	stream.strided.scatter @!p0 [tilespmem:s14], [sflag:$0x3], $0x9600, s17, s16, $0x38;
	[tilespmem:$0x9858] =	vst v63  }
0x4f: {  	_ =	swait.ge @!p0 [sflag:s15], $0x9600  }
0x50: {  	[sflag:s15] =	ssyncset.done @!p0 $0x0  }
0x51: {  	[sflag:s15] =	ssyncadd.s32 @!p0 $0xFFFF6A00  }
0x52: {  	[tilespmem:s2], [sflag:$0x3] =	stream.linear.gather [hbm4b:s18+s2], $0x258, $0x38;
	[tilespmem:$0x9858] =	vst v63  }
0x53: {  	_ =	swait.ge [sflag:s4], $0x258  }
0x54: {  	[sflag:s4] =	ssyncset.done $0x0  }
0x55: {  	[sflag:s4] =	ssyncadd.s32 $0xFFFFFDA8  }
0x56: {  	[tilespmem:s6], [sflag:$0x1] =	stream.indirect.gather [hbm4b:s5+s6], $0x40, s2, s6, $0xb8;
	[tilespmem:$0x9858] =	vst v63  }
0x57: {  	_ =	swait.ge [sflag:s7], $0x9600  }
0x58: {  	[sflag:s7] =	ssyncset.done $0x0  }
0x59: {  	[sflag:s7] =	ssyncadd.s32 $0xFFFF6A00  }
0x5a: {  	[hbm4b:s19+s21] =	stream.strided.scatter @p1 [tilespmem:s20], [sflag:$0x3], $0x9600, s22, s21, $0x38;
	[tilespmem:$0x9858] =	vst v63  }
0x5b: {  	_ =	swait.ge @p1 [sflag:s23], $0x9600  }
0x5c: {  	[sflag:s23] =	ssyncset.done @p1 $0x0  }
0x5d: {  	[sflag:s23] =	ssyncadd.s32 @p1 $0xFFFF6A00  }
0x5e: {  	[hbm4b:s24+s28] =	stream.strided.scatter @!p1 [tilespmem:s25], [sflag:$0x2], $0x9600, s29, s28, $0x38;
	[tilespmem:$0x9858] =	vst v63  }
0x5f: {  	_ =	swait.ge @!p1 [sflag:s26], $0x9600  }
0x60: {  	[sflag:s26] =	ssyncset.done @!p1 $0x0  }
0x61: {  	[sflag:s26] =	ssyncadd.s32 @!p1 $0xFFFF6A00  }
0x62: {  	[tilespmem:s2], [sflag:$0x3] =	stream.linear.gather [hbm4b:s30+s2], $0x258, $0x38;
	[tilespmem:$0x9858] =	vst v63  }
0x63: {  	_ =	swait.ge [sflag:s4], $0x258  }
0x64: {  	[sflag:s4] =	ssyncset.done $0x0  }
0x65: {  	[sflag:s4] =	ssyncadd.s32 $0xFFFFFDA8  }
0x66: {  	[tilespmem:s6], [sflag:$0x1] =	stream.indirect.gather [hbm4b:s5+s6], $0x40, s2, s6, $0xb8;
	[tilespmem:$0x9858] =	vst v63  }
0x67: {  	_ =	swait.ge [sflag:s7], $0x9600  }
0x68: {  	[sflag:s7] =	ssyncset.done $0x0  }
0x69: {  	[sflag:s7] =	ssyncadd.s32 $0xFFFF6A00  }
0x6a: {  	[hbm4b:s31+s21] =	stream.strided.scatter @p1 [tilespmem:s20], [sflag:$0x3], $0x9600, s22, s21, $0x38;
	[tilespmem:$0x9858] =	vst v63  }
0x6b: {  	_ =	swait.ge @p1 [sflag:s23], $0x9600  }
.Ltmp1:
0x6c: {  	[sflag:s23] =	ssyncset.done @p1 $0x0;
	(pc) =	sbr.rel @p2 .LBB2_1-.Ltmp1, $4  }
0x6d: {  	[sflag:s23] =	ssyncadd.s32 @p1 $0xFFFF6A00  }
0x6e: {  	[hbm4b:s1+s28] =	stream.strided.scatter @!p1 [tilespmem:s25], [sflag:$0x2], $0x9600, s29, s28, $0x38;
	[tilespmem:$0x9858] =	vst v63  }
0x6f: {  	_ =	swait.ge @!p1 [sflag:s26], $0x9600  }
0x70: {  	[sflag:s26] =	ssyncset.done @!p1 $0x0  }
.LBB2_2:
0x71: {  	[sflag:s26] =	ssyncadd.s32 @!p1 $0xFFFF6A00  }
0x72: {  	_ =	sfence.sel $0x180000  }
0x73: {  	[bflag:$0x0] =	sbarrier.arrive $0xFFFF  }
0x74: {  	_ =	strace $0x90000047  }
0x75: {  	s0 =	stileid.u32;
	[bflag:$0x2] =	sbarrier.arrive $0xFFFF  }
0x76: {  	p0 =	sne.s32 s0, $0x0;
	s0 =	rddreg [dreg:$0x1]  }
0x77: {  	s0 =	sadd.s32 @!p0 $0x100000, s0  }
0x78: {  	[sflag:s0] =	ssyncadd.tile.s32 @!p0 $0x1;
	_ =	shalt  }
.Lfunc_end2:
_tile_overlayer_lowered:
.L_overlay_start_2:
0x79: {  	(tag) =	ssettag $0x2  }
0x7a: {  	s0 =	rddreg [dreg:$0x0];
	s2 =	stileid.u32  }
0x7b: {  	s1 =	rddreg [dreg:$0x1];
	p0 =	sne.s32 s2, $0x0  }
0x7c: {  	s3 =	rddreg [dreg:$0x2];
	[bflag:$0x3] =	sbarrier.arrive $0xFFFF;
	s2 =	simm.s32 @!p0 $0x1C02  }
0x7d: {  	[timem:s3], [sflag:s2] =	dma.local @!p0 [hbm:s0], s1  }
0x7e: {  	s0 =	simm.s32 @!p0 $0x2  }
0x7f: {  	_ =	swait.ge @!p0 [sflag:s0], s1  }
0x80: {  	s1 =	ssub.s32 @!p0 $0x0, s1;
	[sflag:s0] =	ssyncset.done @!p0 $0x0  }
0x81: {  	[sflag:s0] =	ssyncadd.s32 @!p0 s1  }
0x82: {  	[bflag:$0x3] =	sbarrier.arrive $0xFFFF  }
0x83: {  	_ =	shalt  }

// kernel: kernel.28.cloned.1.call-start
scs
__scs_entry_jumppad:
0x0: {  	(pc) =	sbr.rel $0x88, $3  }
0x1: {  	(tag) =	ssettag $0x0;
	lr =	simm.s32 $0x1  }
0x2: {  	[smem:$0x3F8A] =	sst lr;
	_ =	strace $0xD0000000  }
0x3: {  	_ = 	snop  }
0x4: {  	_ = 	snop  }
0x5: {  	_ = 	snop  }
0x6: {  	_ = 	snop  }
0x7: {  	_ = 	snop  }
__scs_overlays_trampoline_lowered:
0x8: {  	[smem:$0x3F99] =	sst s0  }
0x9: {  	[smem:$0x3F9A] =	sst s1  }
0xa: {  	[smem:$0x3F9B] =	sst s2  }
0xb: {  	[smem:$0x3F9C] =	sst s3  }
0xc: {  	[smem:$0x3F9D] =	sst s4  }
0xd: {  	[smem:$0x3F9E] =	sst s5  }
0xe: {  	[smem:$0x3F9F] =	sst s6  }
0xf: {  	[smem:$0x3FA0] =	sst s7  }
0x10: {  	[smem:$0x3FA1] =	sst s8  }
0x11: {  	[smem:$0x3FA2] =	sst s9;
	s0 =	simm.s32 @!p0 $0x0  }
0x12: {  	s1 =	sld [smem:$0x3F88];
	s0 =	simm.s32 @p0 $0x1  }
0x13: {  	[smem:$0x3FA3] =	sst s0;
	s0 =	simm.s32 @!p1 $0x0  }
0x14: {  	s2 =	sld [smem:$0x3F87];
	s0 =	simm.s32 @p1 $0x1  }
0x15: {  	[smem:$0x3FA4] =	sst s0;
	s0 =	simm.s32 @!p2 $0x0  }
0x16: {  	s3 =	sld [smem:$0x3FDB];
	s0 =	simm.s32 @p2 $0x1  }
0x17: {  	s4 =	simm.s32 $0x1BF5;
	[smem:$0x3FA6] =	sst s0  }
0x18: {  	s0 =	sld [smem:$0x3F89];
	_ =	swait.ge [sflag:s4], $0x0  }
0x19: {  	s7 =	sld [smem:$0x3F8A]  }
0x1a: {  	s8 =	sadd.s32 $0xFFFFE003, lr  }
0x1b: {  	s9 =	sadd.s32 $0xFFFFFEF7, lr;
	s5 =	simm.s32 $0xFFFFFFFF;
	p2 =	slt.u32 s8, $0xFFFFF086  }
0x1c: {  	p1 =	slt.u32 s9, $0xF7A;
	s5 =	simm.s32 @!p2 $0x0  }
0x1d: {  	s5 =	simm.s32 @p1 $0x1;
	p0 =	seq.s32 s7, s2  }
0x1e: {  	s7 =	smul.u32 @!p0 $0xF7A, s2;
	p2 =	seq.s32 @!p0 s5, $0x0  }
0x1f: {  	s9 =	smul.u32 $0xF7A, s1;
	s8 =	simm.s32 @!p0 $0x1BF5;
	p2 =	por !p2, p0  }
0x20: {  	[sflag:s8] =	ssyncset.s32 @!p0 $0xFFFFF086;
	s6 =	sadd.s32 @!p0 s3, s7;
	s7 =	simm.s32 @!p0 $0x108  }
0x21: {  	s3 =	sadd.s32 s3, s9;
	s6 =	sadd.s32 @!p0 $0x88, s6;
	s7 =	simm.s32 @p2 $0x1082  }
0x22: {  	[simem:s7], [sflag:s8] =	dma.local @!p0 [hbm:s6], $0xF7A  }
0x23: {  	s9 =	sor.u32 $0xD0000000, s2;
	s6 =	simm.s32 $0x108;
	_ =	swait.ge @!p0 [sflag:s8], $0x0  }
0x24: {  	s3 =	sadd.s32 $0x88, s3;
	s6 =	simm.s32 @!p1 $0x1082;
	[sflag:s4] =	ssyncset.s32 $0xFFFFF086  }
0x25: {  	[simem:s6], [sflag:s4] =	dma.local [hbm:s3], $0xF7A  }
0x26: {  	[smem:$0x3F8A] =	sst s1;
	(tag) =	ssettag s2;
	_ =	strace s9  }
0x27: {  	s1 =	sld [smem:$0x3F9A]  }
0x28: {  	s2 =	sld [smem:$0x3F9B]  }
0x29: {  	s4 =	sld [smem:$0x3F9D]  }
0x2a: {  	p0 =	seq.s32 s5, $0x0;
	s5 =	sld [smem:$0x3F9E]  }
0x2b: {  	s6 =	sld [smem:$0x3F9F]  }
0x2c: {  	s7 =	sld [smem:$0x3FA0]  }
0x2d: {  	s3 =	simm.s32 $0x108;
	s8 =	sld [smem:$0x3FA1]  }
0x2e: {  	s3 =	simm.s32 @!p0 $0x1082;
	s9 =	sld [smem:$0x3FA2]  }
0x2f: {  	lr =	sadd.s32 s0, s3;
	s0 =	sld [smem:$0x3F99]  }
0x30: {  	s3 =	sld [smem:$0x3F9C]  }
0x31: {  	[smem:$0x3FA5] =	sst s10  }
0x32: {  	s10 =	sld [smem:$0x3FA3];
	_ =	sdelay $0x3  }
0x33: {  	p0 =	seq.s32 s10, $0x1;
	s10 =	sld [smem:$0x3FA5];
	_ =	sdelay $0x3  }
0x34: {  	[smem:$0x3FA5] =	sst s10  }
0x35: {  	s10 =	sld [smem:$0x3FA4];
	_ =	sdelay $0x3  }
0x36: {  	p1 =	seq.s32 s10, $0x1;
	s10 =	sld [smem:$0x3FA5];
	_ =	sdelay $0x3  }
0x37: {  	[smem:$0x3FA5] =	sst s10  }
0x38: {  	s10 =	sld [smem:$0x3FA6]  }
0x39: {  	_ = 	snop;
	(pc) =	sbr.ind lr, $3  }
0x3a: {  	_ = 	snop  }
0x3b: {  	_ = 	snop  }
0x3c: {  	p2 =	seq.s32 s10, $0x1;
	s10 =	sld [smem:$0x3FA5]  }
0x3d: {  	_ =	shalt  }
0x3e: {  	_ =	shalt  }
0x3f: {  	_ =	shalt  }
0x40: {  	_ =	shalt  }
0x41: {  	_ =	shalt  }
0x42: {  	_ =	shalt  }
0x43: {  	_ =	shalt  }
0x44: {  	_ =	shalt  }
0x45: {  	_ =	shalt  }
0x46: {  	_ =	shalt  }
0x47: {  	_ =	shalt  }
0x48: {  	_ =	shalt  }
0x49: {  	_ =	shalt  }
0x4a: {  	_ =	shalt  }
0x4b: {  	_ =	shalt  }
0x4c: {  	_ =	shalt  }
0x4d: {  	_ =	shalt  }
0x4e: {  	_ =	shalt  }
0x4f: {  	_ =	shalt  }
0x50: {  	_ =	shalt  }
0x51: {  	_ =	shalt  }
0x52: {  	_ =	shalt  }
0x53: {  	_ =	shalt  }
0x54: {  	_ =	shalt  }
0x55: {  	_ =	shalt  }
0x56: {  	_ =	shalt  }
0x57: {  	_ =	shalt  }
0x58: {  	_ =	shalt  }
0x59: {  	_ =	shalt  }
0x5a: {  	_ =	shalt  }
0x5b: {  	_ =	shalt  }
0x5c: {  	_ =	shalt  }
0x5d: {  	_ =	shalt  }
0x5e: {  	_ =	shalt  }
0x5f: {  	_ =	shalt  }
0x60: {  	_ =	shalt  }
0x61: {  	_ =	shalt  }
0x62: {  	_ =	shalt  }
0x63: {  	_ =	shalt  }
0x64: {  	_ =	shalt  }
0x65: {  	_ =	shalt  }
0x66: {  	_ =	shalt  }
0x67: {  	_ =	shalt  }
0x68: {  	_ =	shalt  }
0x69: {  	_ =	shalt  }
0x6a: {  	_ =	shalt  }
0x6b: {  	_ =	shalt  }
0x6c: {  	_ =	shalt  }
0x6d: {  	_ =	shalt  }
0x6e: {  	_ =	shalt  }
0x6f: {  	_ =	shalt  }
0x70: {  	_ =	shalt  }
0x71: {  	_ =	shalt  }
0x72: {  	_ =	shalt  }
0x73: {  	_ =	shalt  }
0x74: {  	_ =	shalt  }
0x75: {  	_ =	shalt  }
0x76: {  	_ =	shalt  }
0x77: {  	_ =	shalt  }
0x78: {  	_ =	shalt  }
0x79: {  	_ =	shalt  }
0x7a: {  	_ =	shalt  }
0x7b: {  	_ =	shalt  }
0x7c: {  	_ =	shalt  }
0x7d: {  	_ =	shalt  }
0x7e: {  	_ =	shalt  }
0x7f: {  	_ =	shalt  }
0x80: {  	_ =	shalt  }
0x81: {  	_ =	shalt  }
0x82: {  	_ =	shalt  }
0x83: {  	_ =	shalt  }
0x84: {  	_ =	shalt  }
0x85: {  	_ =	shalt  }
0x86: {  	_ =	shalt  }
0x87: {  	_ =	shalt  }
.Lfunc_end0:
.L_simem_size_0:
called_computation.5_lowered:
.L_overlay_start_0:
0x88: {  	s2 =	sld [smem:$0x3FD9]  }
0x89: {  	s3 =	sld [smem:$0x3FFE];
	_ =	sdelay $0x1  }
0x8a: {  	s1 =	srdreg.scid  }
0x8b: {  	s0 =	sand.u32 $0x1, s1  }
0x8c: {  	s17 =	sshll.u32 s0, $0xA;
	s2 =	sadd.s32 s3, s2  }
0x8d: {  	s2 =	sadd.s32 s2, s17  }
0x8e: {  	[smem:$0x3FB1] =	sst s2  }
0x8f: {  	_ = 	snop  }
0x90: {  	(tm) =	ssettm $0x1  }
0x91: {  	s18 =	sld [smem:$0x3FFB];
	_ =	sdelay $0x3  }
0x92: {  	_ =	strace s18  }
0x93: {  	s2 =	sld [smem:$0x3FFC];
	_ =	sdelay $0x3  }
0x94: {  	_ =	strace s2  }
0x95: {  	s2 =	sld [smem:$0x3FFD];
	_ =	sdelay $0x3  }
0x96: {  	_ =	strace s2  }
0x97: {  	_ =	strace $0x8FFFFFFF  }
0x98: {  	s19 =	sld [smem:$0x3FDB];
	_ =	sdelay $0x1  }
0x99: {  	s20 =	simm.s32 $_scs_section_size  }
0x9a: {  	s4 =	simm.s32 $_size__tile_overlayer_lowered;
	s5 =	simm.s32 $_tile_overlayer_lowered  }
0x9b: {  	s6 =	simm.s32 $0x1BFF;
	s21 =	sshll.u32 s5, $0x1;
	s3 =	sadd.s32 s20, s19  }
0x9c: {  	s22 =	simm.s32 $0x0;
	s4 =	sshll.u32 s4, $0x1;
	s5 =	sadd.s32 s21, s3  }
0x9d: {  	[timem:s22], [sflag:s6] =	dma.local [hbm:s5], s4  }
0x9e: {  	_ =	swait.ge [sflag:s6], s4  }
0x9f: {  	s4 =	ssub.s32 $0x0, s4;
	[sflag:s6] =	ssyncset.done $0x0  }
0xa0: {  	[sflag:s6] =	ssyncadd.s32 s4;
	_ =	sdelay $0x1  }
0xa1: {  	s23 =	simm.s32 $0x1B8B  }
0xa2: {  	_ =	swait.ge [sflag:s23], $0x1  }
0xa3: {  	[sflag:s23] =	ssyncset.done $0x0  }
0xa4: {  	[sflag:s23] =	ssyncadd.s32 $0xFFFFFFFF  }
0xa5: {  	s4 =	sld [smem:$0x0]  }
0xa6: {  	s5 =	sand.u32 $0xFFFFFFFE, s1  }
0xa7: {  	p0 =	sne.s32 s1, s5  }
0xa8: {  	s5 =	sshll.u32 @p0 s5, $0xE  }
0xa9: {  	s5 =	sadd.s32 @p0 $0x11B8D, s5;
	s6 =	sshll.u32 @p0 s4, $0x11  }
0xaa: {  	s5 =	sor.u32 @p0 s6, s5  }
0xab: {  	[sflag:s5] =	ssyncadd.remote.s32 @p0 $0x1;
	_ =	sdelay $0x1  }
0xac: {  	s5 =	simm.s32 @p0 $0x1B8D  }
0xad: {  	_ =	swait.eq @p0 [sflag:s5], $0x1  }
0xae: {  	[sflag:s5] =	ssyncadd.s32 @p0 $0xFFFFFFFF  }
0xaf: {  	s6 =	sshll.u32 @!p0 s1, $0xE  }
0xb0: {  	s6 =	sor.u32 @!p0 $0x4000, s6;
	s5 =	simm.s32 @!p0 $0x1B8D  }
0xb1: {  	s4 =	sshll.u32 @!p0 s4, $0x11;
	s6 =	sadd.s32 @!p0 $0x11B8D, s6;
	_ =	swait.eq @!p0 [sflag:s5], $0x1  }
0xb2: {  	s4 =	sor.u32 @!p0 s4, s6;
	[sflag:s5] =	ssyncadd.s32 @!p0 $0xFFFFFFFF  }
0xb3: {  	s25 =	simm.s32 $0x1B8E;
	s24 =	sld [smem:$0x3FFE];
	[sflag:s4] =	ssyncadd.remote.s32 @!p0 $0x1  }
0xb4: {  	s26 =	simm.s32 $execute0_lowered;
	[smem:$0x3FD2] =	sst s25  }
0xb5: {  	s5 =	sshll.u32 s26, $0x1;
	_ =	strace $0x8000004F;
	[dreg:$0x1] =	wrdreg $0xFFFFFFFF  }
0xb6: {  	s28 =	simm.s32 $_size_execute0_lowered;
	s3 =	sadd.s32 s3, s5;
	[dreg:$0x0] =	wrdreg $0x0  }
0xb7: {  	s5 =	sshll.u32 s28, $0x1;
	[dreg:$0x2] =	wrdreg s3  }
0xb8: {  	[dreg:$0x3] =	wrdreg s5  }
0xb9: {  	[dreg:$0x4] =	wrdreg $0xC0  }
0xba: {  	_ =	task [dreg:s22], $0x5FFFF  }
0xbb: {  	[dreg:$0x1] =	wrdreg $0xFFFFFFFF  }
0xbc: {  	[dreg:$0x0] =	wrdreg $0x60  }
0xbd: {  	[dreg:$0x2] =	wrdreg s24  }
0xbe: {  	[dreg:$0x3] =	wrdreg $0x98580  }
0xbf: {  	[dreg:$0x4] =	wrdreg $0xA  }
0xc0: {  	_ =	task.clear_ibuf [dreg:s22], $0x5FFFF;
	_ =	strace $0x9000004F  }
0xc1: {  	s29 =	simm.s32 $0xA;
	_ =	strace $0x80000051  }
0xc2: {  	_ =	swait.ge [sflag:s29], $0x1  }
0xc3: {  	[sflag:s29] =	ssyncadd.s32 $0xFFFFFFFF  }
0xc4: {  	_ =	strace $0x90000051  }
0xc5: {  	_ =	sfence  }
0xc6: {  	s30 =	sld [smem:$0x0];
	_ =	sdelay $0x2  }
0xc7: {  	s31 =	sshll.u32 s1, $0xD;
	s1 =	sshrl.u32 s1, $0x2  }
0xc8: {  	s4 =	sand.u32 $0x4000, s31;
	s1 =	sadd.s32 s1, s30  }
0xc9: {  	s0 =	sor.u32 s4, s0;
	s1 =	sshll.u32 s1, $0x11  }
0xca: {  	s0 =	sor.u32 s1, s0  }
0xcb: {  	s0 =	sadd.s32 $0x8F2B, s0  }
0xcc: {  	[sflag:s0] =	ssyncadd.remote.s32 $0x1  }
0xcd: {  	_ =	sfence.sel $0xFFFF  }
0xce: {  	[dreg:$0x0] =	wrdreg $0xFFFFFFFF;
	(pc) =	sbr.abs _section_cstart, $3  }
0xcf: {  	[dreg:$0x1] =	wrdreg $0xFFFFFFFF  }
0xd0: {  	_ =	task.clear_ibuf [dreg:s22], $0x2FFFF;
	_ =	strace $0x9FFFFFFF  }
0xd1: {  	(tm) =	ssettm $0x7FFFFFFF  }
tec
execute0_lowered:
.L_overlay_start_1:
0x0: {  	(tag) =	ssettag $0x1  }
0x1: {  	s10 =	rddreg [dreg:$0x0]  }
0x2: {  	s1 =	rddreg [dreg:$0x1]  }
0x3: {  	s0 =	rddreg [dreg:$0x2];
	s2 =	simm.s32 $0x0;
	s3 =	srdreg.scid  }
0x4: {  	s18 =	stileid.u32;
	s15 =	simm.s32 $0x183208;
	s16 =	simm.s32 $0x80  }
0x5: {  	s17 =	simm.s32 $0x258;
	s20 =	simm.s32 $0x8;
	s21 =	simm.s32 $0x1C41  }
0x6: {  	s22 =	simm.s32 $0x1C01;
	[smem:$0x7FF] =	sst s2;
	s4 =	sand.u32 $0x1, s3  }
0x7: {  	s9 =	sadd.s32 $0x6000, s10;
	s3 =	sadd.s32 $0x4AA00, s10;
	s6 =	sshll.u32 s18, $0x1  }
0x8: {  	s7 =	sshrl.u32 s18, $0x3;
	s19 =	sadd.s32 $0x4E200, s1;
	p1 =	seq.s32 s18, $0x1  }
0x9: {  	_ =	strace $0x80000050;
	s5 =	smul.u32 $0x13880, s4;
	s6 =	sand.u32 $0xE, s6  }
0xa: {  	s8 =	ssub.s32 $0x2, s4;
	s26 =	smul.u32 $0x13880, s7;
	s7 =	sand.u32 $0x1, s7  }
0xb: {  	s11 =	sor.u32 s4, s6;
	s28 =	sshrl.u32 s8, $0x1;
	p0 =	seq.s32 s7, $0x1  }
0xc: {  	s5 =	sadd.s32 s5, s10;
	s12 =	smul.u32 $0x708, s11;
	s6 =	ssub.s32 s8, s28  }
0xd: {  	s13 =	sadd.s32 $0x33900, s26;
	s11 =	smul.u32 $0x7080, s11;
	s15 =	simm.s32 @!p0 $0x183200  }
0xe: {  	p0 =	sne.s32 s18, $0x0;
	s18 =	sshrl.u32 s19, $0x3;
	s19 =	simm.s32 $0x10  }
0xf: {  	s4 =	sadd.s32 $0x5E408, s5;
	s5 =	sadd.s32 $0x5E400, s5;
	s6 =	smax.u32 s6, $0x1  }
0x10: {  	s31 =	sadd.s32 s15, s10;
	s15 =	simm.s32 $0x40;
	s29 =	sadd.s32 s12, s13  }
0x11: {  	s14 =	sadd.s32 $0x258, s12;
	s12 =	sadd.s32 $0x4B0, s12;
	s10 =	sadd.s32 s11, s31  }
.Ltmp0:
0x12: {  	s7 =	sshrl.u32 s29, $0x3;
	s30 =	sadd.s32 s14, s13;
	(pc) =	sbr.rel .LBB2_1-.Ltmp0, $4  }
0x13: {  	s13 =	sadd.s32 s12, s13;
	s14 =	sshll.u32 s14, $0x4;
	s12 =	sshll.u32 s12, $0x4  }
0x14: {  	s7 =	sadd.s32 s9, s7;
	s8 =	sshrl.u32 s30, $0x3;
	s13 =	sshrl.u32 s13, $0x3  }
0x15: {  	s11 =	sadd.s32 s14, s31;
	s12 =	sadd.s32 s12, s31;
	s14 =	simm.s32 $0x1  }
0x16: {  	s8 =	sadd.s32 s9, s8;
	s9 =	sadd.s32 s9, s13;
	s13 =	sshrl.u32 @!p0 s1, $0x3  }
.LBB2_4:
0x17: {  	[hbm:s4@s19], [sflag:s21] =	dma.strided [spmem:s18@s20], $0x9C40, s14, $0x8   }
.LBB2_5:
0x18: {  	_ =	swait.ge [sflag:s14], $0x9C40  }
0x19: {  	[sflag:s14] =	ssyncset.done $0x0  }
0x1a: {  	[sflag:s14] =	ssyncadd.s32 $0xFFFF63C0  }
.LBB2_6:
0x1b: {  	s6 =	sadd.s32 $0xFFFFFFFF, s6  }
0x1c: {  	p2 =	sne.s32 s6, $0x0  }
.Ltmp1:
0x1d: {  	_ = 	snop;
	(pc) =	sbr.rel @!p2 .LBB2_7-.Ltmp1, $1  }
0x1e: {  	_ =	sdelay $0x3  }
.LBB2_1:
0x1f: {  	s23 =	simm.s32 @!p0 $0x1C01  }
0x20: {  	[spmem:s13], [sflag:s23] =	dma.local @!p0 [hbm:s3], $0x13880  }
0x21: {  	s23 =	simm.s32 @!p0 $0x1  }
0x22: {  	_ =	swait.ge @!p0 [sflag:s23], $0x13880  }
0x23: {  	[sflag:s23] =	ssyncset.done @!p0 $0x0  }
0x24: {  	[sflag:s23] =	ssyncadd.s32 @!p0 $0xFFFEC780  }
0x25: {  	[bflag:$0x0] =	sbarrier.arrive $0xFFFF  }
0x26: {  	[tilespmem:s2], [sflag:$0x1] =	stream.linear.gather [hbm4b:s7+s2], $0x258, $0x38;
	[tilespmem:$0x13498] =	vst v63  }
0x27: {  	_ =	swait.ge [sflag:s14], $0x258  }
0x28: {  	[sflag:s14] =	ssyncset.done $0x0  }
0x29: {  	[sflag:s14] =	ssyncadd.s32 $0xFFFFFDA8  }
0x2a: {  	[tilespmem:s17], [sflag:$0x1] =	stream.strided.gather [hbm4b:s10+s15], $0x9600, s16, s15, $0x38;
	[tilespmem:$0x13498] =	vst v63  }
0x2b: {  	_ =	swait.ge [sflag:s14], $0x9600  }
0x2c: {  	[sflag:s14] =	ssyncset.done $0x0  }
0x2d: {  	[sflag:s14] =	ssyncadd.s32 $0xFFFF6A00  }
0x2e: {  	[spmem:s1] =	stream.indirect.scatter.add.f32 [tilespmem:s17], [sflag:$0x1], $0x40, s2, s17, $0xb8;
	[tilespmem:$0x13498] =	vst v63  }
0x2f: {  	_ =	swait.ge [sflag:s14], $0x9600  }
0x30: {  	[sflag:s14] =	ssyncset.done $0x0  }
0x31: {  	[sflag:s14] =	ssyncadd.s32 $0xFFFF6A00  }
0x32: {  	[tilespmem:s2], [sflag:$0x1] =	stream.linear.gather [hbm4b:s8+s2], $0x258, $0x38;
	[tilespmem:$0x13498] =	vst v63  }
0x33: {  	_ =	swait.ge [sflag:s14], $0x258  }
0x34: {  	[sflag:s14] =	ssyncset.done $0x0  }
0x35: {  	[sflag:s14] =	ssyncadd.s32 $0xFFFFFDA8  }
0x36: {  	[tilespmem:s17], [sflag:$0x1] =	stream.strided.gather [hbm4b:s11+s15], $0x9600, s16, s15, $0x38;
	[tilespmem:$0x13498] =	vst v63  }
0x37: {  	_ =	swait.ge [sflag:s14], $0x9600  }
0x38: {  	[sflag:s14] =	ssyncset.done $0x0  }
0x39: {  	[sflag:s14] =	ssyncadd.s32 $0xFFFF6A00  }
0x3a: {  	[spmem:s1] =	stream.indirect.scatter.add.f32 [tilespmem:s17], [sflag:$0x1], $0x40, s2, s17, $0xb8;
	[tilespmem:$0x13498] =	vst v63  }
0x3b: {  	_ =	swait.ge [sflag:s14], $0x9600  }
0x3c: {  	[sflag:s14] =	ssyncset.done $0x0  }
0x3d: {  	[sflag:s14] =	ssyncadd.s32 $0xFFFF6A00  }
0x3e: {  	[tilespmem:s2], [sflag:$0x1] =	stream.linear.gather [hbm4b:s9+s2], $0x258, $0x38;
	[tilespmem:$0x13498] =	vst v63  }
0x3f: {  	_ =	swait.ge [sflag:s14], $0x258  }
0x40: {  	[sflag:s14] =	ssyncset.done $0x0  }
0x41: {  	[sflag:s14] =	ssyncadd.s32 $0xFFFFFDA8  }
0x42: {  	[tilespmem:s17], [sflag:$0x1] =	stream.strided.gather [hbm4b:s12+s15], $0x9600, s16, s15, $0x38;
	[tilespmem:$0x13498] =	vst v63  }
0x43: {  	_ =	swait.ge [sflag:s14], $0x9600  }
0x44: {  	[sflag:s14] =	ssyncset.done $0x0  }
0x45: {  	[sflag:s14] =	ssyncadd.s32 $0xFFFF6A00  }
0x46: {  	[spmem:s1] =	stream.indirect.scatter.add.f32 [tilespmem:s17], [sflag:$0x1], $0x40, s2, s17, $0xb8;
	[tilespmem:$0x13498] =	vst v63  }
.Ltmp2:
0x47: {  	_ =	swait.ge [sflag:s14], $0x9600;
	(pc) =	sbr.rel @p1 .LBB2_4-.Ltmp2, $3  }
0x48: {  	[sflag:s14] =	ssyncset.done $0x0  }
0x49: {  	[sflag:s14] =	ssyncadd.s32 $0xFFFF6A00  }
0x4a: {  	[bflag:$0x0] =	sbarrier.arrive $0xFFFF;
	_ =	sdelay $0x1  }
.Ltmp3:
0x4b: {  	(pc) =	sbr.rel @p0 .LBB2_6-.Ltmp3, $1  }
0x4c: {  	_ =	sdelay $0x3  }
.Ltmp4:
0x4d: {  	(pc) =	sbr.rel .LBB2_5-.Ltmp4, $3  }
0x4e: {  	_ =	sdelay $0x1  }
0x4f: {  	s23 =	sshrl.u32 s1, $0x3  }
0x50: {  	[hbm:s5@s19], [sflag:s22] =	dma.strided [spmem:s23@s20], $0x9C40, s14, $0x8   }
.LBB2_7:
0x51: {  	_ =	sfence.sel $0x180000  }
0x52: {  	[bflag:$0x0] =	sbarrier.arrive $0xFFFF  }
0x53: {  	_ =	strace $0x90000050  }
0x54: {  	s0 =	sadd.s32 @!p0 $0x100000, s0;
	[bflag:$0x2] =	sbarrier.arrive $0xFFFF  }
0x55: {  	[sflag:s0] =	ssyncadd.tile.s32 @!p0 $0x1;
	_ =	shalt  }
.Lfunc_end2:
_tile_overlayer_lowered:
.L_overlay_start_2:
0x56: {  	(tag) =	ssettag $0x2  }
0x57: {  	s0 =	rddreg [dreg:$0x0];
	s2 =	stileid.u32  }
0x58: {  	s1 =	rddreg [dreg:$0x1];
	p0 =	sne.s32 s2, $0x0  }
0x59: {  	s3 =	rddreg [dreg:$0x2];
	[bflag:$0x3] =	sbarrier.arrive $0xFFFF;
	s2 =	simm.s32 @!p0 $0x1C01  }
0x5a: {  	[timem:s3], [sflag:s2] =	dma.local @!p0 [hbm:s0], s1  }
0x5b: {  	s0 =	simm.s32 @!p0 $0x1  }
0x5c: {  	_ =	swait.ge @!p0 [sflag:s0], s1  }
0x5d: {  	s1 =	ssub.s32 @!p0 $0x0, s1;
	[sflag:s0] =	ssyncset.done @!p0 $0x0  }
0x5e: {  	[sflag:s0] =	ssyncadd.s32 @!p0 s1  }
0x5f: {  	[bflag:$0x3] =	sbarrier.arrive $0xFFFF  }
0x60: {  	_ =	shalt  }

</sc_bundles>
